<compile_context>
chip_gen: v7x
topology: tpu7x:2x2x1
jax: 0.10.2.dev20260603
libtpu: 0.0.44.dev20260713+nightly
codegen_flags: <defaults>
</compile_context>

<pallas_src>
import jax
import jax.numpy as jnp
from jax import lax
from jax.experimental import pallas as pl
from jax.experimental.pallas import tpu as pltpu
from jax.experimental.pallas import tpu_sc as plsc

_T = 8192
_TH = _T // 2
_D = 2048
_E = 8
_BT = 512
_BR = 512
_SH = 2 * _TH + _E * _BR
_NBLKH = _SH // _BR
_LANES = 128
_NEG = -1e30
_NW = 32
_TPWH = _TH // _NW
_CS = 64
_CG = 32


def _bf16_bits(v):
    ai = lax.bitcast_convert_type(v, jnp.int32)
    rb = lax.shift_right_logical(ai, 16) & 1
    return lax.shift_right_logical(ai + 0x7FFF + rb, 16) & 0xFFFF


def _pack_halves(v):
    h = v.shape[1] // 2
    lo = _bf16_bits(v[:, :h])
    hi = _bf16_bits(v[:, h:])
    return lo | lax.shift_left(hi, 16)


def _unpack_halves(pk):
    lo = lax.bitcast_convert_type(lax.shift_left(pk, 16), jnp.float32)
    hi = lax.bitcast_convert_type(pk & jnp.int32(-65536), jnp.float32)
    return jnp.concatenate([lo, hi], axis=1)


def _route_body(x_ref, gw_ref, gb_ref, sc_ref, wts_ref, em_ref, rk_ref,
                cnt_ref, xpk_ref, carry_ref):
    i = pl.program_id(0)
    nh = _TH // _BT

    @pl.when(i % nh == 0)
    def _():
        carry_ref[...] = jnp.zeros_like(carry_ref)

    xv = x_ref[...]
    xpk_ref[...] = _pack_halves(xv)
    logits = jnp.dot(xv, gw_ref[...],
                     preferred_element_type=jnp.float32) + gb_ref[...]
    m = jnp.max(logits, axis=1, keepdims=True)
    p = jnp.exp(logits - m)
    scores = p / jnp.sum(p, axis=1, keepdims=True)
    sc_ref[...] = scores
    lane = lax.broadcasted_iota(jnp.int32, scores.shape, 1)
    m1 = jnp.max(scores, axis=1, keepdims=True)
    e0 = jnp.min(jnp.where(scores == m1, lane, _LANES), axis=1, keepdims=True)
    sc2 = jnp.where(lane == e0, -1.0, scores)
    m2 = jnp.max(sc2, axis=1, keepdims=True)
    e1 = jnp.min(jnp.where(sc2 == m2, lane, _LANES), axis=1, keepdims=True)
    wts_ref[...] = jnp.where(lane == 0, m1, jnp.where(lane == 1, m2, 0.0))
    em_ref[...] = jnp.where(lane == 0, e0, jnp.where(lane == 1, e1, 0))

    oh0 = (lane == e0).astype(jnp.float32)
    oh1 = (lane == e1).astype(jnp.float32)
    hist = oh0 + oh1
    r_i = lax.broadcasted_iota(jnp.int32, (_BT, _BT), 0)
    c_i = lax.broadcasted_iota(jnp.int32, (_BT, _BT), 1)
    tril = (c_i < r_i).astype(jnp.float32)
    excl = jnp.dot(tril, hist, preferred_element_type=jnp.float32)
    excl = excl + carry_ref[...]
    rank0 = jnp.sum(oh0 * excl, axis=1, keepdims=True)
    rank1 = jnp.sum(oh1 * excl, axis=1, keepdims=True)
    rk_ref[...] = jnp.where(lane == 0, rank0,
                            jnp.where(lane == 1, rank1, 0.0)).astype(jnp.int32)
    carry_ref[...] = carry_ref[...] + jnp.sum(hist, axis=0, keepdims=True)

    @pl.when(i % nh == nh - 1)
    def _():
        cnt_ref[...] = carry_ref[...].astype(jnp.int32).reshape(1, 1, _LANES)


def _pos_body(cnt_ref, em_ref, rk_ref, posm_ref, be_ref):
    cnt = cnt_ref[...].reshape(1, _LANES).astype(jnp.float32)
    cb = jnp.ceil(cnt / _BR) * _BR
    r_i = lax.broadcasted_iota(jnp.int32, (_LANES, _LANES), 0)
    c_i = lax.broadcasted_iota(jnp.int32, (_LANES, _LANES), 1)
    strict = (r_i < c_i).astype(jnp.float32)
    ab = jnp.dot(cb, strict, preferred_element_type=jnp.float32)

    em = em_ref[...]
    rk = rk_ref[...]
    lane = lax.broadcasted_iota(jnp.int32, em.shape, 1)
    e0 = em[:, 0:1]
    e1 = em[:, 1:2]
    p0 = jnp.sum(jnp.where(lane == e0, ab, 0.0), axis=1,
                 keepdims=True).astype(jnp.int32) + rk[:, 0:1]
    p1 = jnp.sum(jnp.where(lane == e1, ab, 0.0), axis=1,
                 keepdims=True).astype(jnp.int32) + rk[:, 1:2]
    pm = jnp.where(lane == 0, p0, jnp.where(lane == 1, p1, 0))
    posm_ref[...] = jnp.transpose(pm)[0:8, :]

    bl = lax.broadcasted_iota(
        jnp.int32, (1, 2 * _LANES), 1).astype(jnp.float32) * _BR
    acc = jnp.full((1, 2 * _LANES), -1, jnp.int32)
    lane1 = lax.broadcasted_iota(jnp.int32, (1, _LANES), 1)
    for e in range(_E):
        ab_e = jnp.sum(jnp.where(lane1 == e, ab, 0.0))
        acc = acc + (bl >= ab_e).astype(jnp.int32)
    be_ref[...] = acc.reshape(1, 1, 2 * _LANES)


def _group_mm_body(be_ref, x_ref, w_ref, o_ref):
    del be_ref
    xb = _unpack_halves(x_ref[...]).astype(jnp.bfloat16)
    acc = jnp.dot(xb, w_ref[0, :, :], preferred_element_type=jnp.float32)
    o_ref[...] = _pack_halves(acc)


def _combine_body(y0_ref, y1_ref, wts_ref, sc_ref, bp_ref, o_ref):
    wts = wts_ref[...]
    acc = jnp.dot(sc_ref[...], bp_ref[...], preferred_element_type=jnp.float32)
    acc = acc + _unpack_halves(y0_ref[...]) * wts[:, 0:1]
    acc = acc + _unpack_halves(y1_ref[...]) * wts[:, 1:2]
    o_ref[...] = acc


def _combine_body_b(prev_ref, y0_ref, y1_ref, wts_ref, sc_ref, bp_ref, o_ref):
    del prev_ref
    _combine_body(y0_ref, y1_ref, wts_ref, sc_ref, bp_ref, o_ref)


def _make_sc_scatter(tok_off):
    def body(x_hbm, pos0_hbm, pos1_hbm, xs_hbm, rows, idx0, idx1, sem0, sem1):
        wid = lax.axis_index("s") * 2 + lax.axis_index("c")
        base = tok_off + wid * _TPWH

        def step(j, carry):
            b = base + j * _CS
            pltpu.sync_copy(pos0_hbm.at[pl.ds(b, _CS)], idx0)
            pltpu.sync_copy(pos1_hbm.at[pl.ds(b, _CS)], idx1)
            pltpu.sync_copy(x_hbm.at[pl.ds(b, _CS)], rows)
            c0 = pltpu.async_copy(rows, xs_hbm.at[idx0], sem0)
            c1 = pltpu.async_copy(rows, xs_hbm.at[idx1], sem1)
            c0.wait()
            c1.wait()
            return carry

        lax.fori_loop(0, _TPWH // _CS, step, 0)

    return body


def _make_sc_gather(tok_off):
    def body(ys_hbm, pos0_hbm, pos1_hbm, y_hbm, rows0, rows1, idx0, idx1,
             sem0, sem1):
        wid = lax.axis_index("s") * 2 + lax.axis_index("c")
        base = wid * _TPWH

        def step(j, carry):
            b = base + j * _CG
            pltpu.sync_copy(pos0_hbm.at[pl.ds(tok_off + b, _CG)], idx0)
            pltpu.sync_copy(pos1_hbm.at[pl.ds(tok_off + b, _CG)], idx1)
            c0 = pltpu.async_copy(ys_hbm.at[idx0], rows0, sem0)
            c1 = pltpu.async_copy(ys_hbm.at[idx1], rows1, sem1)
            c0.wait()
            c1.wait()
            pltpu.sync_copy(rows0, y_hbm.at[pl.ds(b, _CG)])
            pltpu.sync_copy(rows1, y_hbm.at[pl.ds(_TH + b, _CG)])
            return carry

        lax.fori_loop(0, _TPWH // _CG, step, 0)

    return body


def _sc_mesh():
    return plsc.VectorSubcoreMesh(core_axis_name="c", subcore_axis_name="s")


def _dispatch_scatter(xpk, pos0, pos1, tok_off):
    return pl.kernel(
        _make_sc_scatter(tok_off),
        mesh=_sc_mesh(),
        out_type=jax.ShapeDtypeStruct((_SH, _D // 2), jnp.int32),
        scratch_types=[
            pltpu.VMEM((_CS, _D // 2), jnp.int32),
            pltpu.VMEM((_CS,), jnp.int32),
            pltpu.VMEM((_CS,), jnp.int32),
            pltpu.SemaphoreType.DMA,
            pltpu.SemaphoreType.DMA,
        ],
    )(xpk, pos0, pos1)


def _gather_back(ys, pos0, pos1, tok_off):
    return pl.kernel(
        _make_sc_gather(tok_off),
        mesh=_sc_mesh(),
        out_type=jax.ShapeDtypeStruct((2 * _TH, _D // 2), jnp.int32),
        scratch_types=[
            pltpu.VMEM((_CG, _D // 2), jnp.int32),
            pltpu.VMEM((_CG, _D // 2), jnp.int32),
            pltpu.VMEM((_CG,), jnp.int32),
            pltpu.VMEM((_CG,), jnp.int32),
            pltpu.SemaphoreType.DMA,
            pltpu.SemaphoreType.DMA,
        ],
    )(ys, pos0, pos1)


def _group_mm(be_h, xs, w_bf):
    grid_spec = pltpu.PrefetchScalarGridSpec(
        num_scalar_prefetch=1,
        grid=(_NBLKH,),
        in_specs=[
            pl.BlockSpec((_BR, _D // 2), lambda nb, be_r: (nb, 0)),
            pl.BlockSpec((1, _D, _D), lambda nb, be_r: (be_r[0, nb], 0, 0)),
        ],
        out_specs=pl.BlockSpec((_BR, _D // 2), lambda nb, be_r: (nb, 0)),
    )
    return pl.pallas_call(
        _group_mm_body,
        grid_spec=grid_spec,
        out_shape=jax.ShapeDtypeStruct((_SH, _D // 2), jnp.int32),
    )(be_h, xs, w_bf)


def kernel(x, gate_W, gate_b, expert_W, expert_b):
    n_tb = _T // _BT
    nh = _TH // _BT
    gw_pad = jnp.zeros((_D, _LANES), jnp.float32).at[:, :_E].set(gate_W)
    gb_pad = jnp.full((1, _LANES), _NEG, jnp.float32).at[0, :_E].set(gate_b)
    bp = jnp.zeros((_LANES, _D), jnp.float32).at[:_E].set(expert_b)
    w_bf = expert_W.astype(jnp.bfloat16)

    sc, wts, em, rk, cnt, xpk = pl.pallas_call(
        _route_body,
        grid=(n_tb,),
        in_specs=[
            pl.BlockSpec((_BT, _D), lambda i: (i, 0)),
            pl.BlockSpec((_D, _LANES), lambda i: (0, 0)),
            pl.BlockSpec((1, _LANES), lambda i: (0, 0)),
        ],
        out_specs=[
            pl.BlockSpec((_BT, _LANES), lambda i: (i, 0)),
            pl.BlockSpec((_BT, _LANES), lambda i: (i, 0)),
            pl.BlockSpec((_BT, _LANES), lambda i: (i, 0)),
            pl.BlockSpec((_BT, _LANES), lambda i: (i, 0)),
            pl.BlockSpec((1, 1, _LANES), lambda i: (i // (_TH // _BT), 0, 0)),
            pl.BlockSpec((_BT, _D // 2), lambda i: (i, 0)),
        ],
        out_shape=[
            jax.ShapeDtypeStruct((_T, _LANES), jnp.float32),
            jax.ShapeDtypeStruct((_T, _LANES), jnp.float32),
            jax.ShapeDtypeStruct((_T, _LANES), jnp.int32),
            jax.ShapeDtypeStruct((_T, _LANES), jnp.int32),
            jax.ShapeDtypeStruct((2, 1, _LANES), jnp.int32),
            jax.ShapeDtypeStruct((_T, _D // 2), jnp.int32),
        ],
        scratch_shapes=[pltpu.VMEM((1, _LANES), jnp.float32)],
    )(x, gw_pad, gb_pad)

    posm, be = pl.pallas_call(
        _pos_body,
        grid=(n_tb,),
        in_specs=[
            pl.BlockSpec((1, 1, _LANES), lambda i: (i // (_TH // _BT), 0, 0)),
            pl.BlockSpec((_BT, _LANES), lambda i: (i, 0)),
            pl.BlockSpec((_BT, _LANES), lambda i: (i, 0)),
        ],
        out_specs=[
            pl.BlockSpec((8, _BT), lambda i: (0, i)),
            pl.BlockSpec((1, 1, 2 * _LANES),
                         lambda i: (i // (_TH // _BT), 0, 0)),
        ],
        out_shape=[
            jax.ShapeDtypeStruct((8, _T), jnp.int32),
            jax.ShapeDtypeStruct((2, 1, 2 * _LANES), jnp.int32),
        ],
    )(cnt, em, rk)

    pos0 = posm[0]
    pos1 = posm[1]

    xs_a = _dispatch_scatter(xpk, pos0, pos1, 0)
    xs_b = _dispatch_scatter(xpk, pos0, pos1, _TH)

    ys_a = _group_mm(be[0], xs_a, w_bf)
    ys_b = _group_mm(be[1], xs_b, w_bf)

    y_a = _gather_back(ys_a, pos0, pos1, 0)
    y_b = _gather_back(ys_b, pos0, pos1, _TH)

    out_a = pl.pallas_call(
        _combine_body,
        grid=(nh,),
        in_specs=[
            pl.BlockSpec((_BT, _D // 2), lambda i: (i, 0)),
            pl.BlockSpec((_BT, _D // 2), lambda i: (i + nh, 0)),
            pl.BlockSpec((_BT, _LANES), lambda i: (i, 0)),
            pl.BlockSpec((_BT, _LANES), lambda i: (i, 0)),
            pl.BlockSpec((_LANES, _D), lambda i: (0, 0)),
        ],
        out_specs=pl.BlockSpec((_BT, _D), lambda i: (i, 0)),
        out_shape=jax.ShapeDtypeStruct((_T, _D), jnp.float32),
    )(y_a, y_a, wts, sc, bp)

    out = pl.pallas_call(
        _combine_body_b,
        grid=(nh,),
        in_specs=[
            pl.BlockSpec(memory_space=pl.ANY),
            pl.BlockSpec((_BT, _D // 2), lambda i: (i, 0)),
            pl.BlockSpec((_BT, _D // 2), lambda i: (i + nh, 0)),
            pl.BlockSpec((_BT, _LANES), lambda i: (i + nh, 0)),
            pl.BlockSpec((_BT, _LANES), lambda i: (i + nh, 0)),
            pl.BlockSpec((_LANES, _D), lambda i: (0, 0)),
        ],
        out_specs=pl.BlockSpec((_BT, _D), lambda i: (i + nh, 0)),
        out_shape=jax.ShapeDtypeStruct((_T, _D), jnp.float32),
        input_output_aliases={0: 0},
    )(out_a, y_b, y_b, wts, sc, bp)
    return out

# --- scband reference (transcript-rebuilt; emitter-appended) ---
"""Pipeline reference for scband-mixture-of-experts-63479616635182 (READ-ONLY COPY).

The authoritative reference and input builder live on the scoring server;
editing this copy changes nothing except your own understanding.
"""

import jax, jax.numpy as jnp
import numpy as np

INPUT_DIM = 2048
OUTPUT_DIM = 2048
NUM_EXPERTS = 8
TOKENS = 8192


def setup_inputs(seed: int = 0) -> dict:
    key = jax.random.key(seed)
    ks = jax.random.split(key, 4)
    x = jax.random.normal(ks[0], (TOKENS, INPUT_DIM), dtype=jnp.float32)
    # gate linear params
    gate_W = jax.random.normal(ks[1], (INPUT_DIM, NUM_EXPERTS), dtype=jnp.float32) * (1.0 / np.sqrt(INPUT_DIM))
    gate_b = jnp.zeros((NUM_EXPERTS,), dtype=jnp.float32)
    # expert linear params, stacked: [E, in, out] and [E, out]
    expert_W = jax.random.normal(ks[2], (NUM_EXPERTS, INPUT_DIM, OUTPUT_DIM), dtype=jnp.float32) * (1.0 / np.sqrt(INPUT_DIM))
    expert_b = jax.random.normal(ks[3], (NUM_EXPERTS, OUTPUT_DIM), dtype=jnp.float32) * 0.01
    return {"x": x, "gate_W": gate_W, "gate_b": gate_b, "expert_W": expert_W, "expert_b": expert_b}


def reference(x, gate_W, gate_b, expert_W, expert_b):
    gate_logits = x @ gate_W + gate_b                      # [T, E]
    gate_scores = jax.nn.softmax(gate_logits, axis=-1)     # [T, E]
    _, top2_idx = jax.lax.top_k(gate_scores, 2)            # [T, 2]
    output = jnp.zeros_like(x)
    for i in range(NUM_EXPERTS):
        expert_mask = jnp.any(top2_idx == i, axis=-1)      # [T]
        expert_input = x * expert_mask[:, None].astype(x.dtype)
        expert_output = expert_input @ expert_W[i] + expert_b[i]
        weights = gate_scores[:, i][:, None]
        output = output + expert_output * weights
    return output

if __name__ == "__main__":
    import jax
    _d = setup_inputs()
    print(jax.jit(kernel)(*tuple(_d.values())))

</pallas_src>

<mosaic_0001>
#map = affine_map<(d0, d1) -> (0, 0)>
#map1 = affine_map<(d0, d1) -> (0)>
module attributes {stable_mosaic.version = 14 : i64} {
  func.func @body(%arg0: i32, %arg1: i32, %arg2: memref<12288x1024xi32, #tpu.memory_space<hbm>>, %arg3: memref<8192xi32, #tpu.memory_space<hbm>>, %arg4: memref<8192xi32, #tpu.memory_space<hbm>>, %arg5: memref<8192x1024xi32, #tpu.memory_space<hbm>>, %arg6: memref<32x1024xi32, #tpu.memory_space<vmem>>, %arg7: memref<32x1024xi32, #tpu.memory_space<vmem>>, %arg8: memref<32xi32, #tpu.memory_space<vmem>>, %arg9: memref<32xi32, #tpu.memory_space<vmem>>, %arg10: memref<!tpu.dma_semaphore, #tpu.memory_space<semaphore_mem>>, %arg11: memref<!tpu.dma_semaphore, #tpu.memory_space<semaphore_mem>>) attributes {dimension_semantics = [#tpu.dimension_semantics<core_parallel>, #tpu.dimension_semantics<subcore_parallel>], iteration_bounds = array<i64: 2, 16>, scalar_prefetch = 0 : i64, scratch_operands = 6 : i64, tpu.core_type = #tpu.core_type<sc_vector_subcore>, window_params = [{transform_indices = #map}, {transform_indices = #map1}, {transform_indices = #map1}, {transform_indices = #map}]} {
    %mul3A = arith.constant 2 : i32
    %mul3A_0 = arith.muli %arg1, %mul3A : i32
    %add3A = arith.addi %mul3A_0, %arg0 : i32
    %mul3A_1 = arith.constant 128 : i32
    %mul3A_2 = arith.muli %add3A, %mul3A_1 : i32
    %scan3A = arith.constant 0 : i32
    %scan3A_3 = arith.constant 0 : i32
    %scan3A_4 = arith.constant 4 : i32
    %scan3A_5 = arith.addi %scan3A_3, %scan3A_4 : i32
    %scan3A_6 = arith.constant 1 : i32
    scf.for %scan3A_8 = %scan3A_3 to %scan3A_5 step %scan3A_6  : i32 {
      %mul3A_9 = arith.constant 32 : i32
      %mul3A_10 = arith.muli %scan3A_8, %mul3A_9 : i32
      %add3A_11 = arith.addi %mul3A_2, %mul3A_10 : i32
      %add3A_12 = arith.constant 0 : i32
      %add3A_13 = arith.addi %add3A_12, %add3A_11 : i32
      "tpu.region"() ({
        %run_scoped3A = tpu.sem_alloc : memref<!tpu.dma_semaphore, #tpu.memory_space<semaphore_mem>>
        %dma_start3A_28 = tpu.memref_slice %arg3[%add3A_13] : memref<8192xi32, #tpu.memory_space<hbm>> -> memref<32xi32, #tpu.memory_space<hbm>>
        %dma_start3A_29 = tpu.memref_slice %arg3[%add3A_13] : memref<8192xi32, #tpu.memory_space<hbm>> -> memref<32xi32, #tpu.memory_space<hbm>>
        tpu.enqueue_dma source(%dma_start3A_29 : memref<32xi32, #tpu.memory_space<hbm>>) target(%arg8 : memref<32xi32, #tpu.memory_space<vmem>>) target_semaphore(%run_scoped3A : memref<!tpu.dma_semaphore, #tpu.memory_space<semaphore_mem>>)
        %dma_wait3A_30 = tpu.memref_slice %arg3[%add3A_13] : memref<8192xi32, #tpu.memory_space<hbm>> -> memref<32xi32, #tpu.memory_space<hbm>>
        %dma_wait3A_31 = tpu.memref_slice %arg3[%add3A_13] : memref<8192xi32, #tpu.memory_space<hbm>> -> memref<32xi32, #tpu.memory_space<hbm>>
        tpu.wait_dma2 semaphore(%run_scoped3A : memref<!tpu.dma_semaphore, #tpu.memory_space<semaphore_mem>>) src(%dma_wait3A_31 : memref<32xi32, #tpu.memory_space<hbm>>) dst(%arg8 : memref<32xi32, #tpu.memory_space<vmem>>)
        tpu.yield
      }) : () -> ()
      %add3A_14 = arith.constant 0 : i32
      %add3A_15 = arith.addi %add3A_14, %add3A_11 : i32
      "tpu.region"() ({
        %run_scoped3A = tpu.sem_alloc : memref<!tpu.dma_semaphore, #tpu.memory_space<semaphore_mem>>
        %dma_start3A_28 = tpu.memref_slice %arg4[%add3A_15] : memref<8192xi32, #tpu.memory_space<hbm>> -> memref<32xi32, #tpu.memory_space<hbm>>
        %dma_start3A_29 = tpu.memref_slice %arg4[%add3A_15] : memref<8192xi32, #tpu.memory_space<hbm>> -> memref<32xi32, #tpu.memory_space<hbm>>
        tpu.enqueue_dma source(%dma_start3A_29 : memref<32xi32, #tpu.memory_space<hbm>>) target(%arg9 : memref<32xi32, #tpu.memory_space<vmem>>) target_semaphore(%run_scoped3A : memref<!tpu.dma_semaphore, #tpu.memory_space<semaphore_mem>>)
        %dma_wait3A_30 = tpu.memref_slice %arg4[%add3A_15] : memref<8192xi32, #tpu.memory_space<hbm>> -> memref<32xi32, #tpu.memory_space<hbm>>
        %dma_wait3A_31 = tpu.memref_slice %arg4[%add3A_15] : memref<8192xi32, #tpu.memory_space<hbm>> -> memref<32xi32, #tpu.memory_space<hbm>>
        tpu.wait_dma2 semaphore(%run_scoped3A : memref<!tpu.dma_semaphore, #tpu.memory_space<semaphore_mem>>) src(%dma_wait3A_31 : memref<32xi32, #tpu.memory_space<hbm>>) dst(%arg9 : memref<32xi32, #tpu.memory_space<vmem>>)
        tpu.yield
      }) : () -> ()
      %dma_start3A = arith.constant 0 : i32
      %dma_start3A_16 = arith.constant 0 : i32
      %dma_start3A_17 = tpu.memref_slice %arg2[%dma_start3A, %dma_start3A_16] : memref<12288x1024xi32, #tpu.memory_space<hbm>> -> memref<12288x1024xi32, #tpu.memory_space<hbm>>
      tpu.enqueue_indirect_dma source(%dma_start3A_17 : memref<12288x1024xi32, #tpu.memory_space<hbm>>) target(%arg6 : memref<32x1024xi32, #tpu.memory_space<vmem>>) offsets(%arg8 : memref<32xi32, #tpu.memory_space<vmem>>) semaphore(%arg10 : memref<!tpu.dma_semaphore, #tpu.memory_space<semaphore_mem>>)
      %dma_start3A_18 = arith.constant 0 : i32
      %dma_start3A_19 = arith.constant 0 : i32
      %dma_start3A_20 = tpu.memref_slice %arg2[%dma_start3A_18, %dma_start3A_19] : memref<12288x1024xi32, #tpu.memory_space<hbm>> -> memref<12288x1024xi32, #tpu.memory_space<hbm>>
      tpu.enqueue_indirect_dma source(%dma_start3A_20 : memref<12288x1024xi32, #tpu.memory_space<hbm>>) target(%arg7 : memref<32x1024xi32, #tpu.memory_space<vmem>>) offsets(%arg9 : memref<32xi32, #tpu.memory_space<vmem>>) semaphore(%arg11 : memref<!tpu.dma_semaphore, #tpu.memory_space<semaphore_mem>>)
      %dma_wait3A = arith.constant 0 : i32
      %dma_wait3A_21 = arith.constant 0 : i32
      %dma_wait3A_22 = tpu.memref_slice %arg2[%dma_wait3A, %dma_wait3A_21] : memref<12288x1024xi32, #tpu.memory_space<hbm>> -> memref<12288x1024xi32, #tpu.memory_space<hbm>>
      tpu.wait_indirect_dma semaphore(%arg10 : memref<!tpu.dma_semaphore, #tpu.memory_space<semaphore_mem>>) src(%dma_wait3A_22 : memref<12288x1024xi32, #tpu.memory_space<hbm>>) dst(%arg6 : memref<32x1024xi32, #tpu.memory_space<vmem>>)
      %dma_wait3A_23 = arith.constant 0 : i32
      %dma_wait3A_24 = arith.constant 0 : i32
      %dma_wait3A_25 = tpu.memref_slice %arg2[%dma_wait3A_23, %dma_wait3A_24] : memref<12288x1024xi32, #tpu.memory_space<hbm>> -> memref<12288x1024xi32, #tpu.memory_space<hbm>>
      tpu.wait_indirect_dma semaphore(%arg11 : memref<!tpu.dma_semaphore, #tpu.memory_space<semaphore_mem>>) src(%dma_wait3A_25 : memref<12288x1024xi32, #tpu.memory_space<hbm>>) dst(%arg7 : memref<32x1024xi32, #tpu.memory_space<vmem>>)
      "tpu.region"() ({
        %run_scoped3A = tpu.sem_alloc : memref<!tpu.dma_semaphore, #tpu.memory_space<semaphore_mem>>
        %dma_start3A_28 = arith.constant 0 : i32
        %dma_start3A_29 = tpu.memref_slice %arg5[%add3A_11, %dma_start3A_28] : memref<8192x1024xi32, #tpu.memory_space<hbm>> -> memref<32x1024xi32, #tpu.memory_space<hbm>>
        %dma_start3A_30 = arith.constant 0 : i32
        %dma_start3A_31 = tpu.memref_slice %arg5[%add3A_11, %dma_start3A_30] : memref<8192x1024xi32, #tpu.memory_space<hbm>> -> memref<32x1024xi32, #tpu.memory_space<hbm>>
        tpu.enqueue_dma source(%arg6 : memref<32x1024xi32, #tpu.memory_space<vmem>>) target(%dma_start3A_31 : memref<32x1024xi32, #tpu.memory_space<hbm>>) target_semaphore(%run_scoped3A : memref<!tpu.dma_semaphore, #tpu.memory_space<semaphore_mem>>)
        %dma_wait3A_32 = arith.constant 0 : i32
        %dma_wait3A_33 = tpu.memref_slice %arg5[%add3A_11, %dma_wait3A_32] : memref<8192x1024xi32, #tpu.memory_space<hbm>> -> memref<32x1024xi32, #tpu.memory_space<hbm>>
        %dma_wait3A_34 = arith.constant 0 : i32
        %dma_wait3A_35 = tpu.memref_slice %arg5[%add3A_11, %dma_wait3A_34] : memref<8192x1024xi32, #tpu.memory_space<hbm>> -> memref<32x1024xi32, #tpu.memory_space<hbm>>
        tpu.wait_dma2 semaphore(%run_scoped3A : memref<!tpu.dma_semaphore, #tpu.memory_space<semaphore_mem>>) src(%arg6 : memref<32x1024xi32, #tpu.memory_space<vmem>>) dst(%dma_wait3A_35 : memref<32x1024xi32, #tpu.memory_space<hbm>>)
        tpu.yield
      }) : () -> ()
      %add3A_26 = arith.constant 4096 : i32
      %add3A_27 = arith.addi %add3A_26, %add3A_11 : i32
      "tpu.region"() ({
        %run_scoped3A = tpu.sem_alloc : memref<!tpu.dma_semaphore, #tpu.memory_space<semaphore_mem>>
        %dma_start3A_28 = arith.constant 0 : i32
        %dma_start3A_29 = tpu.memref_slice %arg5[%add3A_27, %dma_start3A_28] : memref<8192x1024xi32, #tpu.memory_space<hbm>> -> memref<32x1024xi32, #tpu.memory_space<hbm>>
        %dma_start3A_30 = arith.constant 0 : i32
        %dma_start3A_31 = tpu.memref_slice %arg5[%add3A_27, %dma_start3A_30] : memref<8192x1024xi32, #tpu.memory_space<hbm>> -> memref<32x1024xi32, #tpu.memory_space<hbm>>
        tpu.enqueue_dma source(%arg7 : memref<32x1024xi32, #tpu.memory_space<vmem>>) target(%dma_start3A_31 : memref<32x1024xi32, #tpu.memory_space<hbm>>) target_semaphore(%run_scoped3A : memref<!tpu.dma_semaphore, #tpu.memory_space<semaphore_mem>>)
        %dma_wait3A_32 = arith.constant 0 : i32
        %dma_wait3A_33 = tpu.memref_slice %arg5[%add3A_27, %dma_wait3A_32] : memref<8192x1024xi32, #tpu.memory_space<hbm>> -> memref<32x1024xi32, #tpu.memory_space<hbm>>
        %dma_wait3A_34 = arith.constant 0 : i32
        %dma_wait3A_35 = tpu.memref_slice %arg5[%add3A_27, %dma_wait3A_34] : memref<8192x1024xi32, #tpu.memory_space<hbm>> -> memref<32x1024xi32, #tpu.memory_space<hbm>>
        tpu.wait_dma2 semaphore(%run_scoped3A : memref<!tpu.dma_semaphore, #tpu.memory_space<semaphore_mem>>) src(%arg7 : memref<32x1024xi32, #tpu.memory_space<vmem>>) dst(%dma_wait3A_35 : memref<32x1024xi32, #tpu.memory_space<hbm>>)
        tpu.yield
      }) : () -> ()
    }
    %scan3A_7 = arith.constant 4 : i32
    return
  }
}

#map = affine_map<(d0, d1) -> (0, 0)>
#map1 = affine_map<(d0, d1) -> (0)>
module attributes {stable_mosaic.version = 14 : i64} {
  func.func @body(%arg0: i32, %arg1: i32, %arg2: memref<8192x1024xi32, #tpu.memory_space<hbm>>, %arg3: memref<8192xi32, #tpu.memory_space<hbm>>, %arg4: memref<8192xi32, #tpu.memory_space<hbm>>, %arg5: memref<12288x1024xi32, #tpu.memory_space<hbm>>, %arg6: memref<64x1024xi32, #tpu.memory_space<vmem>>, %arg7: memref<64xi32, #tpu.memory_space<vmem>>, %arg8: memref<64xi32, #tpu.memory_space<vmem>>, %arg9: memref<!tpu.dma_semaphore, #tpu.memory_space<semaphore_mem>>, %arg10: memref<!tpu.dma_semaphore, #tpu.memory_space<semaphore_mem>>) attributes {dimension_semantics = [#tpu.dimension_semantics<core_parallel>, #tpu.dimension_semantics<subcore_parallel>], iteration_bounds = array<i64: 2, 16>, scalar_prefetch = 0 : i64, scratch_operands = 5 : i64, tpu.core_type = #tpu.core_type<sc_vector_subcore>, window_params = [{transform_indices = #map}, {transform_indices = #map1}, {transform_indices = #map1}, {transform_indices = #map}]} {
    %mul3A = arith.constant 2 : i32
    %mul3A_0 = arith.muli %arg1, %mul3A : i32
    %add3A = arith.addi %mul3A_0, %arg0 : i32
    %mul3A_1 = arith.constant 128 : i32
    %mul3A_2 = arith.muli %add3A, %mul3A_1 : i32
    %add3A_3 = arith.constant 0 : i32
    %add3A_4 = arith.addi %add3A_3, %mul3A_2 : i32
    %scan3A = arith.constant 0 : i32
    %scan3A_5 = arith.constant 0 : i32
    %scan3A_6 = arith.constant 2 : i32
    %scan3A_7 = arith.addi %scan3A_5, %scan3A_6 : i32
    %scan3A_8 = arith.constant 1 : i32
    scf.for %scan3A_10 = %scan3A_5 to %scan3A_7 step %scan3A_8  : i32 {
      %mul3A_11 = arith.constant 64 : i32
      %mul3A_12 = arith.muli %scan3A_10, %mul3A_11 : i32
      %add3A_13 = arith.addi %add3A_4, %mul3A_12 : i32
      "tpu.region"() ({
        %run_scoped3A = tpu.sem_alloc : memref<!tpu.dma_semaphore, #tpu.memory_space<semaphore_mem>>
        %dma_start3A_24 = tpu.memref_slice %arg3[%add3A_13] : memref<8192xi32, #tpu.memory_space<hbm>> -> memref<64xi32, #tpu.memory_space<hbm>>
        %dma_start3A_25 = tpu.memref_slice %arg3[%add3A_13] : memref<8192xi32, #tpu.memory_space<hbm>> -> memref<64xi32, #tpu.memory_space<hbm>>
        tpu.enqueue_dma source(%dma_start3A_25 : memref<64xi32, #tpu.memory_space<hbm>>) target(%arg7 : memref<64xi32, #tpu.memory_space<vmem>>) target_semaphore(%run_scoped3A : memref<!tpu.dma_semaphore, #tpu.memory_space<semaphore_mem>>)
        %dma_wait3A_26 = tpu.memref_slice %arg3[%add3A_13] : memref<8192xi32, #tpu.memory_space<hbm>> -> memref<64xi32, #tpu.memory_space<hbm>>
        %dma_wait3A_27 = tpu.memref_slice %arg3[%add3A_13] : memref<8192xi32, #tpu.memory_space<hbm>> -> memref<64xi32, #tpu.memory_space<hbm>>
        tpu.wait_dma2 semaphore(%run_scoped3A : memref<!tpu.dma_semaphore, #tpu.memory_space<semaphore_mem>>) src(%dma_wait3A_27 : memref<64xi32, #tpu.memory_space<hbm>>) dst(%arg7 : memref<64xi32, #tpu.memory_space<vmem>>)
        tpu.yield
      }) : () -> ()
      "tpu.region"() ({
        %run_scoped3A = tpu.sem_alloc : memref<!tpu.dma_semaphore, #tpu.memory_space<semaphore_mem>>
        %dma_start3A_24 = tpu.memref_slice %arg4[%add3A_13] : memref<8192xi32, #tpu.memory_space<hbm>> -> memref<64xi32, #tpu.memory_space<hbm>>
        %dma_start3A_25 = tpu.memref_slice %arg4[%add3A_13] : memref<8192xi32, #tpu.memory_space<hbm>> -> memref<64xi32, #tpu.memory_space<hbm>>
        tpu.enqueue_dma source(%dma_start3A_25 : memref<64xi32, #tpu.memory_space<hbm>>) target(%arg8 : memref<64xi32, #tpu.memory_space<vmem>>) target_semaphore(%run_scoped3A : memref<!tpu.dma_semaphore, #tpu.memory_space<semaphore_mem>>)
        %dma_wait3A_26 = tpu.memref_slice %arg4[%add3A_13] : memref<8192xi32, #tpu.memory_space<hbm>> -> memref<64xi32, #tpu.memory_space<hbm>>
        %dma_wait3A_27 = tpu.memref_slice %arg4[%add3A_13] : memref<8192xi32, #tpu.memory_space<hbm>> -> memref<64xi32, #tpu.memory_space<hbm>>
        tpu.wait_dma2 semaphore(%run_scoped3A : memref<!tpu.dma_semaphore, #tpu.memory_space<semaphore_mem>>) src(%dma_wait3A_27 : memref<64xi32, #tpu.memory_space<hbm>>) dst(%arg8 : memref<64xi32, #tpu.memory_space<vmem>>)
        tpu.yield
      }) : () -> ()
      "tpu.region"() ({
        %run_scoped3A = tpu.sem_alloc : memref<!tpu.dma_semaphore, #tpu.memory_space<semaphore_mem>>
        %dma_start3A_24 = arith.constant 0 : i32
        %dma_start3A_25 = tpu.memref_slice %arg2[%add3A_13, %dma_start3A_24] : memref<8192x1024xi32, #tpu.memory_space<hbm>> -> memref<64x1024xi32, #tpu.memory_space<hbm>>
        %dma_start3A_26 = arith.constant 0 : i32
        %dma_start3A_27 = tpu.memref_slice %arg2[%add3A_13, %dma_start3A_26] : memref<8192x1024xi32, #tpu.memory_space<hbm>> -> memref<64x1024xi32, #tpu.memory_space<hbm>>
        tpu.enqueue_dma source(%dma_start3A_27 : memref<64x1024xi32, #tpu.memory_space<hbm>>) target(%arg6 : memref<64x1024xi32, #tpu.memory_space<vmem>>) target_semaphore(%run_scoped3A : memref<!tpu.dma_semaphore, #tpu.memory_space<semaphore_mem>>)
        %dma_wait3A_28 = arith.constant 0 : i32
        %dma_wait3A_29 = tpu.memref_slice %arg2[%add3A_13, %dma_wait3A_28] : memref<8192x1024xi32, #tpu.memory_space<hbm>> -> memref<64x1024xi32, #tpu.memory_space<hbm>>
        %dma_wait3A_30 = arith.constant 0 : i32
        %dma_wait3A_31 = tpu.memref_slice %arg2[%add3A_13, %dma_wait3A_30] : memref<8192x1024xi32, #tpu.memory_space<hbm>> -> memref<64x1024xi32, #tpu.memory_space<hbm>>
        tpu.wait_dma2 semaphore(%run_scoped3A : memref<!tpu.dma_semaphore, #tpu.memory_space<semaphore_mem>>) src(%dma_wait3A_31 : memref<64x1024xi32, #tpu.memory_space<hbm>>) dst(%arg6 : memref<64x1024xi32, #tpu.memory_space<vmem>>)
        tpu.yield
      }) : () -> ()
      %dma_start3A = arith.constant 0 : i32
      %dma_start3A_14 = arith.constant 0 : i32
      %dma_start3A_15 = tpu.memref_slice %arg5[%dma_start3A, %dma_start3A_14] : memref<12288x1024xi32, #tpu.memory_space<hbm>> -> memref<12288x1024xi32, #tpu.memory_space<hbm>>
      tpu.enqueue_indirect_dma source(%arg6 : memref<64x1024xi32, #tpu.memory_space<vmem>>) target(%dma_start3A_15 : memref<12288x1024xi32, #tpu.memory_space<hbm>>) offsets(%arg7 : memref<64xi32, #tpu.memory_space<vmem>>) semaphore(%arg9 : memref<!tpu.dma_semaphore, #tpu.memory_space<semaphore_mem>>)
      %dma_start3A_16 = arith.constant 0 : i32
      %dma_start3A_17 = arith.constant 0 : i32
      %dma_start3A_18 = tpu.memref_slice %arg5[%dma_start3A_16, %dma_start3A_17] : memref<12288x1024xi32, #tpu.memory_space<hbm>> -> memref<12288x1024xi32, #tpu.memory_space<hbm>>
      tpu.enqueue_indirect_dma source(%arg6 : memref<64x1024xi32, #tpu.memory_space<vmem>>) target(%dma_start3A_18 : memref<12288x1024xi32, #tpu.memory_space<hbm>>) offsets(%arg8 : memref<64xi32, #tpu.memory_space<vmem>>) semaphore(%arg10 : memref<!tpu.dma_semaphore, #tpu.memory_space<semaphore_mem>>)
      %dma_wait3A = arith.constant 0 : i32
      %dma_wait3A_19 = arith.constant 0 : i32
      %dma_wait3A_20 = tpu.memref_slice %arg5[%dma_wait3A, %dma_wait3A_19] : memref<12288x1024xi32, #tpu.memory_space<hbm>> -> memref<12288x1024xi32, #tpu.memory_space<hbm>>
      tpu.wait_indirect_dma semaphore(%arg9 : memref<!tpu.dma_semaphore, #tpu.memory_space<semaphore_mem>>) src(%arg6 : memref<64x1024xi32, #tpu.memory_space<vmem>>) dst(%dma_wait3A_20 : memref<12288x1024xi32, #tpu.memory_space<hbm>>)
      %dma_wait3A_21 = arith.constant 0 : i32
      %dma_wait3A_22 = arith.constant 0 : i32
      %dma_wait3A_23 = tpu.memref_slice %arg5[%dma_wait3A_21, %dma_wait3A_22] : memref<12288x1024xi32, #tpu.memory_space<hbm>> -> memref<12288x1024xi32, #tpu.memory_space<hbm>>
      tpu.wait_indirect_dma semaphore(%arg10 : memref<!tpu.dma_semaphore, #tpu.memory_space<semaphore_mem>>) src(%arg6 : memref<64x1024xi32, #tpu.memory_space<vmem>>) dst(%dma_wait3A_23 : memref<12288x1024xi32, #tpu.memory_space<hbm>>)
    }
    %scan3A_9 = arith.constant 2 : i32
    return
  }
}

#map = affine_map<(d0, d1) -> (0, 0)>
#map1 = affine_map<(d0, d1) -> (0)>
module attributes {stable_mosaic.version = 14 : i64} {
  func.func @body(%arg0: i32, %arg1: i32, %arg2: memref<8192x1024xi32, #tpu.memory_space<hbm>>, %arg3: memref<8192xi32, #tpu.memory_space<hbm>>, %arg4: memref<8192xi32, #tpu.memory_space<hbm>>, %arg5: memref<12288x1024xi32, #tpu.memory_space<hbm>>, %arg6: memref<64x1024xi32, #tpu.memory_space<vmem>>, %arg7: memref<64xi32, #tpu.memory_space<vmem>>, %arg8: memref<64xi32, #tpu.memory_space<vmem>>, %arg9: memref<!tpu.dma_semaphore, #tpu.memory_space<semaphore_mem>>, %arg10: memref<!tpu.dma_semaphore, #tpu.memory_space<semaphore_mem>>) attributes {dimension_semantics = [#tpu.dimension_semantics<core_parallel>, #tpu.dimension_semantics<subcore_parallel>], iteration_bounds = array<i64: 2, 16>, scalar_prefetch = 0 : i64, scratch_operands = 5 : i64, tpu.core_type = #tpu.core_type<sc_vector_subcore>, window_params = [{transform_indices = #map}, {transform_indices = #map1}, {transform_indices = #map1}, {transform_indices = #map}]} {
    %mul3A = arith.constant 2 : i32
    %mul3A_0 = arith.muli %arg1, %mul3A : i32
    %add3A = arith.addi %mul3A_0, %arg0 : i32
    %mul3A_1 = arith.constant 128 : i32
    %mul3A_2 = arith.muli %add3A, %mul3A_1 : i32
    %add3A_3 = arith.constant 4096 : i32
    %add3A_4 = arith.addi %add3A_3, %mul3A_2 : i32
    %scan3A = arith.constant 0 : i32
    %scan3A_5 = arith.constant 0 : i32
    %scan3A_6 = arith.constant 2 : i32
    %scan3A_7 = arith.addi %scan3A_5, %scan3A_6 : i32
    %scan3A_8 = arith.constant 1 : i32
    scf.for %scan3A_10 = %scan3A_5 to %scan3A_7 step %scan3A_8  : i32 {
      %mul3A_11 = arith.constant 64 : i32
      %mul3A_12 = arith.muli %scan3A_10, %mul3A_11 : i32
      %add3A_13 = arith.addi %add3A_4, %mul3A_12 : i32
      "tpu.region"() ({
        %run_scoped3A = tpu.sem_alloc : memref<!tpu.dma_semaphore, #tpu.memory_space<semaphore_mem>>
        %dma_start3A_24 = tpu.memref_slice %arg3[%add3A_13] : memref<8192xi32, #tpu.memory_space<hbm>> -> memref<64xi32, #tpu.memory_space<hbm>>
        %dma_start3A_25 = tpu.memref_slice %arg3[%add3A_13] : memref<8192xi32, #tpu.memory_space<hbm>> -> memref<64xi32, #tpu.memory_space<hbm>>
        tpu.enqueue_dma source(%dma_start3A_25 : memref<64xi32, #tpu.memory_space<hbm>>) target(%arg7 : memref<64xi32, #tpu.memory_space<vmem>>) target_semaphore(%run_scoped3A : memref<!tpu.dma_semaphore, #tpu.memory_space<semaphore_mem>>)
        %dma_wait3A_26 = tpu.memref_slice %arg3[%add3A_13] : memref<8192xi32, #tpu.memory_space<hbm>> -> memref<64xi32, #tpu.memory_space<hbm>>
        %dma_wait3A_27 = tpu.memref_slice %arg3[%add3A_13] : memref<8192xi32, #tpu.memory_space<hbm>> -> memref<64xi32, #tpu.memory_space<hbm>>
        tpu.wait_dma2 semaphore(%run_scoped3A : memref<!tpu.dma_semaphore, #tpu.memory_space<semaphore_mem>>) src(%dma_wait3A_27 : memref<64xi32, #tpu.memory_space<hbm>>) dst(%arg7 : memref<64xi32, #tpu.memory_space<vmem>>)
        tpu.yield
      }) : () -> ()
      "tpu.region"() ({
        %run_scoped3A = tpu.sem_alloc : memref<!tpu.dma_semaphore, #tpu.memory_space<semaphore_mem>>
        %dma_start3A_24 = tpu.memref_slice %arg4[%add3A_13] : memref<8192xi32, #tpu.memory_space<hbm>> -> memref<64xi32, #tpu.memory_space<hbm>>
        %dma_start3A_25 = tpu.memref_slice %arg4[%add3A_13] : memref<8192xi32, #tpu.memory_space<hbm>> -> memref<64xi32, #tpu.memory_space<hbm>>
        tpu.enqueue_dma source(%dma_start3A_25 : memref<64xi32, #tpu.memory_space<hbm>>) target(%arg8 : memref<64xi32, #tpu.memory_space<vmem>>) target_semaphore(%run_scoped3A : memref<!tpu.dma_semaphore, #tpu.memory_space<semaphore_mem>>)
        %dma_wait3A_26 = tpu.memref_slice %arg4[%add3A_13] : memref<8192xi32, #tpu.memory_space<hbm>> -> memref<64xi32, #tpu.memory_space<hbm>>
        %dma_wait3A_27 = tpu.memref_slice %arg4[%add3A_13] : memref<8192xi32, #tpu.memory_space<hbm>> -> memref<64xi32, #tpu.memory_space<hbm>>
        tpu.wait_dma2 semaphore(%run_scoped3A : memref<!tpu.dma_semaphore, #tpu.memory_space<semaphore_mem>>) src(%dma_wait3A_27 : memref<64xi32, #tpu.memory_space<hbm>>) dst(%arg8 : memref<64xi32, #tpu.memory_space<vmem>>)
        tpu.yield
      }) : () -> ()
      "tpu.region"() ({
        %run_scoped3A = tpu.sem_alloc : memref<!tpu.dma_semaphore, #tpu.memory_space<semaphore_mem>>
        %dma_start3A_24 = arith.constant 0 : i32
        %dma_start3A_25 = tpu.memref_slice %arg2[%add3A_13, %dma_start3A_24] : memref<8192x1024xi32, #tpu.memory_space<hbm>> -> memref<64x1024xi32, #tpu.memory_space<hbm>>
        %dma_start3A_26 = arith.constant 0 : i32
        %dma_start3A_27 = tpu.memref_slice %arg2[%add3A_13, %dma_start3A_26] : memref<8192x1024xi32, #tpu.memory_space<hbm>> -> memref<64x1024xi32, #tpu.memory_space<hbm>>
        tpu.enqueue_dma source(%dma_start3A_27 : memref<64x1024xi32, #tpu.memory_space<hbm>>) target(%arg6 : memref<64x1024xi32, #tpu.memory_space<vmem>>) target_semaphore(%run_scoped3A : memref<!tpu.dma_semaphore, #tpu.memory_space<semaphore_mem>>)
        %dma_wait3A_28 = arith.constant 0 : i32
        %dma_wait3A_29 = tpu.memref_slice %arg2[%add3A_13, %dma_wait3A_28] : memref<8192x1024xi32, #tpu.memory_space<hbm>> -> memref<64x1024xi32, #tpu.memory_space<hbm>>
        %dma_wait3A_30 = arith.constant 0 : i32
        %dma_wait3A_31 = tpu.memref_slice %arg2[%add3A_13, %dma_wait3A_30] : memref<8192x1024xi32, #tpu.memory_space<hbm>> -> memref<64x1024xi32, #tpu.memory_space<hbm>>
        tpu.wait_dma2 semaphore(%run_scoped3A : memref<!tpu.dma_semaphore, #tpu.memory_space<semaphore_mem>>) src(%dma_wait3A_31 : memref<64x1024xi32, #tpu.memory_space<hbm>>) dst(%arg6 : memref<64x1024xi32, #tpu.memory_space<vmem>>)
        tpu.yield
      }) : () -> ()
      %dma_start3A = arith.constant 0 : i32
      %dma_start3A_14 = arith.constant 0 : i32
      %dma_start3A_15 = tpu.memref_slice %arg5[%dma_start3A, %dma_start3A_14] : memref<12288x1024xi32, #tpu.memory_space<hbm>> -> memref<12288x1024xi32, #tpu.memory_space<hbm>>
      tpu.enqueue_indirect_dma source(%arg6 : memref<64x1024xi32, #tpu.memory_space<vmem>>) target(%dma_start3A_15 : memref<12288x1024xi32, #tpu.memory_space<hbm>>) offsets(%arg7 : memref<64xi32, #tpu.memory_space<vmem>>) semaphore(%arg9 : memref<!tpu.dma_semaphore, #tpu.memory_space<semaphore_mem>>)
      %dma_start3A_16 = arith.constant 0 : i32
      %dma_start3A_17 = arith.constant 0 : i32
      %dma_start3A_18 = tpu.memref_slice %arg5[%dma_start3A_16, %dma_start3A_17] : memref<12288x1024xi32, #tpu.memory_space<hbm>> -> memref<12288x1024xi32, #tpu.memory_space<hbm>>
      tpu.enqueue_indirect_dma source(%arg6 : memref<64x1024xi32, #tpu.memory_space<vmem>>) target(%dma_start3A_18 : memref<12288x1024xi32, #tpu.memory_space<hbm>>) offsets(%arg8 : memref<64xi32, #tpu.memory_space<vmem>>) semaphore(%arg10 : memref<!tpu.dma_semaphore, #tpu.memory_space<semaphore_mem>>)
      %dma_wait3A = arith.constant 0 : i32
      %dma_wait3A_19 = arith.constant 0 : i32
      %dma_wait3A_20 = tpu.memref_slice %arg5[%dma_wait3A, %dma_wait3A_19] : memref<12288x1024xi32, #tpu.memory_space<hbm>> -> memref<12288x1024xi32, #tpu.memory_space<hbm>>
      tpu.wait_indirect_dma semaphore(%arg9 : memref<!tpu.dma_semaphore, #tpu.memory_space<semaphore_mem>>) src(%arg6 : memref<64x1024xi32, #tpu.memory_space<vmem>>) dst(%dma_wait3A_20 : memref<12288x1024xi32, #tpu.memory_space<hbm>>)
      %dma_wait3A_21 = arith.constant 0 : i32
      %dma_wait3A_22 = arith.constant 0 : i32
      %dma_wait3A_23 = tpu.memref_slice %arg5[%dma_wait3A_21, %dma_wait3A_22] : memref<12288x1024xi32, #tpu.memory_space<hbm>> -> memref<12288x1024xi32, #tpu.memory_space<hbm>>
      tpu.wait_indirect_dma semaphore(%arg10 : memref<!tpu.dma_semaphore, #tpu.memory_space<semaphore_mem>>) src(%arg6 : memref<64x1024xi32, #tpu.memory_space<vmem>>) dst(%dma_wait3A_23 : memref<12288x1024xi32, #tpu.memory_space<hbm>>)
    }
    %scan3A_9 = arith.constant 2 : i32
    return
  }
}

#map = affine_map<(d0, d1) -> (0, 0)>
#map1 = affine_map<(d0, d1) -> (0)>
module attributes {stable_mosaic.version = 14 : i64} {
  func.func @body(%arg0: i32, %arg1: i32, %arg2: memref<12288x1024xi32, #tpu.memory_space<hbm>>, %arg3: memref<8192xi32, #tpu.memory_space<hbm>>, %arg4: memref<8192xi32, #tpu.memory_space<hbm>>, %arg5: memref<8192x1024xi32, #tpu.memory_space<hbm>>, %arg6: memref<32x1024xi32, #tpu.memory_space<vmem>>, %arg7: memref<32x1024xi32, #tpu.memory_space<vmem>>, %arg8: memref<32xi32, #tpu.memory_space<vmem>>, %arg9: memref<32xi32, #tpu.memory_space<vmem>>, %arg10: memref<!tpu.dma_semaphore, #tpu.memory_space<semaphore_mem>>, %arg11: memref<!tpu.dma_semaphore, #tpu.memory_space<semaphore_mem>>) attributes {dimension_semantics = [#tpu.dimension_semantics<core_parallel>, #tpu.dimension_semantics<subcore_parallel>], iteration_bounds = array<i64: 2, 16>, scalar_prefetch = 0 : i64, scratch_operands = 6 : i64, tpu.core_type = #tpu.core_type<sc_vector_subcore>, window_params = [{transform_indices = #map}, {transform_indices = #map1}, {transform_indices = #map1}, {transform_indices = #map}]} {
    %mul3A = arith.constant 2 : i32
    %mul3A_0 = arith.muli %arg1, %mul3A : i32
    %add3A = arith.addi %mul3A_0, %arg0 : i32
    %mul3A_1 = arith.constant 128 : i32
    %mul3A_2 = arith.muli %add3A, %mul3A_1 : i32
    %scan3A = arith.constant 0 : i32
    %scan3A_3 = arith.constant 0 : i32
    %scan3A_4 = arith.constant 4 : i32
    %scan3A_5 = arith.addi %scan3A_3, %scan3A_4 : i32
    %scan3A_6 = arith.constant 1 : i32
    scf.for %scan3A_8 = %scan3A_3 to %scan3A_5 step %scan3A_6  : i32 {
      %mul3A_9 = arith.constant 32 : i32
      %mul3A_10 = arith.muli %scan3A_8, %mul3A_9 : i32
      %add3A_11 = arith.addi %mul3A_2, %mul3A_10 : i32
      %add3A_12 = arith.constant 4096 : i32
      %add3A_13 = arith.addi %add3A_12, %add3A_11 : i32
      "tpu.region"() ({
        %run_scoped3A = tpu.sem_alloc : memref<!tpu.dma_semaphore, #tpu.memory_space<semaphore_mem>>
        %dma_start3A_28 = tpu.memref_slice %arg3[%add3A_13] : memref<8192xi32, #tpu.memory_space<hbm>> -> memref<32xi32, #tpu.memory_space<hbm>>
        %dma_start3A_29 = tpu.memref_slice %arg3[%add3A_13] : memref<8192xi32, #tpu.memory_space<hbm>> -> memref<32xi32, #tpu.memory_space<hbm>>
        tpu.enqueue_dma source(%dma_start3A_29 : memref<32xi32, #tpu.memory_space<hbm>>) target(%arg8 : memref<32xi32, #tpu.memory_space<vmem>>) target_semaphore(%run_scoped3A : memref<!tpu.dma_semaphore, #tpu.memory_space<semaphore_mem>>)
        %dma_wait3A_30 = tpu.memref_slice %arg3[%add3A_13] : memref<8192xi32, #tpu.memory_space<hbm>> -> memref<32xi32, #tpu.memory_space<hbm>>
        %dma_wait3A_31 = tpu.memref_slice %arg3[%add3A_13] : memref<8192xi32, #tpu.memory_space<hbm>> -> memref<32xi32, #tpu.memory_space<hbm>>
        tpu.wait_dma2 semaphore(%run_scoped3A : memref<!tpu.dma_semaphore, #tpu.memory_space<semaphore_mem>>) src(%dma_wait3A_31 : memref<32xi32, #tpu.memory_space<hbm>>) dst(%arg8 : memref<32xi32, #tpu.memory_space<vmem>>)
        tpu.yield
      }) : () -> ()
      %add3A_14 = arith.constant 4096 : i32
      %add3A_15 = arith.addi %add3A_14, %add3A_11 : i32
      "tpu.region"() ({
        %run_scoped3A = tpu.sem_alloc : memref<!tpu.dma_semaphore, #tpu.memory_space<semaphore_mem>>
        %dma_start3A_28 = tpu.memref_slice %arg4[%add3A_15] : memref<8192xi32, #tpu.memory_space<hbm>> -> memref<32xi32, #tpu.memory_space<hbm>>
        %dma_start3A_29 = tpu.memref_slice %arg4[%add3A_15] : memref<8192xi32, #tpu.memory_space<hbm>> -> memref<32xi32, #tpu.memory_space<hbm>>
        tpu.enqueue_dma source(%dma_start3A_29 : memref<32xi32, #tpu.memory_space<hbm>>) target(%arg9 : memref<32xi32, #tpu.memory_space<vmem>>) target_semaphore(%run_scoped3A : memref<!tpu.dma_semaphore, #tpu.memory_space<semaphore_mem>>)
        %dma_wait3A_30 = tpu.memref_slice %arg4[%add3A_15] : memref<8192xi32, #tpu.memory_space<hbm>> -> memref<32xi32, #tpu.memory_space<hbm>>
        %dma_wait3A_31 = tpu.memref_slice %arg4[%add3A_15] : memref<8192xi32, #tpu.memory_space<hbm>> -> memref<32xi32, #tpu.memory_space<hbm>>
        tpu.wait_dma2 semaphore(%run_scoped3A : memref<!tpu.dma_semaphore, #tpu.memory_space<semaphore_mem>>) src(%dma_wait3A_31 : memref<32xi32, #tpu.memory_space<hbm>>) dst(%arg9 : memref<32xi32, #tpu.memory_space<vmem>>)
        tpu.yield
      }) : () -> ()
      %dma_start3A = arith.constant 0 : i32
      %dma_start3A_16 = arith.constant 0 : i32
      %dma_start3A_17 = tpu.memref_slice %arg2[%dma_start3A, %dma_start3A_16] : memref<12288x1024xi32, #tpu.memory_space<hbm>> -> memref<12288x1024xi32, #tpu.memory_space<hbm>>
      tpu.enqueue_indirect_dma source(%dma_start3A_17 : memref<12288x1024xi32, #tpu.memory_space<hbm>>) target(%arg6 : memref<32x1024xi32, #tpu.memory_space<vmem>>) offsets(%arg8 : memref<32xi32, #tpu.memory_space<vmem>>) semaphore(%arg10 : memref<!tpu.dma_semaphore, #tpu.memory_space<semaphore_mem>>)
      %dma_start3A_18 = arith.constant 0 : i32
      %dma_start3A_19 = arith.constant 0 : i32
      %dma_start3A_20 = tpu.memref_slice %arg2[%dma_start3A_18, %dma_start3A_19] : memref<12288x1024xi32, #tpu.memory_space<hbm>> -> memref<12288x1024xi32, #tpu.memory_space<hbm>>
      tpu.enqueue_indirect_dma source(%dma_start3A_20 : memref<12288x1024xi32, #tpu.memory_space<hbm>>) target(%arg7 : memref<32x1024xi32, #tpu.memory_space<vmem>>) offsets(%arg9 : memref<32xi32, #tpu.memory_space<vmem>>) semaphore(%arg11 : memref<!tpu.dma_semaphore, #tpu.memory_space<semaphore_mem>>)
      %dma_wait3A = arith.constant 0 : i32
      %dma_wait3A_21 = arith.constant 0 : i32
      %dma_wait3A_22 = tpu.memref_slice %arg2[%dma_wait3A, %dma_wait3A_21] : memref<12288x1024xi32, #tpu.memory_space<hbm>> -> memref<12288x1024xi32, #tpu.memory_space<hbm>>
      tpu.wait_indirect_dma semaphore(%arg10 : memref<!tpu.dma_semaphore, #tpu.memory_space<semaphore_mem>>) src(%dma_wait3A_22 : memref<12288x1024xi32, #tpu.memory_space<hbm>>) dst(%arg6 : memref<32x1024xi32, #tpu.memory_space<vmem>>)
      %dma_wait3A_23 = arith.constant 0 : i32
      %dma_wait3A_24 = arith.constant 0 : i32
      %dma_wait3A_25 = tpu.memref_slice %arg2[%dma_wait3A_23, %dma_wait3A_24] : memref<12288x1024xi32, #tpu.memory_space<hbm>> -> memref<12288x1024xi32, #tpu.memory_space<hbm>>
      tpu.wait_indirect_dma semaphore(%arg11 : memref<!tpu.dma_semaphore, #tpu.memory_space<semaphore_mem>>) src(%dma_wait3A_25 : memref<12288x1024xi32, #tpu.memory_space<hbm>>) dst(%arg7 : memref<32x1024xi32, #tpu.memory_space<vmem>>)
      "tpu.region"() ({
        %run_scoped3A = tpu.sem_alloc : memref<!tpu.dma_semaphore, #tpu.memory_space<semaphore_mem>>
        %dma_start3A_28 = arith.constant 0 : i32
        %dma_start3A_29 = tpu.memref_slice %arg5[%add3A_11, %dma_start3A_28] : memref<8192x1024xi32, #tpu.memory_space<hbm>> -> memref<32x1024xi32, #tpu.memory_space<hbm>>
        %dma_start3A_30 = arith.constant 0 : i32
        %dma_start3A_31 = tpu.memref_slice %arg5[%add3A_11, %dma_start3A_30] : memref<8192x1024xi32, #tpu.memory_space<hbm>> -> memref<32x1024xi32, #tpu.memory_space<hbm>>
        tpu.enqueue_dma source(%arg6 : memref<32x1024xi32, #tpu.memory_space<vmem>>) target(%dma_start3A_31 : memref<32x1024xi32, #tpu.memory_space<hbm>>) target_semaphore(%run_scoped3A : memref<!tpu.dma_semaphore, #tpu.memory_space<semaphore_mem>>)
        %dma_wait3A_32 = arith.constant 0 : i32
        %dma_wait3A_33 = tpu.memref_slice %arg5[%add3A_11, %dma_wait3A_32] : memref<8192x1024xi32, #tpu.memory_space<hbm>> -> memref<32x1024xi32, #tpu.memory_space<hbm>>
        %dma_wait3A_34 = arith.constant 0 : i32
        %dma_wait3A_35 = tpu.memref_slice %arg5[%add3A_11, %dma_wait3A_34] : memref<8192x1024xi32, #tpu.memory_space<hbm>> -> memref<32x1024xi32, #tpu.memory_space<hbm>>
        tpu.wait_dma2 semaphore(%run_scoped3A : memref<!tpu.dma_semaphore, #tpu.memory_space<semaphore_mem>>) src(%arg6 : memref<32x1024xi32, #tpu.memory_space<vmem>>) dst(%dma_wait3A_35 : memref<32x1024xi32, #tpu.memory_space<hbm>>)
        tpu.yield
      }) : () -> ()
      %add3A_26 = arith.constant 4096 : i32
      %add3A_27 = arith.addi %add3A_26, %add3A_11 : i32
      "tpu.region"() ({
        %run_scoped3A = tpu.sem_alloc : memref<!tpu.dma_semaphore, #tpu.memory_space<semaphore_mem>>
        %dma_start3A_28 = arith.constant 0 : i32
        %dma_start3A_29 = tpu.memref_slice %arg5[%add3A_27, %dma_start3A_28] : memref<8192x1024xi32, #tpu.memory_space<hbm>> -> memref<32x1024xi32, #tpu.memory_space<hbm>>
        %dma_start3A_30 = arith.constant 0 : i32
        %dma_start3A_31 = tpu.memref_slice %arg5[%add3A_27, %dma_start3A_30] : memref<8192x1024xi32, #tpu.memory_space<hbm>> -> memref<32x1024xi32, #tpu.memory_space<hbm>>
        tpu.enqueue_dma source(%arg7 : memref<32x1024xi32, #tpu.memory_space<vmem>>) target(%dma_start3A_31 : memref<32x1024xi32, #tpu.memory_space<hbm>>) target_semaphore(%run_scoped3A : memref<!tpu.dma_semaphore, #tpu.memory_space<semaphore_mem>>)
        %dma_wait3A_32 = arith.constant 0 : i32
        %dma_wait3A_33 = tpu.memref_slice %arg5[%add3A_27, %dma_wait3A_32] : memref<8192x1024xi32, #tpu.memory_space<hbm>> -> memref<32x1024xi32, #tpu.memory_space<hbm>>
        %dma_wait3A_34 = arith.constant 0 : i32
        %dma_wait3A_35 = tpu.memref_slice %arg5[%add3A_27, %dma_wait3A_34] : memref<8192x1024xi32, #tpu.memory_space<hbm>> -> memref<32x1024xi32, #tpu.memory_space<hbm>>
        tpu.wait_dma2 semaphore(%run_scoped3A : memref<!tpu.dma_semaphore, #tpu.memory_space<semaphore_mem>>) src(%arg7 : memref<32x1024xi32, #tpu.memory_space<vmem>>) dst(%dma_wait3A_35 : memref<32x1024xi32, #tpu.memory_space<hbm>>)
        tpu.yield
      }) : () -> ()
    }
    %scan3A_7 = arith.constant 4 : i32
    return
  }
}

module attributes {stable_mosaic.version = 14 : i64} {
  func.func @_pos_body(%arg0: i32, %arg1: memref<1x1x128xi32, #tpu.memory_space<vmem>>, %arg2: memref<512x128xi32, #tpu.memory_space<vmem>>, %arg3: memref<512x128xi32, #tpu.memory_space<vmem>>, %arg4: memref<8x512xi32, #tpu.memory_space<vmem>>, %arg5: memref<1x1x256xi32, #tpu.memory_space<vmem>>) attributes {dimension_semantics = [#tpu.dimension_semantics<arbitrary>], iteration_bounds = array<i64: 16>, scalar_prefetch = 0 : i64, scratch_operands = 0 : i64, tpu.core_type = #tpu.core_type<tc>, window_params = [{transform_indices = @transform_0, window_bounds = array<i64: 1, 1, 128>}, {transform_indices = @transform_1, window_bounds = array<i64: 512, 128>}, {transform_indices = @transform_2, window_bounds = array<i64: 512, 128>}, {transform_indices = @transform_3, window_bounds = array<i64: 8, 512>}, {transform_indices = @transform_4, window_bounds = array<i64: 1, 1, 256>}]} {
    %get3A = arith.constant 0 : index
    %get3A_0 = arith.constant 0 : index
    %get3A_1 = arith.constant 0 : index
    %get3A_2 = vector.load %arg1[%get3A, %get3A_0, %get3A_1] : memref<1x1x128xi32, #tpu.memory_space<vmem>>, vector<1x1x128xi32>
    %reshape3A = vector.shape_cast %get3A_2 : vector<1x1x128xi32> to vector<1x128xi32>
    %convert_element_type3A = arith.sitofp %reshape3A : vector<1x128xi32> to vector<1x128xf32>
    %div3A = arith.constant 5.120000e+02 : f32
    %div3A_3 = vector.broadcast %div3A : f32 to vector<1x128xf32>
    %div3A_4 = arith.divf %convert_element_type3A, %div3A_3 : vector<1x128xf32>
    %ceil3A = math.ceil %div3A_4 : vector<1x128xf32>
    %mul3A = arith.constant 5.120000e+02 : f32
    %mul3A_5 = vector.broadcast %mul3A : f32 to vector<1x128xf32>
    %mul3A_6 = arith.mulf %ceil3A, %mul3A_5 : vector<1x128xf32>
    %iota3A = tpu.iota {dimensions = array<i32: 0>} : vector<128x128xi32>
    %iota3A_7 = tpu.iota {dimensions = array<i32: 1>} : vector<128x128xi32>
    %lt3A = arith.cmpi slt, %iota3A, %iota3A_7 : vector<128x128xi32>
    %convert_element_type3A_8 = arith.extui %lt3A : vector<128x128xi1> to vector<128x128xi32>
    %convert_element_type3A_9 = arith.sitofp %convert_element_type3A_8 : vector<128x128xi32> to vector<128x128xf32>
    %dot_general3A = arith.constant dense<0.000000e+00> : vector<1x128xf32>
    %dot_general3A_10 = tpu.matmul %mul3A_6, %convert_element_type3A_9, %dot_general3A {dimension_numbers = #tpu.dot_dimension_numbers<[1], [0], [0], [1], [0, 0, 1, 1], [], []>, transpose_lhs_hint = false} : vector<1x128xf32>, vector<128x128xf32>, vector<1x128xf32> -> vector<1x128xf32>
    %get3A_11 = arith.constant 0 : index
    %get3A_12 = arith.constant 0 : index
    %get3A_13 = vector.load %arg2[%get3A_11, %get3A_12] : memref<512x128xi32, #tpu.memory_space<vmem>>, vector<512x128xi32>
    %get3A_14 = arith.constant 0 : index
    %get3A_15 = arith.constant 0 : index
    %get3A_16 = vector.load %arg3[%get3A_14, %get3A_15] : memref<512x128xi32, #tpu.memory_space<vmem>>, vector<512x128xi32>
    %iota3A_17 = tpu.iota {dimensions = array<i32: 1>} : vector<512x128xi32>
    %slice3A = vector.extract_strided_slice %get3A_13 {offsets = [0, 0], sizes = [512, 1], strides = [1, 1]} : vector<512x128xi32> to vector<512x1xi32>
    %slice3A_18 = vector.extract_strided_slice %get3A_13 {offsets = [0, 1], sizes = [512, 1], strides = [1, 1]} : vector<512x128xi32> to vector<512x1xi32>
    %eq3A = vector.broadcast %slice3A : vector<512x1xi32> to vector<512x128xi32>
    %eq3A_19 = arith.cmpi eq, %iota3A_17, %eq3A : vector<512x128xi32>
    %jit3A = arith.constant 0.000000e+00 : f32
    %broadcast_in_dim3A = vector.shape_cast %dot_general3A_10 : vector<1x128xf32> to vector<1x128xf32>
    %broadcast_in_dim3A_20 = vector.broadcast %broadcast_in_dim3A : vector<1x128xf32> to vector<512x128xf32>
    %broadcast_in_dim3A_21 = vector.broadcast %jit3A : f32 to vector<512x128xf32>
    %select_n3A = arith.select %eq3A_19, %broadcast_in_dim3A_20, %broadcast_in_dim3A_21 : vector<512x128xi1>, vector<512x128xf32>
    %reduce_sum3A = arith.constant dense<0.000000e+00> : vector<512xf32>
    %reduce_sum3A_22 = vector.multi_reduction <add>, %select_n3A, %reduce_sum3A [1] : vector<512x128xf32> to vector<512xf32>
    %broadcast_in_dim3A_23 = vector.shape_cast %reduce_sum3A_22 : vector<512xf32> to vector<512x1xf32>
    %convert_element_type3A_24 = arith.fptosi %broadcast_in_dim3A_23 : vector<512x1xf32> to vector<512x1xi32>
    %slice3A_25 = vector.extract_strided_slice %get3A_16 {offsets = [0, 0], sizes = [512, 1], strides = [1, 1]} : vector<512x128xi32> to vector<512x1xi32>
    %add3A = arith.addi %convert_element_type3A_24, %slice3A_25 : vector<512x1xi32>
    %eq3A_26 = vector.broadcast %slice3A_18 : vector<512x1xi32> to vector<512x128xi32>
    %eq3A_27 = arith.cmpi eq, %iota3A_17, %eq3A_26 : vector<512x128xi32>
    %jit3A_28 = arith.constant 0.000000e+00 : f32
    %broadcast_in_dim3A_29 = vector.shape_cast %dot_general3A_10 : vector<1x128xf32> to vector<1x128xf32>
    %broadcast_in_dim3A_30 = vector.broadcast %broadcast_in_dim3A_29 : vector<1x128xf32> to vector<512x128xf32>
    %broadcast_in_dim3A_31 = vector.broadcast %jit3A_28 : f32 to vector<512x128xf32>
    %select_n3A_32 = arith.select %eq3A_27, %broadcast_in_dim3A_30, %broadcast_in_dim3A_31 : vector<512x128xi1>, vector<512x128xf32>
    %reduce_sum3A_33 = arith.constant dense<0.000000e+00> : vector<512xf32>
    %reduce_sum3A_34 = vector.multi_reduction <add>, %select_n3A_32, %reduce_sum3A_33 [1] : vector<512x128xf32> to vector<512xf32>
    %broadcast_in_dim3A_35 = vector.shape_cast %reduce_sum3A_34 : vector<512xf32> to vector<512x1xf32>
    %convert_element_type3A_36 = arith.fptosi %broadcast_in_dim3A_35 : vector<512x1xf32> to vector<512x1xi32>
    %slice3A_37 = vector.extract_strided_slice %get3A_16 {offsets = [0, 1], sizes = [512, 1], strides = [1, 1]} : vector<512x128xi32> to vector<512x1xi32>
    %add3A_38 = arith.addi %convert_element_type3A_36, %slice3A_37 : vector<512x1xi32>
    %eq3A_39 = arith.constant 0 : i32
    %eq3A_40 = vector.broadcast %eq3A_39 : i32 to vector<512x128xi32>
    %eq3A_41 = arith.cmpi eq, %iota3A_17, %eq3A_40 : vector<512x128xi32>
    %eq3A_42 = arith.constant 1 : i32
    %eq3A_43 = vector.broadcast %eq3A_42 : i32 to vector<512x128xi32>
    %eq3A_44 = arith.cmpi eq, %iota3A_17, %eq3A_43 : vector<512x128xi32>
    %jit3A_45 = arith.constant 0 : i32
    %broadcast_in_dim3A_46 = vector.shape_cast %add3A_38 : vector<512x1xi32> to vector<512x1xi32>
    %broadcast_in_dim3A_47 = vector.broadcast %broadcast_in_dim3A_46 : vector<512x1xi32> to vector<512x128xi32>
    %broadcast_in_dim3A_48 = vector.broadcast %jit3A_45 : i32 to vector<512x128xi32>
    %select_n3A_49 = arith.select %eq3A_44, %broadcast_in_dim3A_47, %broadcast_in_dim3A_48 : vector<512x128xi1>, vector<512x128xi32>
    %broadcast_in_dim3A_50 = vector.shape_cast %add3A : vector<512x1xi32> to vector<512x1xi32>
    %broadcast_in_dim3A_51 = vector.broadcast %broadcast_in_dim3A_50 : vector<512x1xi32> to vector<512x128xi32>
    %select_n3A_52 = arith.select %eq3A_41, %broadcast_in_dim3A_51, %select_n3A_49 : vector<512x128xi1>, vector<512x128xi32>
    %transpose3A = tpu.transpose %select_n3A_52, [1, 0] : vector<512x128xi32> -> vector<128x512xi32>
    %slice3A_53 = vector.extract_strided_slice %transpose3A {offsets = [0, 0], sizes = [8, 512], strides = [1, 1]} : vector<128x512xi32> to vector<8x512xi32>
    %swap3A = arith.constant 0 : index
    %swap3A_54 = arith.constant 0 : index
    %swap3A_55 = vector.load %arg4[%swap3A, %swap3A_54] : memref<8x512xi32, #tpu.memory_space<vmem>>, vector<8x512xi32>
    tpu.vector_store %arg4[%swap3A, %swap3A_54], %slice3A_53 {strides = array<i32>} : memref<8x512xi32, #tpu.memory_space<vmem>>, vector<8x512xi32>,
    %iota3A_56 = tpu.iota {dimensions = array<i32: 1>} : vector<1x256xi32>
    %convert_element_type3A_57 = arith.sitofp %iota3A_56 : vector<1x256xi32> to vector<1x256xf32>
    %mul3A_58 = arith.constant 5.120000e+02 : f32
    %mul3A_59 = vector.broadcast %mul3A_58 : f32 to vector<1x256xf32>
    %mul3A_60 = arith.mulf %convert_element_type3A_57, %mul3A_59 : vector<1x256xf32>
    %broadcast_in_dim3A_61 = arith.constant -1 : i32
    %broadcast_in_dim3A_62 = vector.broadcast %broadcast_in_dim3A_61 : i32 to vector<1x256xi32>
    %iota3A_63 = tpu.iota {dimensions = array<i32: 1>} : vector<1x128xi32>
    %eq3A_64 = arith.constant 0 : i32
    %eq3A_65 = vector.broadcast %eq3A_64 : i32 to vector<1x128xi32>
    %eq3A_66 = arith.cmpi eq, %iota3A_63, %eq3A_65 : vector<1x128xi32>
    %jit3A_67 = arith.constant 0.000000e+00 : f32
    %broadcast_in_dim3A_68 = vector.broadcast %jit3A_67 : f32 to vector<1x128xf32>
    %select_n3A_69 = arith.select %eq3A_66, %dot_general3A_10, %broadcast_in_dim3A_68 : vector<1x128xi1>, vector<1x128xf32>
    %reduce_sum3A_70 = vector.shape_cast %select_n3A_69 : vector<1x128xf32> to vector<1x1x128xf32>
    %reduce_sum3A_71 = arith.constant dense<0.000000e+00> : vector<1xf32>
    %reduce_sum3A_72 = vector.multi_reduction <add>, %reduce_sum3A_70, %reduce_sum3A_71 [1, 2] : vector<1x1x128xf32> to vector<1xf32>
    %reduce_sum3A_73 = vector.shape_cast %reduce_sum3A_72 : vector<1xf32> to vector<1x1x1xf32>
    %reduce_sum3A_74 = vector.extract %reduce_sum3A_73[0, 0, 0] : f32 from vector<1x1x1xf32>
    %ge3A = vector.broadcast %reduce_sum3A_74 : f32 to vector<1x256xf32>
    %ge3A_75 = arith.cmpf oge, %mul3A_60, %ge3A : vector<1x256xf32>
    %convert_element_type3A_76 = arith.extui %ge3A_75 : vector<1x256xi1> to vector<1x256xi32>
    %add3A_77 = arith.addi %broadcast_in_dim3A_62, %convert_element_type3A_76 : vector<1x256xi32>
    %eq3A_78 = arith.constant 1 : i32
    %eq3A_79 = vector.broadcast %eq3A_78 : i32 to vector<1x128xi32>
    %eq3A_80 = arith.cmpi eq, %iota3A_63, %eq3A_79 : vector<1x128xi32>
    %jit3A_81 = arith.constant 0.000000e+00 : f32
    %broadcast_in_dim3A_82 = vector.broadcast %jit3A_81 : f32 to vector<1x128xf32>
    %select_n3A_83 = arith.select %eq3A_80, %dot_general3A_10, %broadcast_in_dim3A_82 : vector<1x128xi1>, vector<1x128xf32>
    %reduce_sum3A_84 = vector.shape_cast %select_n3A_83 : vector<1x128xf32> to vector<1x1x128xf32>
    %reduce_sum3A_85 = arith.constant dense<0.000000e+00> : vector<1xf32>
    %reduce_sum3A_86 = vector.multi_reduction <add>, %reduce_sum3A_84, %reduce_sum3A_85 [1, 2] : vector<1x1x128xf32> to vector<1xf32>
    %reduce_sum3A_87 = vector.shape_cast %reduce_sum3A_86 : vector<1xf32> to vector<1x1x1xf32>
    %reduce_sum3A_88 = vector.extract %reduce_sum3A_87[0, 0, 0] : f32 from vector<1x1x1xf32>
    %ge3A_89 = vector.broadcast %reduce_sum3A_88 : f32 to vector<1x256xf32>
    %ge3A_90 = arith.cmpf oge, %mul3A_60, %ge3A_89 : vector<1x256xf32>
    %convert_element_type3A_91 = arith.extui %ge3A_90 : vector<1x256xi1> to vector<1x256xi32>
    %add3A_92 = arith.addi %add3A_77, %convert_element_type3A_91 : vector<1x256xi32>
    %eq3A_93 = arith.constant 2 : i32
    %eq3A_94 = vector.broadcast %eq3A_93 : i32 to vector<1x128xi32>
    %eq3A_95 = arith.cmpi eq, %iota3A_63, %eq3A_94 : vector<1x128xi32>
    %jit3A_96 = arith.constant 0.000000e+00 : f32
    %broadcast_in_dim3A_97 = vector.broadcast %jit3A_96 : f32 to vector<1x128xf32>
    %select_n3A_98 = arith.select %eq3A_95, %dot_general3A_10, %broadcast_in_dim3A_97 : vector<1x128xi1>, vector<1x128xf32>
    %reduce_sum3A_99 = vector.shape_cast %select_n3A_98 : vector<1x128xf32> to vector<1x1x128xf32>
    %reduce_sum3A_100 = arith.constant dense<0.000000e+00> : vector<1xf32>
    %reduce_sum3A_101 = vector.multi_reduction <add>, %reduce_sum3A_99, %reduce_sum3A_100 [1, 2] : vector<1x1x128xf32> to vector<1xf32>
    %reduce_sum3A_102 = vector.shape_cast %reduce_sum3A_101 : vector<1xf32> to vector<1x1x1xf32>
    %reduce_sum3A_103 = vector.extract %reduce_sum3A_102[0, 0, 0] : f32 from vector<1x1x1xf32>
    %ge3A_104 = vector.broadcast %reduce_sum3A_103 : f32 to vector<1x256xf32>
    %ge3A_105 = arith.cmpf oge, %mul3A_60, %ge3A_104 : vector<1x256xf32>
    %convert_element_type3A_106 = arith.extui %ge3A_105 : vector<1x256xi1> to vector<1x256xi32>
    %add3A_107 = arith.addi %add3A_92, %convert_element_type3A_106 : vector<1x256xi32>
    %eq3A_108 = arith.constant 3 : i32
    %eq3A_109 = vector.broadcast %eq3A_108 : i32 to vector<1x128xi32>
    %eq3A_110 = arith.cmpi eq, %iota3A_63, %eq3A_109 : vector<1x128xi32>
    %jit3A_111 = arith.constant 0.000000e+00 : f32
    %broadcast_in_dim3A_112 = vector.broadcast %jit3A_111 : f32 to vector<1x128xf32>
    %select_n3A_113 = arith.select %eq3A_110, %dot_general3A_10, %broadcast_in_dim3A_112 : vector<1x128xi1>, vector<1x128xf32>
    %reduce_sum3A_114 = vector.shape_cast %select_n3A_113 : vector<1x128xf32> to vector<1x1x128xf32>
    %reduce_sum3A_115 = arith.constant dense<0.000000e+00> : vector<1xf32>
    %reduce_sum3A_116 = vector.multi_reduction <add>, %reduce_sum3A_114, %reduce_sum3A_115 [1, 2] : vector<1x1x128xf32> to vector<1xf32>
    %reduce_sum3A_117 = vector.shape_cast %reduce_sum3A_116 : vector<1xf32> to vector<1x1x1xf32>
    %reduce_sum3A_118 = vector.extract %reduce_sum3A_117[0, 0, 0] : f32 from vector<1x1x1xf32>
    %ge3A_119 = vector.broadcast %reduce_sum3A_118 : f32 to vector<1x256xf32>
    %ge3A_120 = arith.cmpf oge, %mul3A_60, %ge3A_119 : vector<1x256xf32>
    %convert_element_type3A_121 = arith.extui %ge3A_120 : vector<1x256xi1> to vector<1x256xi32>
    %add3A_122 = arith.addi %add3A_107, %convert_element_type3A_121 : vector<1x256xi32>
    %eq3A_123 = arith.constant 4 : i32
    %eq3A_124 = vector.broadcast %eq3A_123 : i32 to vector<1x128xi32>
    %eq3A_125 = arith.cmpi eq, %iota3A_63, %eq3A_124 : vector<1x128xi32>
    %jit3A_126 = arith.constant 0.000000e+00 : f32
    %broadcast_in_dim3A_127 = vector.broadcast %jit3A_126 : f32 to vector<1x128xf32>
    %select_n3A_128 = arith.select %eq3A_125, %dot_general3A_10, %broadcast_in_dim3A_127 : vector<1x128xi1>, vector<1x128xf32>
    %reduce_sum3A_129 = vector.shape_cast %select_n3A_128 : vector<1x128xf32> to vector<1x1x128xf32>
    %reduce_sum3A_130 = arith.constant dense<0.000000e+00> : vector<1xf32>
    %reduce_sum3A_131 = vector.multi_reduction <add>, %reduce_sum3A_129, %reduce_sum3A_130 [1, 2] : vector<1x1x128xf32> to vector<1xf32>
    %reduce_sum3A_132 = vector.shape_cast %reduce_sum3A_131 : vector<1xf32> to vector<1x1x1xf32>
    %reduce_sum3A_133 = vector.extract %reduce_sum3A_132[0, 0, 0] : f32 from vector<1x1x1xf32>
    %ge3A_134 = vector.broadcast %reduce_sum3A_133 : f32 to vector<1x256xf32>
    %ge3A_135 = arith.cmpf oge, %mul3A_60, %ge3A_134 : vector<1x256xf32>
    %convert_element_type3A_136 = arith.extui %ge3A_135 : vector<1x256xi1> to vector<1x256xi32>
    %add3A_137 = arith.addi %add3A_122, %convert_element_type3A_136 : vector<1x256xi32>
    %eq3A_138 = arith.constant 5 : i32
    %eq3A_139 = vector.broadcast %eq3A_138 : i32 to vector<1x128xi32>
    %eq3A_140 = arith.cmpi eq, %iota3A_63, %eq3A_139 : vector<1x128xi32>
    %jit3A_141 = arith.constant 0.000000e+00 : f32
    %broadcast_in_dim3A_142 = vector.broadcast %jit3A_141 : f32 to vector<1x128xf32>
    %select_n3A_143 = arith.select %eq3A_140, %dot_general3A_10, %broadcast_in_dim3A_142 : vector<1x128xi1>, vector<1x128xf32>
    %reduce_sum3A_144 = vector.shape_cast %select_n3A_143 : vector<1x128xf32> to vector<1x1x128xf32>
    %reduce_sum3A_145 = arith.constant dense<0.000000e+00> : vector<1xf32>
    %reduce_sum3A_146 = vector.multi_reduction <add>, %reduce_sum3A_144, %reduce_sum3A_145 [1, 2] : vector<1x1x128xf32> to vector<1xf32>
    %reduce_sum3A_147 = vector.shape_cast %reduce_sum3A_146 : vector<1xf32> to vector<1x1x1xf32>
    %reduce_sum3A_148 = vector.extract %reduce_sum3A_147[0, 0, 0] : f32 from vector<1x1x1xf32>
    %ge3A_149 = vector.broadcast %reduce_sum3A_148 : f32 to vector<1x256xf32>
    %ge3A_150 = arith.cmpf oge, %mul3A_60, %ge3A_149 : vector<1x256xf32>
    %convert_element_type3A_151 = arith.extui %ge3A_150 : vector<1x256xi1> to vector<1x256xi32>
    %add3A_152 = arith.addi %add3A_137, %convert_element_type3A_151 : vector<1x256xi32>
    %eq3A_153 = arith.constant 6 : i32
    %eq3A_154 = vector.broadcast %eq3A_153 : i32 to vector<1x128xi32>
    %eq3A_155 = arith.cmpi eq, %iota3A_63, %eq3A_154 : vector<1x128xi32>
    %jit3A_156 = arith.constant 0.000000e+00 : f32
    %broadcast_in_dim3A_157 = vector.broadcast %jit3A_156 : f32 to vector<1x128xf32>
    %select_n3A_158 = arith.select %eq3A_155, %dot_general3A_10, %broadcast_in_dim3A_157 : vector<1x128xi1>, vector<1x128xf32>
    %reduce_sum3A_159 = vector.shape_cast %select_n3A_158 : vector<1x128xf32> to vector<1x1x128xf32>
    %reduce_sum3A_160 = arith.constant dense<0.000000e+00> : vector<1xf32>
    %reduce_sum3A_161 = vector.multi_reduction <add>, %reduce_sum3A_159, %reduce_sum3A_160 [1, 2] : vector<1x1x128xf32> to vector<1xf32>
    %reduce_sum3A_162 = vector.shape_cast %reduce_sum3A_161 : vector<1xf32> to vector<1x1x1xf32>
    %reduce_sum3A_163 = vector.extract %reduce_sum3A_162[0, 0, 0] : f32 from vector<1x1x1xf32>
    %ge3A_164 = vector.broadcast %reduce_sum3A_163 : f32 to vector<1x256xf32>
    %ge3A_165 = arith.cmpf oge, %mul3A_60, %ge3A_164 : vector<1x256xf32>
    %convert_element_type3A_166 = arith.extui %ge3A_165 : vector<1x256xi1> to vector<1x256xi32>
    %add3A_167 = arith.addi %add3A_152, %convert_element_type3A_166 : vector<1x256xi32>
    %eq3A_168 = arith.constant 7 : i32
    %eq3A_169 = vector.broadcast %eq3A_168 : i32 to vector<1x128xi32>
    %eq3A_170 = arith.cmpi eq, %iota3A_63, %eq3A_169 : vector<1x128xi32>
    %jit3A_171 = arith.constant 0.000000e+00 : f32
    %broadcast_in_dim3A_172 = vector.broadcast %jit3A_171 : f32 to vector<1x128xf32>
    %select_n3A_173 = arith.select %eq3A_170, %dot_general3A_10, %broadcast_in_dim3A_172 : vector<1x128xi1>, vector<1x128xf32>
    %reduce_sum3A_174 = vector.shape_cast %select_n3A_173 : vector<1x128xf32> to vector<1x1x128xf32>
    %reduce_sum3A_175 = arith.constant dense<0.000000e+00> : vector<1xf32>
    %reduce_sum3A_176 = vector.multi_reduction <add>, %reduce_sum3A_174, %reduce_sum3A_175 [1, 2] : vector<1x1x128xf32> to vector<1xf32>
    %reduce_sum3A_177 = vector.shape_cast %reduce_sum3A_176 : vector<1xf32> to vector<1x1x1xf32>
    %reduce_sum3A_178 = vector.extract %reduce_sum3A_177[0, 0, 0] : f32 from vector<1x1x1xf32>
    %ge3A_179 = vector.broadcast %reduce_sum3A_178 : f32 to vector<1x256xf32>
    %ge3A_180 = arith.cmpf oge, %mul3A_60, %ge3A_179 : vector<1x256xf32>
    %convert_element_type3A_181 = arith.extui %ge3A_180 : vector<1x256xi1> to vector<1x256xi32>
    %add3A_182 = arith.addi %add3A_167, %convert_element_type3A_181 : vector<1x256xi32>
    %reshape3A_183 = vector.shape_cast %add3A_182 : vector<1x256xi32> to vector<1x1x256xi32>
    %swap3A_184 = arith.constant 0 : index
    %swap3A_185 = arith.constant 0 : index
    %swap3A_186 = arith.constant 0 : index
    %swap3A_187 = vector.load %arg5[%swap3A_184, %swap3A_185, %swap3A_186] : memref<1x1x256xi32, #tpu.memory_space<vmem>>, vector<1x1x256xi32>
    tpu.vector_store %arg5[%swap3A_184, %swap3A_185, %swap3A_186], %reshape3A_183 {strides = array<i32>} : memref<1x1x256xi32, #tpu.memory_space<vmem>>, vector<1x1x256xi32>,
    return
  }
  func.func @transform_0(%arg0: i32) -> (i32, i32, i32) {
    %jit3A = arith.constant 8 : i32
    %div3A = arith.divsi %arg0, %jit3A : i32
    %sign3A = arith.constant 0 : i32
    %sign3A_0 = arith.cmpi sgt, %arg0, %sign3A : i32
    %sign3A_1 = arith.extui %sign3A_0 : i1 to i32
    %sign3A_2 = arith.constant 0 : i32
    %sign3A_3 = arith.cmpi slt, %arg0, %sign3A_2 : i32
    %sign3A_4 = arith.extui %sign3A_3 : i1 to i32
    %sign3A_5 = arith.subi %sign3A_1, %sign3A_4 : i32
    %sign3A_6 = arith.constant 0 : i32
    %sign3A_7 = arith.cmpi sgt, %jit3A, %sign3A_6 : i32
    %sign3A_8 = arith.extui %sign3A_7 : i1 to i32
    %sign3A_9 = arith.constant 0 : i32
    %sign3A_10 = arith.cmpi slt, %jit3A, %sign3A_9 : i32
    %sign3A_11 = arith.extui %sign3A_10 : i1 to i32
    %sign3A_12 = arith.subi %sign3A_8, %sign3A_11 : i32
    %ne3A = arith.cmpi ne, %sign3A_5, %sign3A_12 : i32
    %rem3A = arith.remsi %arg0, %jit3A : i32
    %ne3A_13 = arith.constant 0 : i32
    %ne3A_14 = arith.cmpi ne, %rem3A, %ne3A_13 : i32
    %and3A = arith.andi %ne3A, %ne3A_14 : i1
    %sub3A = arith.constant 1 : i32
    %sub3A_15 = arith.subi %div3A, %sub3A : i32
    %select_n3A = arith.select %and3A, %sub3A_15, %div3A : i32
    %c0_i32 = arith.constant 0 : i32
    %c0_i32_16 = arith.constant 0 : i32
    %c0_i32_17 = arith.constant 0 : i32
    return %select_n3A, %c0_i32, %c0_i32_16 : i32, i32, i32
  }
  func.func @transform_1(%arg0: i32) -> (i32, i32) {
    %c0_i32 = arith.constant 0 : i32
    %c0_i32_0 = arith.constant 0 : i32
    return %arg0, %c0_i32 : i32, i32
  }
  func.func @transform_2(%arg0: i32) -> (i32, i32) {
    %c0_i32 = arith.constant 0 : i32
    %c0_i32_0 = arith.constant 0 : i32
    return %arg0, %c0_i32 : i32, i32
  }
  func.func @transform_3(%arg0: i32) -> (i32, i32) {
    %c0_i32 = arith.constant 0 : i32
    %c0_i32_0 = arith.constant 0 : i32
    return %c0_i32, %arg0 : i32, i32
  }
  func.func @transform_4(%arg0: i32) -> (i32, i32, i32) {
    %jit3A = arith.constant 8 : i32
    %div3A = arith.divsi %arg0, %jit3A : i32
    %sign3A = arith.constant 0 : i32
    %sign3A_0 = arith.cmpi sgt, %arg0, %sign3A : i32
    %sign3A_1 = arith.extui %sign3A_0 : i1 to i32
    %sign3A_2 = arith.constant 0 : i32
    %sign3A_3 = arith.cmpi slt, %arg0, %sign3A_2 : i32
    %sign3A_4 = arith.extui %sign3A_3 : i1 to i32
    %sign3A_5 = arith.subi %sign3A_1, %sign3A_4 : i32
    %sign3A_6 = arith.constant 0 : i32
    %sign3A_7 = arith.cmpi sgt, %jit3A, %sign3A_6 : i32
    %sign3A_8 = arith.extui %sign3A_7 : i1 to i32
    %sign3A_9 = arith.constant 0 : i32
    %sign3A_10 = arith.cmpi slt, %jit3A, %sign3A_9 : i32
    %sign3A_11 = arith.extui %sign3A_10 : i1 to i32
    %sign3A_12 = arith.subi %sign3A_8, %sign3A_11 : i32
    %ne3A = arith.cmpi ne, %sign3A_5, %sign3A_12 : i32
    %rem3A = arith.remsi %arg0, %jit3A : i32
    %ne3A_13 = arith.constant 0 : i32
    %ne3A_14 = arith.cmpi ne, %rem3A, %ne3A_13 : i32
    %and3A = arith.andi %ne3A, %ne3A_14 : i1
    %sub3A = arith.constant 1 : i32
    %sub3A_15 = arith.subi %div3A, %sub3A : i32
    %select_n3A = arith.select %and3A, %sub3A_15, %div3A : i32
    %c0_i32 = arith.constant 0 : i32
    %c0_i32_16 = arith.constant 0 : i32
    %c0_i32_17 = arith.constant 0 : i32
    return %select_n3A, %c0_i32, %c0_i32_16 : i32, i32, i32
  }
}

module attributes {stable_mosaic.version = 14 : i64} {
  func.func @_route_body(%arg0: i32, %arg1: memref<512x2048xf32, #tpu.memory_space<vmem>>, %arg2: memref<2048x128xf32, #tpu.memory_space<vmem>>, %arg3: memref<1x128xf32, #tpu.memory_space<vmem>>, %arg4: memref<512x128xf32, #tpu.memory_space<vmem>>, %arg5: memref<512x128xf32, #tpu.memory_space<vmem>>, %arg6: memref<512x128xi32, #tpu.memory_space<vmem>>, %arg7: memref<512x128xi32, #tpu.memory_space<vmem>>, %arg8: memref<1x1x128xi32, #tpu.memory_space<vmem>>, %arg9: memref<512x1024xi32, #tpu.memory_space<vmem>>, %arg10: memref<1x128xf32, #tpu.memory_space<vmem>>) attributes {dimension_semantics = [#tpu.dimension_semantics<arbitrary>], iteration_bounds = array<i64: 16>, scalar_prefetch = 0 : i64, scratch_operands = 1 : i64, tpu.core_type = #tpu.core_type<tc>, window_params = [{transform_indices = @transform_0, window_bounds = array<i64: 512, 2048>}, {pipeline_mode = #tpu.pipeline_mode<synchronous>, transform_indices = @transform_1, window_bounds = array<i64: 2048, 128>}, {pipeline_mode = #tpu.pipeline_mode<synchronous>, transform_indices = @transform_2, window_bounds = array<i64: 1, 128>}, {transform_indices = @transform_3, window_bounds = array<i64: 512, 128>}, {transform_indices = @transform_4, window_bounds = array<i64: 512, 128>}, {transform_indices = @transform_5, window_bounds = array<i64: 512, 128>}, {transform_indices = @transform_6, window_bounds = array<i64: 512, 128>}, {transform_indices = @transform_7, window_bounds = array<i64: 1, 1, 128>}, {transform_indices = @transform_8, window_bounds = array<i64: 512, 1024>}]} {
    %jit3A = arith.constant 8 : i32
    %eq3A = arith.constant 0 : i32
    %eq3A_0 = arith.cmpi eq, %jit3A, %eq3A : i32
    %jit3A_1 = arith.constant 1 : i32
    %select_n3A = arith.select %eq3A_0, %jit3A_1, %jit3A : i32
    %rem3A = arith.remsi %arg0, %select_n3A : i32
    %ne3A = arith.constant 0 : i32
    %ne3A_2 = arith.cmpi ne, %rem3A, %ne3A : i32
    %lt3A = arith.constant 0 : i32
    %lt3A_3 = arith.cmpi slt, %rem3A, %lt3A : i32
    %lt3A_4 = arith.constant 0 : i32
    %lt3A_5 = arith.cmpi slt, %select_n3A, %lt3A_4 : i32
    %ne3A_6 = arith.xori %lt3A_3, %lt3A_5 : i1
    %and3A = arith.andi %ne3A_6, %ne3A_2 : i1
    %add3A = arith.addi %rem3A, %select_n3A : i32
    %select_n3A_7 = arith.select %and3A, %add3A, %rem3A : i32
    %eq3A_8 = arith.constant 0 : i32
    %eq3A_9 = arith.cmpi eq, %select_n3A_7, %eq3A_8 : i32
    %convert_element_type3A = arith.extui %eq3A_9 : i1 to i32
    %cond3A = arith.constant 0 : i32
    %cond3A_10 = arith.cmpi ne, %convert_element_type3A, %cond3A : i32
    scf.if %cond3A_10 {
      %broadcast_in_dim3A_204 = arith.constant 0.000000e+00 : f32
      %broadcast_in_dim3A_205 = vector.broadcast %broadcast_in_dim3A_204 : f32 to vector<1x128xf32>
      %swap3A_206 = arith.constant 0 : index
      %swap3A_207 = arith.constant 0 : index
      %swap3A_208 = vector.load %arg10[%swap3A_206, %swap3A_207] : memref<1x128xf32, #tpu.memory_space<vmem>>, vector<1x128xf32>
      tpu.vector_store %arg10[%swap3A_206, %swap3A_207], %broadcast_in_dim3A_205 {strides = array<i32>} : memref<1x128xf32, #tpu.memory_space<vmem>>, vector<1x128xf32>,
    } else {
    }
    %get3A = arith.constant 0 : index
    %get3A_11 = arith.constant 0 : index
    %get3A_12 = vector.load %arg1[%get3A, %get3A_11] : memref<512x2048xf32, #tpu.memory_space<vmem>>, vector<512x2048xf32>
    %slice3A = vector.extract_strided_slice %get3A_12 {offsets = [0, 0], sizes = [512, 1024], strides = [1, 1]} : vector<512x2048xf32> to vector<512x1024xf32>
    %bitcast_convert_type3A = tpu.bitcast %slice3A : vector<512x1024xf32> -> vector<512x1024xi32>
    %shift_right_logical3A = arith.constant 16 : i32
    %shift_right_logical3A_13 = vector.broadcast %shift_right_logical3A : i32 to vector<512x1024xi32>
    %shift_right_logical3A_14 = arith.shrui %bitcast_convert_type3A, %shift_right_logical3A_13 : vector<512x1024xi32>
    %and3A_15 = arith.constant 1 : i32
    %and3A_16 = vector.broadcast %and3A_15 : i32 to vector<512x1024xi32>
    %and3A_17 = arith.andi %shift_right_logical3A_14, %and3A_16 : vector<512x1024xi32>
    %add3A_18 = arith.constant 32767 : i32
    %add3A_19 = vector.broadcast %add3A_18 : i32 to vector<512x1024xi32>
    %add3A_20 = arith.addi %bitcast_convert_type3A, %add3A_19 : vector<512x1024xi32>
    %add3A_21 = arith.addi %add3A_20, %and3A_17 : vector<512x1024xi32>
    %shift_right_logical3A_22 = arith.constant 16 : i32
    %shift_right_logical3A_23 = vector.broadcast %shift_right_logical3A_22 : i32 to vector<512x1024xi32>
    %shift_right_logical3A_24 = arith.shrui %add3A_21, %shift_right_logical3A_23 : vector<512x1024xi32>
    %and3A_25 = arith.constant 65535 : i32
    %and3A_26 = vector.broadcast %and3A_25 : i32 to vector<512x1024xi32>
    %and3A_27 = arith.andi %shift_right_logical3A_24, %and3A_26 : vector<512x1024xi32>
    %slice3A_28 = vector.extract_strided_slice %get3A_12 {offsets = [0, 1024], sizes = [512, 1024], strides = [1, 1]} : vector<512x2048xf32> to vector<512x1024xf32>
    %bitcast_convert_type3A_29 = tpu.bitcast %slice3A_28 : vector<512x1024xf32> -> vector<512x1024xi32>
    %shift_right_logical3A_30 = arith.constant 16 : i32
    %shift_right_logical3A_31 = vector.broadcast %shift_right_logical3A_30 : i32 to vector<512x1024xi32>
    %shift_right_logical3A_32 = arith.shrui %bitcast_convert_type3A_29, %shift_right_logical3A_31 : vector<512x1024xi32>
    %and3A_33 = arith.constant 1 : i32
    %and3A_34 = vector.broadcast %and3A_33 : i32 to vector<512x1024xi32>
    %and3A_35 = arith.andi %shift_right_logical3A_32, %and3A_34 : vector<512x1024xi32>
    %add3A_36 = arith.constant 32767 : i32
    %add3A_37 = vector.broadcast %add3A_36 : i32 to vector<512x1024xi32>
    %add3A_38 = arith.addi %bitcast_convert_type3A_29, %add3A_37 : vector<512x1024xi32>
    %add3A_39 = arith.addi %add3A_38, %and3A_35 : vector<512x1024xi32>
    %shift_right_logical3A_40 = arith.constant 16 : i32
    %shift_right_logical3A_41 = vector.broadcast %shift_right_logical3A_40 : i32 to vector<512x1024xi32>
    %shift_right_logical3A_42 = arith.shrui %add3A_39, %shift_right_logical3A_41 : vector<512x1024xi32>
    %and3A_43 = arith.constant 65535 : i32
    %and3A_44 = vector.broadcast %and3A_43 : i32 to vector<512x1024xi32>
    %and3A_45 = arith.andi %shift_right_logical3A_42, %and3A_44 : vector<512x1024xi32>
    %shift_left3A = arith.constant 16 : i32
    %shift_left3A_46 = vector.broadcast %shift_left3A : i32 to vector<512x1024xi32>
    %shift_left3A_47 = arith.shli %and3A_45, %shift_left3A_46 : vector<512x1024xi32>
    %or3A = arith.ori %and3A_27, %shift_left3A_47 : vector<512x1024xi32>
    %swap3A = arith.constant 0 : index
    %swap3A_48 = arith.constant 0 : index
    %swap3A_49 = vector.load %arg9[%swap3A, %swap3A_48] : memref<512x1024xi32, #tpu.memory_space<vmem>>, vector<512x1024xi32>
    tpu.vector_store %arg9[%swap3A, %swap3A_48], %or3A {strides = array<i32>} : memref<512x1024xi32, #tpu.memory_space<vmem>>, vector<512x1024xi32>,
    %get3A_50 = arith.constant 0 : index
    %get3A_51 = arith.constant 0 : index
    %get3A_52 = vector.load %arg2[%get3A_50, %get3A_51] : memref<2048x128xf32, #tpu.memory_space<vmem>>, vector<2048x128xf32>
    %dot_general3A = arith.constant dense<0.000000e+00> : vector<512x128xf32>
    %dot_general3A_53 = tpu.matmul %get3A_12, %get3A_52, %dot_general3A {dimension_numbers = #tpu.dot_dimension_numbers<[1], [0], [0], [1], [0, 0, 1, 1], [], []>, transpose_lhs_hint = false} : vector<512x2048xf32>, vector<2048x128xf32>, vector<512x128xf32> -> vector<512x128xf32>
    %get3A_54 = arith.constant 0 : index
    %get3A_55 = arith.constant 0 : index
    %get3A_56 = vector.load %arg3[%get3A_54, %get3A_55] : memref<1x128xf32, #tpu.memory_space<vmem>>, vector<1x128xf32>
    %add3A_57 = vector.broadcast %get3A_56 : vector<1x128xf32> to vector<512x128xf32>
    %add3A_58 = arith.addf %dot_general3A_53, %add3A_57 : vector<512x128xf32>
    %reduce_max3A = arith.constant dense<0xFF800000> : vector<512xf32>
    %reduce_max3A_59 = vector.multi_reduction <maximumf>, %add3A_58, %reduce_max3A [1] : vector<512x128xf32> to vector<512xf32>
    %broadcast_in_dim3A = vector.shape_cast %reduce_max3A_59 : vector<512xf32> to vector<512x1xf32>
    %sub3A = vector.broadcast %broadcast_in_dim3A : vector<512x1xf32> to vector<512x128xf32>
    %sub3A_60 = arith.subf %add3A_58, %sub3A : vector<512x128xf32>
    %exp3A = math.exp %sub3A_60 : vector<512x128xf32>
    %reduce_sum3A = arith.constant dense<0.000000e+00> : vector<512xf32>
    %reduce_sum3A_61 = vector.multi_reduction <add>, %exp3A, %reduce_sum3A [1] : vector<512x128xf32> to vector<512xf32>
    %broadcast_in_dim3A_62 = vector.shape_cast %reduce_sum3A_61 : vector<512xf32> to vector<512x1xf32>
    %div3A = vector.broadcast %broadcast_in_dim3A_62 : vector<512x1xf32> to vector<512x128xf32>
    %div3A_63 = arith.divf %exp3A, %div3A : vector<512x128xf32>
    %swap3A_64 = arith.constant 0 : index
    %swap3A_65 = arith.constant 0 : index
    %swap3A_66 = vector.load %arg4[%swap3A_64, %swap3A_65] : memref<512x128xf32, #tpu.memory_space<vmem>>, vector<512x128xf32>
    tpu.vector_store %arg4[%swap3A_64, %swap3A_65], %div3A_63 {strides = array<i32>} : memref<512x128xf32, #tpu.memory_space<vmem>>, vector<512x128xf32>,
    %iota3A = tpu.iota {dimensions = array<i32: 1>} : vector<512x128xi32>
    %reduce_max3A_67 = arith.constant dense<0xFF800000> : vector<512xf32>
    %reduce_max3A_68 = vector.multi_reduction <maximumf>, %div3A_63, %reduce_max3A_67 [1] : vector<512x128xf32> to vector<512xf32>
    %broadcast_in_dim3A_69 = vector.shape_cast %reduce_max3A_68 : vector<512xf32> to vector<512x1xf32>
    %eq3A_70 = vector.broadcast %broadcast_in_dim3A_69 : vector<512x1xf32> to vector<512x128xf32>
    %eq3A_71 = arith.cmpf oeq, %div3A_63, %eq3A_70 : vector<512x128xf32>
    %jit3A_72 = arith.constant 128 : i32
    %broadcast_in_dim3A_73 = vector.broadcast %jit3A_72 : i32 to vector<512x128xi32>
    %select_n3A_74 = arith.select %eq3A_71, %iota3A, %broadcast_in_dim3A_73 : vector<512x128xi1>, vector<512x128xi32>
    %reduce_min3A = arith.constant dense<2147483647> : vector<512xi32>
    %reduce_min3A_75 = vector.multi_reduction <minsi>, %select_n3A_74, %reduce_min3A [1] : vector<512x128xi32> to vector<512xi32>
    %broadcast_in_dim3A_76 = vector.shape_cast %reduce_min3A_75 : vector<512xi32> to vector<512x1xi32>
    %eq3A_77 = vector.broadcast %broadcast_in_dim3A_76 : vector<512x1xi32> to vector<512x128xi32>
    %eq3A_78 = arith.cmpi eq, %iota3A, %eq3A_77 : vector<512x128xi32>
    %jit3A_79 = arith.constant -1.000000e+00 : f32
    %broadcast_in_dim3A_80 = vector.broadcast %jit3A_79 : f32 to vector<512x128xf32>
    %select_n3A_81 = arith.select %eq3A_78, %broadcast_in_dim3A_80, %div3A_63 : vector<512x128xi1>, vector<512x128xf32>
    %reduce_max3A_82 = arith.constant dense<0xFF800000> : vector<512xf32>
    %reduce_max3A_83 = vector.multi_reduction <maximumf>, %select_n3A_81, %reduce_max3A_82 [1] : vector<512x128xf32> to vector<512xf32>
    %broadcast_in_dim3A_84 = vector.shape_cast %reduce_max3A_83 : vector<512xf32> to vector<512x1xf32>
    %eq3A_85 = vector.broadcast %broadcast_in_dim3A_84 : vector<512x1xf32> to vector<512x128xf32>
    %eq3A_86 = arith.cmpf oeq, %select_n3A_81, %eq3A_85 : vector<512x128xf32>
    %jit3A_87 = arith.constant 128 : i32
    %broadcast_in_dim3A_88 = vector.broadcast %jit3A_87 : i32 to vector<512x128xi32>
    %select_n3A_89 = arith.select %eq3A_86, %iota3A, %broadcast_in_dim3A_88 : vector<512x128xi1>, vector<512x128xi32>
    %reduce_min3A_90 = arith.constant dense<2147483647> : vector<512xi32>
    %reduce_min3A_91 = vector.multi_reduction <minsi>, %select_n3A_89, %reduce_min3A_90 [1] : vector<512x128xi32> to vector<512xi32>
    %broadcast_in_dim3A_92 = vector.shape_cast %reduce_min3A_91 : vector<512xi32> to vector<512x1xi32>
    %eq3A_93 = arith.constant 0 : i32
    %eq3A_94 = vector.broadcast %eq3A_93 : i32 to vector<512x128xi32>
    %eq3A_95 = arith.cmpi eq, %iota3A, %eq3A_94 : vector<512x128xi32>
    %eq3A_96 = arith.constant 1 : i32
    %eq3A_97 = vector.broadcast %eq3A_96 : i32 to vector<512x128xi32>
    %eq3A_98 = arith.cmpi eq, %iota3A, %eq3A_97 : vector<512x128xi32>
    %jit3A_99 = arith.constant 0.000000e+00 : f32
    %broadcast_in_dim3A_100 = vector.shape_cast %broadcast_in_dim3A_84 : vector<512x1xf32> to vector<512x1xf32>
    %broadcast_in_dim3A_101 = vector.broadcast %broadcast_in_dim3A_100 : vector<512x1xf32> to vector<512x128xf32>
    %broadcast_in_dim3A_102 = vector.broadcast %jit3A_99 : f32 to vector<512x128xf32>
    %select_n3A_103 = arith.select %eq3A_98, %broadcast_in_dim3A_101, %broadcast_in_dim3A_102 : vector<512x128xi1>, vector<512x128xf32>
    %broadcast_in_dim3A_104 = vector.shape_cast %broadcast_in_dim3A_69 : vector<512x1xf32> to vector<512x1xf32>
    %broadcast_in_dim3A_105 = vector.broadcast %broadcast_in_dim3A_104 : vector<512x1xf32> to vector<512x128xf32>
    %select_n3A_106 = arith.select %eq3A_95, %broadcast_in_dim3A_105, %select_n3A_103 : vector<512x128xi1>, vector<512x128xf32>
    %swap3A_107 = arith.constant 0 : index
    %swap3A_108 = arith.constant 0 : index
    %swap3A_109 = vector.load %arg5[%swap3A_107, %swap3A_108] : memref<512x128xf32, #tpu.memory_space<vmem>>, vector<512x128xf32>
    tpu.vector_store %arg5[%swap3A_107, %swap3A_108], %select_n3A_106 {strides = array<i32>} : memref<512x128xf32, #tpu.memory_space<vmem>>, vector<512x128xf32>,
    %eq3A_110 = arith.constant 0 : i32
    %eq3A_111 = vector.broadcast %eq3A_110 : i32 to vector<512x128xi32>
    %eq3A_112 = arith.cmpi eq, %iota3A, %eq3A_111 : vector<512x128xi32>
    %eq3A_113 = arith.constant 1 : i32
    %eq3A_114 = vector.broadcast %eq3A_113 : i32 to vector<512x128xi32>
    %eq3A_115 = arith.cmpi eq, %iota3A, %eq3A_114 : vector<512x128xi32>
    %jit3A_116 = arith.constant 0 : i32
    %broadcast_in_dim3A_117 = vector.shape_cast %broadcast_in_dim3A_92 : vector<512x1xi32> to vector<512x1xi32>
    %broadcast_in_dim3A_118 = vector.broadcast %broadcast_in_dim3A_117 : vector<512x1xi32> to vector<512x128xi32>
    %broadcast_in_dim3A_119 = vector.broadcast %jit3A_116 : i32 to vector<512x128xi32>
    %select_n3A_120 = arith.select %eq3A_115, %broadcast_in_dim3A_118, %broadcast_in_dim3A_119 : vector<512x128xi1>, vector<512x128xi32>
    %broadcast_in_dim3A_121 = vector.shape_cast %broadcast_in_dim3A_76 : vector<512x1xi32> to vector<512x1xi32>
    %broadcast_in_dim3A_122 = vector.broadcast %broadcast_in_dim3A_121 : vector<512x1xi32> to vector<512x128xi32>
    %select_n3A_123 = arith.select %eq3A_112, %broadcast_in_dim3A_122, %select_n3A_120 : vector<512x128xi1>, vector<512x128xi32>
    %swap3A_124 = arith.constant 0 : index
    %swap3A_125 = arith.constant 0 : index
    %swap3A_126 = vector.load %arg6[%swap3A_124, %swap3A_125] : memref<512x128xi32, #tpu.memory_space<vmem>>, vector<512x128xi32>
    tpu.vector_store %arg6[%swap3A_124, %swap3A_125], %select_n3A_123 {strides = array<i32>} : memref<512x128xi32, #tpu.memory_space<vmem>>, vector<512x128xi32>,
    %eq3A_127 = vector.broadcast %broadcast_in_dim3A_76 : vector<512x1xi32> to vector<512x128xi32>
    %eq3A_128 = arith.cmpi eq, %iota3A, %eq3A_127 : vector<512x128xi32>
    %convert_element_type3A_129 = arith.extui %eq3A_128 : vector<512x128xi1> to vector<512x128xi32>
    %convert_element_type3A_130 = arith.sitofp %convert_element_type3A_129 : vector<512x128xi32> to vector<512x128xf32>
    %eq3A_131 = vector.broadcast %broadcast_in_dim3A_92 : vector<512x1xi32> to vector<512x128xi32>
    %eq3A_132 = arith.cmpi eq, %iota3A, %eq3A_131 : vector<512x128xi32>
    %convert_element_type3A_133 = arith.extui %eq3A_132 : vector<512x128xi1> to vector<512x128xi32>
    %convert_element_type3A_134 = arith.sitofp %convert_element_type3A_133 : vector<512x128xi32> to vector<512x128xf32>
    %add3A_135 = arith.addf %convert_element_type3A_130, %convert_element_type3A_134 : vector<512x128xf32>
    %iota3A_136 = tpu.iota {dimensions = array<i32: 0>} : vector<512x512xi32>
    %iota3A_137 = tpu.iota {dimensions = array<i32: 1>} : vector<512x512xi32>
    %lt3A_138 = arith.cmpi slt, %iota3A_137, %iota3A_136 : vector<512x512xi32>
    %convert_element_type3A_139 = arith.extui %lt3A_138 : vector<512x512xi1> to vector<512x512xi32>
    %convert_element_type3A_140 = arith.sitofp %convert_element_type3A_139 : vector<512x512xi32> to vector<512x512xf32>
    %dot_general3A_141 = arith.constant dense<0.000000e+00> : vector<512x128xf32>
    %dot_general3A_142 = tpu.matmul %convert_element_type3A_140, %add3A_135, %dot_general3A_141 {dimension_numbers = #tpu.dot_dimension_numbers<[1], [0], [0], [1], [0, 0, 1, 1], [], []>, transpose_lhs_hint = false} : vector<512x512xf32>, vector<512x128xf32>, vector<512x128xf32> -> vector<512x128xf32>
    %get3A_143 = arith.constant 0 : index
    %get3A_144 = arith.constant 0 : index
    %get3A_145 = vector.load %arg10[%get3A_143, %get3A_144] : memref<1x128xf32, #tpu.memory_space<vmem>>, vector<1x128xf32>
    %add3A_146 = vector.broadcast %get3A_145 : vector<1x128xf32> to vector<512x128xf32>
    %add3A_147 = arith.addf %dot_general3A_142, %add3A_146 : vector<512x128xf32>
    %mul3A = arith.mulf %convert_element_type3A_130, %add3A_147 : vector<512x128xf32>
    %reduce_sum3A_148 = arith.constant dense<0.000000e+00> : vector<512xf32>
    %reduce_sum3A_149 = vector.multi_reduction <add>, %mul3A, %reduce_sum3A_148 [1] : vector<512x128xf32> to vector<512xf32>
    %broadcast_in_dim3A_150 = vector.shape_cast %reduce_sum3A_149 : vector<512xf32> to vector<512x1xf32>
    %mul3A_151 = arith.mulf %convert_element_type3A_134, %add3A_147 : vector<512x128xf32>
    %reduce_sum3A_152 = arith.constant dense<0.000000e+00> : vector<512xf32>
    %reduce_sum3A_153 = vector.multi_reduction <add>, %mul3A_151, %reduce_sum3A_152 [1] : vector<512x128xf32> to vector<512xf32>
    %broadcast_in_dim3A_154 = vector.shape_cast %reduce_sum3A_153 : vector<512xf32> to vector<512x1xf32>
    %eq3A_155 = arith.constant 0 : i32
    %eq3A_156 = vector.broadcast %eq3A_155 : i32 to vector<512x128xi32>
    %eq3A_157 = arith.cmpi eq, %iota3A, %eq3A_156 : vector<512x128xi32>
    %eq3A_158 = arith.constant 1 : i32
    %eq3A_159 = vector.broadcast %eq3A_158 : i32 to vector<512x128xi32>
    %eq3A_160 = arith.cmpi eq, %iota3A, %eq3A_159 : vector<512x128xi32>
    %jit3A_161 = arith.constant 0.000000e+00 : f32
    %broadcast_in_dim3A_162 = vector.shape_cast %broadcast_in_dim3A_154 : vector<512x1xf32> to vector<512x1xf32>
    %broadcast_in_dim3A_163 = vector.broadcast %broadcast_in_dim3A_162 : vector<512x1xf32> to vector<512x128xf32>
    %broadcast_in_dim3A_164 = vector.broadcast %jit3A_161 : f32 to vector<512x128xf32>
    %select_n3A_165 = arith.select %eq3A_160, %broadcast_in_dim3A_163, %broadcast_in_dim3A_164 : vector<512x128xi1>, vector<512x128xf32>
    %broadcast_in_dim3A_166 = vector.shape_cast %broadcast_in_dim3A_150 : vector<512x1xf32> to vector<512x1xf32>
    %broadcast_in_dim3A_167 = vector.broadcast %broadcast_in_dim3A_166 : vector<512x1xf32> to vector<512x128xf32>
    %select_n3A_168 = arith.select %eq3A_157, %broadcast_in_dim3A_167, %select_n3A_165 : vector<512x128xi1>, vector<512x128xf32>
    %convert_element_type3A_169 = arith.fptosi %select_n3A_168 : vector<512x128xf32> to vector<512x128xi32>
    %swap3A_170 = arith.constant 0 : index
    %swap3A_171 = arith.constant 0 : index
    %swap3A_172 = vector.load %arg7[%swap3A_170, %swap3A_171] : memref<512x128xi32, #tpu.memory_space<vmem>>, vector<512x128xi32>
    tpu.vector_store %arg7[%swap3A_170, %swap3A_171], %convert_element_type3A_169 {strides = array<i32>} : memref<512x128xi32, #tpu.memory_space<vmem>>, vector<512x128xi32>,
    %get3A_173 = arith.constant 0 : index
    %get3A_174 = arith.constant 0 : index
    %get3A_175 = vector.load %arg10[%get3A_173, %get3A_174] : memref<1x128xf32, #tpu.memory_space<vmem>>, vector<1x128xf32>
    %reduce_sum3A_176 = arith.constant dense<0.000000e+00> : vector<128xf32>
    %reduce_sum3A_177 = vector.multi_reduction <add>, %add3A_135, %reduce_sum3A_176 [0] : vector<512x128xf32> to vector<128xf32>
    %broadcast_in_dim3A_178 = vector.shape_cast %reduce_sum3A_177 : vector<128xf32> to vector<1x128xf32>
    %add3A_179 = arith.addf %get3A_175, %broadcast_in_dim3A_178 : vector<1x128xf32>
    %swap3A_180 = arith.constant 0 : index
    %swap3A_181 = arith.constant 0 : index
    %swap3A_182 = vector.load %arg10[%swap3A_180, %swap3A_181] : memref<1x128xf32, #tpu.memory_space<vmem>>, vector<1x128xf32>
    tpu.vector_store %arg10[%swap3A_180, %swap3A_181], %add3A_179 {strides = array<i32>} : memref<1x128xf32, #tpu.memory_space<vmem>>, vector<1x128xf32>,
    %jit3A_183 = arith.constant 8 : i32
    %eq3A_184 = arith.constant 0 : i32
    %eq3A_185 = arith.cmpi eq, %jit3A_183, %eq3A_184 : i32
    %jit3A_186 = arith.constant 1 : i32
    %select_n3A_187 = arith.select %eq3A_185, %jit3A_186, %jit3A_183 : i32
    %rem3A_188 = arith.remsi %arg0, %select_n3A_187 : i32
    %ne3A_189 = arith.constant 0 : i32
    %ne3A_190 = arith.cmpi ne, %rem3A_188, %ne3A_189 : i32
    %lt3A_191 = arith.constant 0 : i32
    %lt3A_192 = arith.cmpi slt, %rem3A_188, %lt3A_191 : i32
    %lt3A_193 = arith.constant 0 : i32
    %lt3A_194 = arith.cmpi slt, %select_n3A_187, %lt3A_193 : i32
    %ne3A_195 = arith.xori %lt3A_192, %lt3A_194 : i1
    %and3A_196 = arith.andi %ne3A_195, %ne3A_190 : i1
    %add3A_197 = arith.addi %rem3A_188, %select_n3A_187 : i32
    %select_n3A_198 = arith.select %and3A_196, %add3A_197, %rem3A_188 : i32
    %eq3A_199 = arith.constant 7 : i32
    %eq3A_200 = arith.cmpi eq, %select_n3A_198, %eq3A_199 : i32
    %convert_element_type3A_201 = arith.extui %eq3A_200 : i1 to i32
    %cond3A_202 = arith.constant 0 : i32
    %cond3A_203 = arith.cmpi ne, %convert_element_type3A_201, %cond3A_202 : i32
    scf.if %cond3A_203 {
      %get3A_204 = arith.constant 0 : index
      %get3A_205 = arith.constant 0 : index
      %get3A_206 = vector.load %arg10[%get3A_204, %get3A_205] : memref<1x128xf32, #tpu.memory_space<vmem>>, vector<1x128xf32>
      %convert_element_type3A_207 = arith.fptosi %get3A_206 : vector<1x128xf32> to vector<1x128xi32>
      %reshape3A = vector.shape_cast %convert_element_type3A_207 : vector<1x128xi32> to vector<1x1x128xi32>
      %swap3A_208 = arith.constant 0 : index
      %swap3A_209 = arith.constant 0 : index
      %swap3A_210 = arith.constant 0 : index
      %swap3A_211 = vector.load %arg8[%swap3A_208, %swap3A_209, %swap3A_210] : memref<1x1x128xi32, #tpu.memory_space<vmem>>, vector<1x1x128xi32>
      tpu.vector_store %arg8[%swap3A_208, %swap3A_209, %swap3A_210], %reshape3A {strides = array<i32>} : memref<1x1x128xi32, #tpu.memory_space<vmem>>, vector<1x1x128xi32>,
    } else {
    }
    return
  }
  func.func @transform_0(%arg0: i32) -> (i32, i32) {
    %c0_i32 = arith.constant 0 : i32
    %c0_i32_0 = arith.constant 0 : i32
    return %arg0, %c0_i32 : i32, i32
  }
  func.func @transform_1(%arg0: i32) -> (i32, i32) {
    %c0_i32 = arith.constant 0 : i32
    %c0_i32_0 = arith.constant 0 : i32
    %c0_i32_1 = arith.constant 0 : i32
    return %c0_i32, %c0_i32_0 : i32, i32
  }
  func.func @transform_2(%arg0: i32) -> (i32, i32) {
    %c0_i32 = arith.constant 0 : i32
    %c0_i32_0 = arith.constant 0 : i32
    %c0_i32_1 = arith.constant 0 : i32
    return %c0_i32, %c0_i32_0 : i32, i32
  }
  func.func @transform_3(%arg0: i32) -> (i32, i32) {
    %c0_i32 = arith.constant 0 : i32
    %c0_i32_0 = arith.constant 0 : i32
    return %arg0, %c0_i32 : i32, i32
  }
  func.func @transform_4(%arg0: i32) -> (i32, i32) {
    %c0_i32 = arith.constant 0 : i32
    %c0_i32_0 = arith.constant 0 : i32
    return %arg0, %c0_i32 : i32, i32
  }
  func.func @transform_5(%arg0: i32) -> (i32, i32) {
    %c0_i32 = arith.constant 0 : i32
    %c0_i32_0 = arith.constant 0 : i32
    return %arg0, %c0_i32 : i32, i32
  }
  func.func @transform_6(%arg0: i32) -> (i32, i32) {
    %c0_i32 = arith.constant 0 : i32
    %c0_i32_0 = arith.constant 0 : i32
    return %arg0, %c0_i32 : i32, i32
  }
  func.func @transform_7(%arg0: i32) -> (i32, i32, i32) {
    %jit3A = arith.constant 8 : i32
    %div3A = arith.divsi %arg0, %jit3A : i32
    %sign3A = arith.constant 0 : i32
    %sign3A_0 = arith.cmpi sgt, %arg0, %sign3A : i32
    %sign3A_1 = arith.extui %sign3A_0 : i1 to i32
    %sign3A_2 = arith.constant 0 : i32
    %sign3A_3 = arith.cmpi slt, %arg0, %sign3A_2 : i32
    %sign3A_4 = arith.extui %sign3A_3 : i1 to i32
    %sign3A_5 = arith.subi %sign3A_1, %sign3A_4 : i32
    %sign3A_6 = arith.constant 0 : i32
    %sign3A_7 = arith.cmpi sgt, %jit3A, %sign3A_6 : i32
    %sign3A_8 = arith.extui %sign3A_7 : i1 to i32
    %sign3A_9 = arith.constant 0 : i32
    %sign3A_10 = arith.cmpi slt, %jit3A, %sign3A_9 : i32
    %sign3A_11 = arith.extui %sign3A_10 : i1 to i32
    %sign3A_12 = arith.subi %sign3A_8, %sign3A_11 : i32
    %ne3A = arith.cmpi ne, %sign3A_5, %sign3A_12 : i32
    %rem3A = arith.remsi %arg0, %jit3A : i32
    %ne3A_13 = arith.constant 0 : i32
    %ne3A_14 = arith.cmpi ne, %rem3A, %ne3A_13 : i32
    %and3A = arith.andi %ne3A, %ne3A_14 : i1
    %sub3A = arith.constant 1 : i32
    %sub3A_15 = arith.subi %div3A, %sub3A : i32
    %select_n3A = arith.select %and3A, %sub3A_15, %div3A : i32
    %c0_i32 = arith.constant 0 : i32
    %c0_i32_16 = arith.constant 0 : i32
    %c0_i32_17 = arith.constant 0 : i32
    return %select_n3A, %c0_i32, %c0_i32_16 : i32, i32, i32
  }
  func.func @transform_8(%arg0: i32) -> (i32, i32) {
    %c0_i32 = arith.constant 0 : i32
    %c0_i32_0 = arith.constant 0 : i32
    return %arg0, %c0_i32 : i32, i32
  }
}

module attributes {stable_mosaic.version = 14 : i64} {
  func.func @_group_mm_body(%arg0: i32, %arg1: memref<1x256xi32, #tpu.memory_space<smem>>, %arg2: memref<512x1024xi32, #tpu.memory_space<vmem>>, %arg3: memref<1x2048x2048xbf16, #tpu.memory_space<vmem>>, %arg4: memref<512x1024xi32, #tpu.memory_space<vmem>>) attributes {dimension_semantics = [#tpu.dimension_semantics<arbitrary>], iteration_bounds = array<i64: 24>, scalar_prefetch = 1 : i64, scratch_operands = 0 : i64, tpu.core_type = #tpu.core_type<tc>, window_params = [{transform_indices = @transform_0, window_bounds = array<i64: 512, 1024>}, {transform_indices = @transform_1, window_bounds = array<i64: 1, 2048, 2048>}, {transform_indices = @transform_2, window_bounds = array<i64: 512, 1024>}]} {
    %get3A = arith.constant 0 : index
    %get3A_0 = arith.constant 0 : index
    %get3A_1 = vector.load %arg2[%get3A, %get3A_0] : memref<512x1024xi32, #tpu.memory_space<vmem>>, vector<512x1024xi32>
    %shift_left3A = arith.constant 16 : i32
    %shift_left3A_2 = vector.broadcast %shift_left3A : i32 to vector<512x1024xi32>
    %shift_left3A_3 = arith.shli %get3A_1, %shift_left3A_2 : vector<512x1024xi32>
    %bitcast_convert_type3A = tpu.bitcast %shift_left3A_3 : vector<512x1024xi32> -> vector<512x1024xf32>
    %and3A = arith.constant -65536 : i32
    %and3A_4 = vector.broadcast %and3A : i32 to vector<512x1024xi32>
    %and3A_5 = arith.andi %get3A_1, %and3A_4 : vector<512x1024xi32>
    %bitcast_convert_type3A_6 = tpu.bitcast %and3A_5 : vector<512x1024xi32> -> vector<512x1024xf32>
    %concatenate3A = tpu.concatenate %bitcast_convert_type3A, %bitcast_convert_type3A_6 in 1 : vector<512x1024xf32>, vector<512x1024xf32> -> vector<512x2048xf32>
    %convert_element_type3A = arith.truncf %concatenate3A : vector<512x2048xf32> to vector<512x2048xbf16>
    %get3A_7 = arith.constant 0 : index
    %get3A_8 = arith.constant 0 : index
    %get3A_9 = arith.constant 0 : index
    %get3A_10 = vector.load %arg3[%get3A_7, %get3A_8, %get3A_9] : memref<1x2048x2048xbf16, #tpu.memory_space<vmem>>, vector<1x2048x2048xbf16>
    %get3A_11 = vector.shape_cast %get3A_10 : vector<1x2048x2048xbf16> to vector<2048x2048xbf16>
    %dot_general3A = arith.constant dense<0.000000e+00> : vector<512x2048xf32>
    %dot_general3A_12 = tpu.matmul %convert_element_type3A, %get3A_11, %dot_general3A {dimension_numbers = #tpu.dot_dimension_numbers<[1], [0], [0], [1], [0, 0, 1, 1], [], []>, transpose_lhs_hint = false} : vector<512x2048xbf16>, vector<2048x2048xbf16>, vector<512x2048xf32> -> vector<512x2048xf32>
    %slice3A = vector.extract_strided_slice %dot_general3A_12 {offsets = [0, 0], sizes = [512, 1024], strides = [1, 1]} : vector<512x2048xf32> to vector<512x1024xf32>
    %bitcast_convert_type3A_13 = tpu.bitcast %slice3A : vector<512x1024xf32> -> vector<512x1024xi32>
    %shift_right_logical3A = arith.constant 16 : i32
    %shift_right_logical3A_14 = vector.broadcast %shift_right_logical3A : i32 to vector<512x1024xi32>
    %shift_right_logical3A_15 = arith.shrui %bitcast_convert_type3A_13, %shift_right_logical3A_14 : vector<512x1024xi32>
    %and3A_16 = arith.constant 1 : i32
    %and3A_17 = vector.broadcast %and3A_16 : i32 to vector<512x1024xi32>
    %and3A_18 = arith.andi %shift_right_logical3A_15, %and3A_17 : vector<512x1024xi32>
    %add3A = arith.constant 32767 : i32
    %add3A_19 = vector.broadcast %add3A : i32 to vector<512x1024xi32>
    %add3A_20 = arith.addi %bitcast_convert_type3A_13, %add3A_19 : vector<512x1024xi32>
    %add3A_21 = arith.addi %add3A_20, %and3A_18 : vector<512x1024xi32>
    %shift_right_logical3A_22 = arith.constant 16 : i32
    %shift_right_logical3A_23 = vector.broadcast %shift_right_logical3A_22 : i32 to vector<512x1024xi32>
    %shift_right_logical3A_24 = arith.shrui %add3A_21, %shift_right_logical3A_23 : vector<512x1024xi32>
    %and3A_25 = arith.constant 65535 : i32
    %and3A_26 = vector.broadcast %and3A_25 : i32 to vector<512x1024xi32>
    %and3A_27 = arith.andi %shift_right_logical3A_24, %and3A_26 : vector<512x1024xi32>
    %slice3A_28 = vector.extract_strided_slice %dot_general3A_12 {offsets = [0, 1024], sizes = [512, 1024], strides = [1, 1]} : vector<512x2048xf32> to vector<512x1024xf32>
    %bitcast_convert_type3A_29 = tpu.bitcast %slice3A_28 : vector<512x1024xf32> -> vector<512x1024xi32>
    %shift_right_logical3A_30 = arith.constant 16 : i32
    %shift_right_logical3A_31 = vector.broadcast %shift_right_logical3A_30 : i32 to vector<512x1024xi32>
    %shift_right_logical3A_32 = arith.shrui %bitcast_convert_type3A_29, %shift_right_logical3A_31 : vector<512x1024xi32>
    %and3A_33 = arith.constant 1 : i32
    %and3A_34 = vector.broadcast %and3A_33 : i32 to vector<512x1024xi32>
    %and3A_35 = arith.andi %shift_right_logical3A_32, %and3A_34 : vector<512x1024xi32>
    %add3A_36 = arith.constant 32767 : i32
    %add3A_37 = vector.broadcast %add3A_36 : i32 to vector<512x1024xi32>
    %add3A_38 = arith.addi %bitcast_convert_type3A_29, %add3A_37 : vector<512x1024xi32>
    %add3A_39 = arith.addi %add3A_38, %and3A_35 : vector<512x1024xi32>
    %shift_right_logical3A_40 = arith.constant 16 : i32
    %shift_right_logical3A_41 = vector.broadcast %shift_right_logical3A_40 : i32 to vector<512x1024xi32>
    %shift_right_logical3A_42 = arith.shrui %add3A_39, %shift_right_logical3A_41 : vector<512x1024xi32>
    %and3A_43 = arith.constant 65535 : i32
    %and3A_44 = vector.broadcast %and3A_43 : i32 to vector<512x1024xi32>
    %and3A_45 = arith.andi %shift_right_logical3A_42, %and3A_44 : vector<512x1024xi32>
    %shift_left3A_46 = arith.constant 16 : i32
    %shift_left3A_47 = vector.broadcast %shift_left3A_46 : i32 to vector<512x1024xi32>
    %shift_left3A_48 = arith.shli %and3A_45, %shift_left3A_47 : vector<512x1024xi32>
    %or3A = arith.ori %and3A_27, %shift_left3A_48 : vector<512x1024xi32>
    %swap3A = arith.constant 0 : index
    %swap3A_49 = arith.constant 0 : index
    %swap3A_50 = vector.load %arg4[%swap3A, %swap3A_49] : memref<512x1024xi32, #tpu.memory_space<vmem>>, vector<512x1024xi32>
    tpu.vector_store %arg4[%swap3A, %swap3A_49], %or3A {strides = array<i32>} : memref<512x1024xi32, #tpu.memory_space<vmem>>, vector<512x1024xi32>,
    return
  }
  func.func @transform_0(%arg0: i32, %arg1: memref<1x256xi32, #tpu.memory_space<smem>>) -> (i32, i32) {
    %c0_i32 = arith.constant 0 : i32
    %c0_i32_0 = arith.constant 0 : i32
    return %arg0, %c0_i32 : i32, i32
  }
  func.func @transform_1(%arg0: i32, %arg1: memref<1x256xi32, #tpu.memory_space<smem>>) -> (i32, i32, i32) {
    %get3A = arith.constant 0 : index
    %get3A_0 = arith.index_cast %arg0 : i32 to index
    %get3A_1 = memref.load %arg1[%get3A, %get3A_0] : memref<1x256xi32, #tpu.memory_space<smem>>
    %c0_i32 = arith.constant 0 : i32
    %c0_i32_2 = arith.constant 0 : i32
    %c0_i32_3 = arith.constant 0 : i32
    return %get3A_1, %c0_i32, %c0_i32_2 : i32, i32, i32
  }
  func.func @transform_2(%arg0: i32, %arg1: memref<1x256xi32, #tpu.memory_space<smem>>) -> (i32, i32) {
    %c0_i32 = arith.constant 0 : i32
    %c0_i32_0 = arith.constant 0 : i32
    return %arg0, %c0_i32 : i32, i32
  }
}

module attributes {stable_mosaic.version = 14 : i64} {
  func.func @_combine_body(%arg0: i32, %arg1: memref<512x1024xi32, #tpu.memory_space<vmem>>, %arg2: memref<512x1024xi32, #tpu.memory_space<vmem>>, %arg3: memref<512x128xf32, #tpu.memory_space<vmem>>, %arg4: memref<512x128xf32, #tpu.memory_space<vmem>>, %arg5: memref<128x2048xf32, #tpu.memory_space<vmem>>, %arg6: memref<512x2048xf32, #tpu.memory_space<vmem>>) attributes {dimension_semantics = [#tpu.dimension_semantics<arbitrary>], iteration_bounds = array<i64: 8>, scalar_prefetch = 0 : i64, scratch_operands = 0 : i64, tpu.core_type = #tpu.core_type<tc>, window_params = [{transform_indices = @transform_0, window_bounds = array<i64: 512, 1024>}, {transform_indices = @transform_1, window_bounds = array<i64: 512, 1024>}, {transform_indices = @transform_2, window_bounds = array<i64: 512, 128>}, {transform_indices = @transform_3, window_bounds = array<i64: 512, 128>}, {pipeline_mode = #tpu.pipeline_mode<synchronous>, transform_indices = @transform_4, window_bounds = array<i64: 128, 2048>}, {transform_indices = @transform_5, window_bounds = array<i64: 512, 2048>}]} {
    %get3A = arith.constant 0 : index
    %get3A_0 = arith.constant 0 : index
    %get3A_1 = vector.load %arg3[%get3A, %get3A_0] : memref<512x128xf32, #tpu.memory_space<vmem>>, vector<512x128xf32>
    %get3A_2 = arith.constant 0 : index
    %get3A_3 = arith.constant 0 : index
    %get3A_4 = vector.load %arg4[%get3A_2, %get3A_3] : memref<512x128xf32, #tpu.memory_space<vmem>>, vector<512x128xf32>
    %get3A_5 = arith.constant 0 : index
    %get3A_6 = arith.constant 0 : index
    %get3A_7 = vector.load %arg5[%get3A_5, %get3A_6] : memref<128x2048xf32, #tpu.memory_space<vmem>>, vector<128x2048xf32>
    %dot_general3A = arith.constant dense<0.000000e+00> : vector<512x2048xf32>
    %dot_general3A_8 = tpu.matmul %get3A_4, %get3A_7, %dot_general3A {dimension_numbers = #tpu.dot_dimension_numbers<[1], [0], [0], [1], [0, 0, 1, 1], [], []>, transpose_lhs_hint = false} : vector<512x128xf32>, vector<128x2048xf32>, vector<512x2048xf32> -> vector<512x2048xf32>
    %get3A_9 = arith.constant 0 : index
    %get3A_10 = arith.constant 0 : index
    %get3A_11 = vector.load %arg1[%get3A_9, %get3A_10] : memref<512x1024xi32, #tpu.memory_space<vmem>>, vector<512x1024xi32>
    %shift_left3A = arith.constant 16 : i32
    %shift_left3A_12 = vector.broadcast %shift_left3A : i32 to vector<512x1024xi32>
    %shift_left3A_13 = arith.shli %get3A_11, %shift_left3A_12 : vector<512x1024xi32>
    %bitcast_convert_type3A = tpu.bitcast %shift_left3A_13 : vector<512x1024xi32> -> vector<512x1024xf32>
    %and3A = arith.constant -65536 : i32
    %and3A_14 = vector.broadcast %and3A : i32 to vector<512x1024xi32>
    %and3A_15 = arith.andi %get3A_11, %and3A_14 : vector<512x1024xi32>
    %bitcast_convert_type3A_16 = tpu.bitcast %and3A_15 : vector<512x1024xi32> -> vector<512x1024xf32>
    %concatenate3A = tpu.concatenate %bitcast_convert_type3A, %bitcast_convert_type3A_16 in 1 : vector<512x1024xf32>, vector<512x1024xf32> -> vector<512x2048xf32>
    %slice3A = vector.extract_strided_slice %get3A_1 {offsets = [0, 0], sizes = [512, 1], strides = [1, 1]} : vector<512x128xf32> to vector<512x1xf32>
    %mul3A = vector.broadcast %slice3A : vector<512x1xf32> to vector<512x2048xf32>
    %mul3A_17 = arith.mulf %concatenate3A, %mul3A : vector<512x2048xf32>
    %add3A = arith.addf %dot_general3A_8, %mul3A_17 : vector<512x2048xf32>
    %get3A_18 = arith.constant 0 : index
    %get3A_19 = arith.constant 0 : index
    %get3A_20 = vector.load %arg2[%get3A_18, %get3A_19] : memref<512x1024xi32, #tpu.memory_space<vmem>>, vector<512x1024xi32>
    %shift_left3A_21 = arith.constant 16 : i32
    %shift_left3A_22 = vector.broadcast %shift_left3A_21 : i32 to vector<512x1024xi32>
    %shift_left3A_23 = arith.shli %get3A_20, %shift_left3A_22 : vector<512x1024xi32>
    %bitcast_convert_type3A_24 = tpu.bitcast %shift_left3A_23 : vector<512x1024xi32> -> vector<512x1024xf32>
    %and3A_25 = arith.constant -65536 : i32
    %and3A_26 = vector.broadcast %and3A_25 : i32 to vector<512x1024xi32>
    %and3A_27 = arith.andi %get3A_20, %and3A_26 : vector<512x1024xi32>
    %bitcast_convert_type3A_28 = tpu.bitcast %and3A_27 : vector<512x1024xi32> -> vector<512x1024xf32>
    %concatenate3A_29 = tpu.concatenate %bitcast_convert_type3A_24, %bitcast_convert_type3A_28 in 1 : vector<512x1024xf32>, vector<512x1024xf32> -> vector<512x2048xf32>
    %slice3A_30 = vector.extract_strided_slice %get3A_1 {offsets = [0, 1], sizes = [512, 1], strides = [1, 1]} : vector<512x128xf32> to vector<512x1xf32>
    %mul3A_31 = vector.broadcast %slice3A_30 : vector<512x1xf32> to vector<512x2048xf32>
    %mul3A_32 = arith.mulf %concatenate3A_29, %mul3A_31 : vector<512x2048xf32>
    %add3A_33 = arith.addf %add3A, %mul3A_32 : vector<512x2048xf32>
    %swap3A = arith.constant 0 : index
    %swap3A_34 = arith.constant 0 : index
    %swap3A_35 = vector.load %arg6[%swap3A, %swap3A_34] : memref<512x2048xf32, #tpu.memory_space<vmem>>, vector<512x2048xf32>
    tpu.vector_store %arg6[%swap3A, %swap3A_34], %add3A_33 {strides = array<i32>} : memref<512x2048xf32, #tpu.memory_space<vmem>>, vector<512x2048xf32>,
    return
  }
  func.func @transform_0(%arg0: i32) -> (i32, i32) {
    %c0_i32 = arith.constant 0 : i32
    %c0_i32_0 = arith.constant 0 : i32
    return %arg0, %c0_i32 : i32, i32
  }
  func.func @transform_1(%arg0: i32) -> (i32, i32) {
    %add3A = arith.constant 8 : i32
    %add3A_0 = arith.addi %arg0, %add3A : i32
    %c0_i32 = arith.constant 0 : i32
    %c0_i32_1 = arith.constant 0 : i32
    return %add3A_0, %c0_i32 : i32, i32
  }
  func.func @transform_2(%arg0: i32) -> (i32, i32) {
    %c0_i32 = arith.constant 0 : i32
    %c0_i32_0 = arith.constant 0 : i32
    return %arg0, %c0_i32 : i32, i32
  }
  func.func @transform_3(%arg0: i32) -> (i32, i32) {
    %c0_i32 = arith.constant 0 : i32
    %c0_i32_0 = arith.constant 0 : i32
    return %arg0, %c0_i32 : i32, i32
  }
  func.func @transform_4(%arg0: i32) -> (i32, i32) {
    %c0_i32 = arith.constant 0 : i32
    %c0_i32_0 = arith.constant 0 : i32
    %c0_i32_1 = arith.constant 0 : i32
    return %c0_i32, %c0_i32_0 : i32, i32
  }
  func.func @transform_5(%arg0: i32) -> (i32, i32) {
    %c0_i32 = arith.constant 0 : i32
    %c0_i32_0 = arith.constant 0 : i32
    return %arg0, %c0_i32 : i32, i32
  }
}

module attributes {stable_mosaic.version = 14 : i64} {
  func.func @_combine_body_b(%arg0: i32, %arg1: memref<8192x2048xf32, #tpu.memory_space<any>>, %arg2: memref<512x1024xi32, #tpu.memory_space<vmem>>, %arg3: memref<512x1024xi32, #tpu.memory_space<vmem>>, %arg4: memref<512x128xf32, #tpu.memory_space<vmem>>, %arg5: memref<512x128xf32, #tpu.memory_space<vmem>>, %arg6: memref<128x2048xf32, #tpu.memory_space<vmem>>, %arg7: memref<512x2048xf32, #tpu.memory_space<vmem>>) attributes {dimension_semantics = [#tpu.dimension_semantics<arbitrary>], iteration_bounds = array<i64: 8>, scalar_prefetch = 0 : i64, scratch_operands = 0 : i64, tpu.core_type = #tpu.core_type<tc>, window_params = [{}, {transform_indices = @transform_1, window_bounds = array<i64: 512, 1024>}, {transform_indices = @transform_2, window_bounds = array<i64: 512, 1024>}, {transform_indices = @transform_3, window_bounds = array<i64: 512, 128>}, {transform_indices = @transform_4, window_bounds = array<i64: 512, 128>}, {pipeline_mode = #tpu.pipeline_mode<synchronous>, transform_indices = @transform_5, window_bounds = array<i64: 128, 2048>}, {transform_indices = @transform_6, window_bounds = array<i64: 512, 2048>}]} {
    %get3A = arith.constant 0 : index
    %get3A_0 = arith.constant 0 : index
    %get3A_1 = vector.load %arg4[%get3A, %get3A_0] : memref<512x128xf32, #tpu.memory_space<vmem>>, vector<512x128xf32>
    %get3A_2 = arith.constant 0 : index
    %get3A_3 = arith.constant 0 : index
    %get3A_4 = vector.load %arg5[%get3A_2, %get3A_3] : memref<512x128xf32, #tpu.memory_space<vmem>>, vector<512x128xf32>
    %get3A_5 = arith.constant 0 : index
    %get3A_6 = arith.constant 0 : index
    %get3A_7 = vector.load %arg6[%get3A_5, %get3A_6] : memref<128x2048xf32, #tpu.memory_space<vmem>>, vector<128x2048xf32>
    %dot_general3A = arith.constant dense<0.000000e+00> : vector<512x2048xf32>
    %dot_general3A_8 = tpu.matmul %get3A_4, %get3A_7, %dot_general3A {dimension_numbers = #tpu.dot_dimension_numbers<[1], [0], [0], [1], [0, 0, 1, 1], [], []>, transpose_lhs_hint = false} : vector<512x128xf32>, vector<128x2048xf32>, vector<512x2048xf32> -> vector<512x2048xf32>
    %get3A_9 = arith.constant 0 : index
    %get3A_10 = arith.constant 0 : index
    %get3A_11 = vector.load %arg2[%get3A_9, %get3A_10] : memref<512x1024xi32, #tpu.memory_space<vmem>>, vector<512x1024xi32>
    %shift_left3A = arith.constant 16 : i32
    %shift_left3A_12 = vector.broadcast %shift_left3A : i32 to vector<512x1024xi32>
    %shift_left3A_13 = arith.shli %get3A_11, %shift_left3A_12 : vector<512x1024xi32>
    %bitcast_convert_type3A = tpu.bitcast %shift_left3A_13 : vector<512x1024xi32> -> vector<512x1024xf32>
    %and3A = arith.constant -65536 : i32
    %and3A_14 = vector.broadcast %and3A : i32 to vector<512x1024xi32>
    %and3A_15 = arith.andi %get3A_11, %and3A_14 : vector<512x1024xi32>
    %bitcast_convert_type3A_16 = tpu.bitcast %and3A_15 : vector<512x1024xi32> -> vector<512x1024xf32>
    %concatenate3A = tpu.concatenate %bitcast_convert_type3A, %bitcast_convert_type3A_16 in 1 : vector<512x1024xf32>, vector<512x1024xf32> -> vector<512x2048xf32>
    %slice3A = vector.extract_strided_slice %get3A_1 {offsets = [0, 0], sizes = [512, 1], strides = [1, 1]} : vector<512x128xf32> to vector<512x1xf32>
    %mul3A = vector.broadcast %slice3A : vector<512x1xf32> to vector<512x2048xf32>
    %mul3A_17 = arith.mulf %concatenate3A, %mul3A : vector<512x2048xf32>
    %add3A = arith.addf %dot_general3A_8, %mul3A_17 : vector<512x2048xf32>
    %get3A_18 = arith.constant 0 : index
    %get3A_19 = arith.constant 0 : index
    %get3A_20 = vector.load %arg3[%get3A_18, %get3A_19] : memref<512x1024xi32, #tpu.memory_space<vmem>>, vector<512x1024xi32>
    %shift_left3A_21 = arith.constant 16 : i32
    %shift_left3A_22 = vector.broadcast %shift_left3A_21 : i32 to vector<512x1024xi32>
    %shift_left3A_23 = arith.shli %get3A_20, %shift_left3A_22 : vector<512x1024xi32>
    %bitcast_convert_type3A_24 = tpu.bitcast %shift_left3A_23 : vector<512x1024xi32> -> vector<512x1024xf32>
    %and3A_25 = arith.constant -65536 : i32
    %and3A_26 = vector.broadcast %and3A_25 : i32 to vector<512x1024xi32>
    %and3A_27 = arith.andi %get3A_20, %and3A_26 : vector<512x1024xi32>
    %bitcast_convert_type3A_28 = tpu.bitcast %and3A_27 : vector<512x1024xi32> -> vector<512x1024xf32>
    %concatenate3A_29 = tpu.concatenate %bitcast_convert_type3A_24, %bitcast_convert_type3A_28 in 1 : vector<512x1024xf32>, vector<512x1024xf32> -> vector<512x2048xf32>
    %slice3A_30 = vector.extract_strided_slice %get3A_1 {offsets = [0, 1], sizes = [512, 1], strides = [1, 1]} : vector<512x128xf32> to vector<512x1xf32>
    %mul3A_31 = vector.broadcast %slice3A_30 : vector<512x1xf32> to vector<512x2048xf32>
    %mul3A_32 = arith.mulf %concatenate3A_29, %mul3A_31 : vector<512x2048xf32>
    %add3A_33 = arith.addf %add3A, %mul3A_32 : vector<512x2048xf32>
    %swap3A = arith.constant 0 : index
    %swap3A_34 = arith.constant 0 : index
    %swap3A_35 = vector.load %arg7[%swap3A, %swap3A_34] : memref<512x2048xf32, #tpu.memory_space<vmem>>, vector<512x2048xf32>
    tpu.vector_store %arg7[%swap3A, %swap3A_34], %add3A_33 {strides = array<i32>} : memref<512x2048xf32, #tpu.memory_space<vmem>>, vector<512x2048xf32>,
    return
  }
  func.func @transform_1(%arg0: i32) -> (i32, i32) {
    %c0_i32 = arith.constant 0 : i32
    %c0_i32_0 = arith.constant 0 : i32
    return %arg0, %c0_i32 : i32, i32
  }
  func.func @transform_2(%arg0: i32) -> (i32, i32) {
    %add3A = arith.constant 8 : i32
    %add3A_0 = arith.addi %arg0, %add3A : i32
    %c0_i32 = arith.constant 0 : i32
    %c0_i32_1 = arith.constant 0 : i32
    return %add3A_0, %c0_i32 : i32, i32
  }
  func.func @transform_3(%arg0: i32) -> (i32, i32) {
    %add3A = arith.constant 8 : i32
    %add3A_0 = arith.addi %arg0, %add3A : i32
    %c0_i32 = arith.constant 0 : i32
    %c0_i32_1 = arith.constant 0 : i32
    return %add3A_0, %c0_i32 : i32, i32
  }
  func.func @transform_4(%arg0: i32) -> (i32, i32) {
    %add3A = arith.constant 8 : i32
    %add3A_0 = arith.addi %arg0, %add3A : i32
    %c0_i32 = arith.constant 0 : i32
    %c0_i32_1 = arith.constant 0 : i32
    return %add3A_0, %c0_i32 : i32, i32
  }
  func.func @transform_5(%arg0: i32) -> (i32, i32) {
    %c0_i32 = arith.constant 0 : i32
    %c0_i32_0 = arith.constant 0 : i32
    %c0_i32_1 = arith.constant 0 : i32
    return %c0_i32, %c0_i32_0 : i32, i32
  }
  func.func @transform_6(%arg0: i32) -> (i32, i32) {
    %add3A = arith.constant 8 : i32
    %add3A_0 = arith.addi %arg0, %add3A : i32
    %c0_i32 = arith.constant 0 : i32
    %c0_i32_1 = arith.constant 0 : i32
    return %add3A_0, %c0_i32 : i32, i32
  }
}

</mosaic_0001>

<sc_bundles>
// kernel: kernel.12.cloned.1.call-start
scs
__scs_entry_jumppad:
0x0: {  	(pc) =	sbr.rel $0x88, $3  }
0x1: {  	(tag) =	ssettag $0x0;
	lr =	simm.s32 $0x1  }
0x2: {  	[smem:$0x3F9C] =	sst lr;
	_ =	strace $0xD0000000  }
0x3: {  	_ = 	snop  }
0x4: {  	_ = 	snop  }
0x5: {  	_ = 	snop  }
0x6: {  	_ = 	snop  }
0x7: {  	_ = 	snop  }
__scs_overlays_trampoline_lowered:
0x8: {  	[smem:$0x3FAB] =	sst s0  }
0x9: {  	[smem:$0x3FAC] =	sst s1  }
0xa: {  	[smem:$0x3FAD] =	sst s2  }
0xb: {  	[smem:$0x3FAE] =	sst s3  }
0xc: {  	[smem:$0x3FAF] =	sst s4  }
0xd: {  	[smem:$0x3FB0] =	sst s5  }
0xe: {  	[smem:$0x3FB1] =	sst s6  }
0xf: {  	[smem:$0x3FB2] =	sst s7  }
0x10: {  	[smem:$0x3FB3] =	sst s8  }
0x11: {  	[smem:$0x3FB4] =	sst s9;
	s0 =	simm.s32 @!p0 $0x0  }
0x12: {  	s1 =	sld [smem:$0x3F9A];
	s0 =	simm.s32 @p0 $0x1  }
0x13: {  	[smem:$0x3FB5] =	sst s0;
	s0 =	simm.s32 @!p1 $0x0  }
0x14: {  	s2 =	sld [smem:$0x3F99];
	s0 =	simm.s32 @p1 $0x1  }
0x15: {  	[smem:$0x3FB6] =	sst s0;
	s0 =	simm.s32 @!p2 $0x0  }
0x16: {  	s3 =	sld [smem:$0x3FDB];
	s0 =	simm.s32 @p2 $0x1  }
0x17: {  	s4 =	simm.s32 $0x1BF5;
	[smem:$0x3FB8] =	sst s0  }
0x18: {  	s0 =	sld [smem:$0x3F9B];
	_ =	swait.ge [sflag:s4], $0x0  }
0x19: {  	s7 =	sld [smem:$0x3F9C]  }
0x1a: {  	s8 =	sadd.s32 $0xFFFFE003, lr  }
0x1b: {  	s9 =	sadd.s32 $0xFFFFFEF7, lr;
	s5 =	simm.s32 $0xFFFFFFFF;
	p2 =	slt.u32 s8, $0xFFFFF086  }
0x1c: {  	p1 =	slt.u32 s9, $0xF7A;
	s5 =	simm.s32 @!p2 $0x0  }
0x1d: {  	s5 =	simm.s32 @p1 $0x1;
	p0 =	seq.s32 s7, s2  }
0x1e: {  	s7 =	smul.u32 @!p0 $0xF7A, s2;
	p2 =	seq.s32 @!p0 s5, $0x0  }
0x1f: {  	s9 =	smul.u32 $0xF7A, s1;
	s8 =	simm.s32 @!p0 $0x1BF5;
	p2 =	por !p2, p0  }
0x20: {  	[sflag:s8] =	ssyncset.s32 @!p0 $0xFFFFF086;
	s6 =	sadd.s32 @!p0 s3, s7;
	s7 =	simm.s32 @!p0 $0x108  }
0x21: {  	s3 =	sadd.s32 s3, s9;
	s6 =	sadd.s32 @!p0 $0x88, s6;
	s7 =	simm.s32 @p2 $0x1082  }
0x22: {  	[simem:s7], [sflag:s8] =	dma.local @!p0 [hbm:s6], $0xF7A  }
0x23: {  	s9 =	sor.u32 $0xD0000000, s2;
	s6 =	simm.s32 $0x108;
	_ =	swait.ge @!p0 [sflag:s8], $0x0  }
0x24: {  	s3 =	sadd.s32 $0x88, s3;
	s6 =	simm.s32 @!p1 $0x1082;
	[sflag:s4] =	ssyncset.s32 $0xFFFFF086  }
0x25: {  	[simem:s6], [sflag:s4] =	dma.local [hbm:s3], $0xF7A  }
0x26: {  	[smem:$0x3F9C] =	sst s1;
	(tag) =	ssettag s2;
	_ =	strace s9  }
0x27: {  	s1 =	sld [smem:$0x3FAC]  }
0x28: {  	s2 =	sld [smem:$0x3FAD]  }
0x29: {  	s4 =	sld [smem:$0x3FAF]  }
0x2a: {  	p0 =	seq.s32 s5, $0x0;
	s5 =	sld [smem:$0x3FB0]  }
0x2b: {  	s6 =	sld [smem:$0x3FB1]  }
0x2c: {  	s7 =	sld [smem:$0x3FB2]  }
0x2d: {  	s3 =	simm.s32 $0x108;
	s8 =	sld [smem:$0x3FB3]  }
0x2e: {  	s3 =	simm.s32 @!p0 $0x1082;
	s9 =	sld [smem:$0x3FB4]  }
0x2f: {  	lr =	sadd.s32 s0, s3;
	s0 =	sld [smem:$0x3FAB]  }
0x30: {  	s3 =	sld [smem:$0x3FAE]  }
0x31: {  	[smem:$0x3FB7] =	sst s10  }
0x32: {  	s10 =	sld [smem:$0x3FB5];
	_ =	sdelay $0x3  }
0x33: {  	p0 =	seq.s32 s10, $0x1;
	s10 =	sld [smem:$0x3FB7];
	_ =	sdelay $0x3  }
0x34: {  	[smem:$0x3FB7] =	sst s10  }
0x35: {  	s10 =	sld [smem:$0x3FB6];
	_ =	sdelay $0x3  }
0x36: {  	p1 =	seq.s32 s10, $0x1;
	s10 =	sld [smem:$0x3FB7];
	_ =	sdelay $0x3  }
0x37: {  	[smem:$0x3FB7] =	sst s10  }
0x38: {  	s10 =	sld [smem:$0x3FB8]  }
0x39: {  	_ = 	snop;
	(pc) =	sbr.ind lr, $3  }
0x3a: {  	_ = 	snop  }
0x3b: {  	_ = 	snop  }
0x3c: {  	p2 =	seq.s32 s10, $0x1;
	s10 =	sld [smem:$0x3FB7]  }
0x3d: {  	_ =	shalt  }
0x3e: {  	_ =	shalt  }
0x3f: {  	_ =	shalt  }
0x40: {  	_ =	shalt  }
0x41: {  	_ =	shalt  }
0x42: {  	_ =	shalt  }
0x43: {  	_ =	shalt  }
0x44: {  	_ =	shalt  }
0x45: {  	_ =	shalt  }
0x46: {  	_ =	shalt  }
0x47: {  	_ =	shalt  }
0x48: {  	_ =	shalt  }
0x49: {  	_ =	shalt  }
0x4a: {  	_ =	shalt  }
0x4b: {  	_ =	shalt  }
0x4c: {  	_ =	shalt  }
0x4d: {  	_ =	shalt  }
0x4e: {  	_ =	shalt  }
0x4f: {  	_ =	shalt  }
0x50: {  	_ =	shalt  }
0x51: {  	_ =	shalt  }
0x52: {  	_ =	shalt  }
0x53: {  	_ =	shalt  }
0x54: {  	_ =	shalt  }
0x55: {  	_ =	shalt  }
0x56: {  	_ =	shalt  }
0x57: {  	_ =	shalt  }
0x58: {  	_ =	shalt  }
0x59: {  	_ =	shalt  }
0x5a: {  	_ =	shalt  }
0x5b: {  	_ =	shalt  }
0x5c: {  	_ =	shalt  }
0x5d: {  	_ =	shalt  }
0x5e: {  	_ =	shalt  }
0x5f: {  	_ =	shalt  }
0x60: {  	_ =	shalt  }
0x61: {  	_ =	shalt  }
0x62: {  	_ =	shalt  }
0x63: {  	_ =	shalt  }
0x64: {  	_ =	shalt  }
0x65: {  	_ =	shalt  }
0x66: {  	_ =	shalt  }
0x67: {  	_ =	shalt  }
0x68: {  	_ =	shalt  }
0x69: {  	_ =	shalt  }
0x6a: {  	_ =	shalt  }
0x6b: {  	_ =	shalt  }
0x6c: {  	_ =	shalt  }
0x6d: {  	_ =	shalt  }
0x6e: {  	_ =	shalt  }
0x6f: {  	_ =	shalt  }
0x70: {  	_ =	shalt  }
0x71: {  	_ =	shalt  }
0x72: {  	_ =	shalt  }
0x73: {  	_ =	shalt  }
0x74: {  	_ =	shalt  }
0x75: {  	_ =	shalt  }
0x76: {  	_ =	shalt  }
0x77: {  	_ =	shalt  }
0x78: {  	_ =	shalt  }
0x79: {  	_ =	shalt  }
0x7a: {  	_ =	shalt  }
0x7b: {  	_ =	shalt  }
0x7c: {  	_ =	shalt  }
0x7d: {  	_ =	shalt  }
0x7e: {  	_ =	shalt  }
0x7f: {  	_ =	shalt  }
0x80: {  	_ =	shalt  }
0x81: {  	_ =	shalt  }
0x82: {  	_ =	shalt  }
0x83: {  	_ =	shalt  }
0x84: {  	_ =	shalt  }
0x85: {  	_ =	shalt  }
0x86: {  	_ =	shalt  }
0x87: {  	_ =	shalt  }
.Lfunc_end0:
.L_simem_size_0:
called_computation_lowered:
.L_overlay_start_0:
0x88: {  	s2 =	sld [smem:$0x3FD9]  }
0x89: {  	s3 =	sld [smem:$0x3FFE];
	_ =	sdelay $0x1  }
0x8a: {  	s1 =	srdreg.scid  }
0x8b: {  	s0 =	sand.u32 $0x1, s1  }
0x8c: {  	s16 =	sshll.u32 s0, $0xA;
	s2 =	sadd.s32 s3, s2  }
0x8d: {  	s2 =	sadd.s32 s2, s16  }
0x8e: {  	[smem:$0x3FC3] =	sst s2  }
0x8f: {  	_ = 	snop  }
0x90: {  	(tm) =	ssettm $0x1  }
0x91: {  	s17 =	sld [smem:$0x3FFB];
	_ =	sdelay $0x3  }
0x92: {  	_ =	strace s17  }
0x93: {  	s2 =	sld [smem:$0x3FFC];
	_ =	sdelay $0x3  }
0x94: {  	_ =	strace s2  }
0x95: {  	s2 =	sld [smem:$0x3FFD];
	_ =	sdelay $0x3  }
0x96: {  	_ =	strace s2  }
0x97: {  	_ =	strace $0x8FFFFFFF  }
0x98: {  	s18 =	sld [smem:$0x3FDB];
	_ =	sdelay $0x1  }
0x99: {  	s19 =	simm.s32 $_scs_section_size  }
0x9a: {  	s4 =	simm.s32 $_size__tile_overlayer_lowered;
	s5 =	simm.s32 $_tile_overlayer_lowered  }
0x9b: {  	s22 =	simm.s32 $0x1BFF;
	s21 =	sshll.u32 s5, $0x1;
	s2 =	sadd.s32 s19, s18  }
0x9c: {  	s6 =	simm.s32 $0x0;
	s20 =	sshll.u32 s4, $0x1;
	s4 =	sadd.s32 s21, s2  }
0x9d: {  	[timem:s6], [sflag:s22] =	dma.local [hbm:s4], s20  }
0x9e: {  	_ =	swait.ge [sflag:s22], s20  }
0x9f: {  	s3 =	ssub.s32 $0x0, s20;
	[sflag:s22] =	ssyncset.done $0x0  }
0xa0: {  	[sflag:s22] =	ssyncadd.s32 s3;
	_ =	sdelay $0x1  }
0xa1: {  	s23 =	simm.s32 $0x1B8B  }
0xa2: {  	_ =	swait.ge [sflag:s23], $0x1  }
0xa3: {  	[sflag:s23] =	ssyncset.done $0x0  }
0xa4: {  	s25 =	simm.s32 $0x1B8E;
	s24 =	sld [smem:$0x3FFE];
	[sflag:s23] =	ssyncadd.s32 $0xFFFFFFFF  }
0xa5: {  	s26 =	simm.s32 $execute0_lowered;
	[smem:$0x3FD2] =	sst s25  }
0xa6: {  	s4 =	sshll.u32 s26, $0x1;
	_ =	strace $0x80000046;
	[dreg:$0x1] =	wrdreg $0xFFFFFFFF  }
0xa7: {  	s28 =	simm.s32 $_size_execute0_lowered;
	s2 =	sadd.s32 s2, s4;
	[dreg:$0x0] =	wrdreg $0x0  }
0xa8: {  	s4 =	sshll.u32 s28, $0x1;
	[dreg:$0x2] =	wrdreg s2  }
0xa9: {  	[dreg:$0x3] =	wrdreg s4  }
0xaa: {  	[dreg:$0x4] =	wrdreg $0xC0  }
0xab: {  	_ =	task [dreg:s6], $0x5FFFF  }
0xac: {  	[dreg:$0x1] =	wrdreg $0xFFFFFFFF  }
0xad: {  	[dreg:$0x0] =	wrdreg $0x60  }
0xae: {  	[dreg:$0x2] =	wrdreg s24  }
0xaf: {  	[dreg:$0x3] =	wrdreg $0xA  }
0xb0: {  	_ =	task.clear_ibuf [dreg:s6], $0x4FFFF;
	_ =	strace $0x90000046  }
0xb1: {  	s29 =	simm.s32 $0xA;
	_ =	strace $0x80000048  }
0xb2: {  	_ =	swait.ge [sflag:s29], $0x1  }
0xb3: {  	[sflag:s29] =	ssyncadd.s32 $0xFFFFFFFF  }
0xb4: {  	_ =	strace $0x90000048  }
0xb5: {  	_ =	sfence  }
0xb6: {  	s30 =	sld [smem:$0x0];
	_ =	sdelay $0x2  }
0xb7: {  	s31 =	sshll.u32 s1, $0xD;
	s1 =	sshrl.u32 s1, $0x2  }
0xb8: {  	s3 =	sand.u32 $0x4000, s31;
	s1 =	sadd.s32 s1, s30  }
0xb9: {  	s0 =	sor.u32 s3, s0;
	s1 =	sshll.u32 s1, $0x11  }
0xba: {  	s0 =	sor.u32 s1, s0  }
0xbb: {  	s0 =	sadd.s32 $0x8F2B, s0  }
0xbc: {  	[sflag:s0] =	ssyncadd.remote.s32 $0x1  }
0xbd: {  	_ =	sfence.sel $0xFFFF  }
0xbe: {  	[dreg:$0x0] =	wrdreg $0xFFFFFFFF;
	(pc) =	sbr.abs _section_cstart, $3  }
0xbf: {  	[dreg:$0x1] =	wrdreg $0xFFFFFFFF  }
0xc0: {  	_ =	task.clear_ibuf [dreg:s6], $0x2FFFF;
	_ =	strace $0x9FFFFFFF  }
0xc1: {  	(tm) =	ssettm $0x7FFFFFFF  }
tec
execute0_lowered:
.L_overlay_start_1:
0x0: {  	(tag) =	ssettag $0x1  }
0x1: {  	s0 =	rddreg [dreg:$0x0];
	s1 =	simm.s32 $0x0;
	s2 =	srdreg.scid  }
0x2: {  	s5 =	stileid.u32;
	s13 =	simm.s32 $0x3;
	s20 =	simm.s32 $0xF800  }
0x3: {  	s21 =	simm.s32 $0x1;
	s22 =	simm.s32 $0x2;
	[smem:$0x7FF] =	sst s1  }
0x4: {  	s24 =	sadd.s32 $0x2200, s0;
	s2 =	sand.u32 $0x1, s2;
	s25 =	sadd.s32 $0x142800, s0  }
0x5: {  	s28 =	sadd.s32 $0x142400, s0;
	s6 =	sadd.s32 $0x142C00, s0;
	s3 =	ssub.s32 $0x2, s2  }
0x6: {  	s30 =	sshll.u32 s5, $0x8;
	s8 =	sadd.s32 $0x142D00, s0;
	s4 =	sshrl.u32 s3, $0x1  }
0x7: {  	v2 =	vlaneseq.u32;
	s9 =	sadd.s32 $0x142E00, s0;
	s10 =	sadd.s32 $0x142F00, s0;
	s3 =	ssub.s32 s3, s4  }
0x8: {  	vm0 =	vmmov $0xffff;
	v1 =	vshrl.u32 v2, $0x3;
	s0 =	simm.s32 $0x0;
	s2 =	sshll.u32 s2, $0x7;
	s31 =	smax.u32 s3, $0x1  }
0x9: {  	v0 =	vand.u32 $0x7, v2;
	v2 =	vor.u32 $0x8, v2;
	_ =	strace $0x80000047;
	v1 =	vmul.u32 $0x8, v1;
	s26 =	sor.u32 s2, s30;
	[dreg:$0x2] =	wrdreg s31  }
.LBB2_1:
0xa: {  	[dreg:$0x3] =	wrdreg s0;
	p0 =	por $0x1, $0x1;
	s23 =	simm.s32 $0x0  }
.LBB2_2:
0xb: {  	s23 =	sor.u32 s26, s23;
	s30 =	smov.u32 s26  }
0xc: {  	s26 =	smov.u32 s24;
	s29 =	smov.u32 s28;
	s24 =	sshrl.u32 s23, $0x3  }
0xd: {  	s28 =	smov.u32 s25;
	s19 =	simm.s32 $0x10000;
	s25 =	sadd.s32 s25, s24  }
0xe: {  	[tilespmem:s19], [sflag:$0x3] =	stream.linear.gather [hbm4b:s25+s1], $0x40, $0x38;
	[tilespmem:$0x10100] =	vst v63  }
0xf: {  	_ =	swait.ge [sflag:s13], $0x40  }
0x10: {  	s25 =	smov.u32 s28;
	s28 =	smov.u32 s29;
	[sflag:s13] =	ssyncset.done $0x0  }
0x11: {  	s29 =	simm.s32 $0x10080;
	s24 =	sadd.s32 s28, s24;
	[sflag:s13] =	ssyncadd.s32 $0xFFFFFFC0  }
0x12: {  	[tilespmem:s29], [sflag:$0x3] =	stream.linear.gather [hbm4b:s24+s1], $0x40, $0x38;
	[tilespmem:$0x10100] =	vst v63  }
0x13: {  	_ =	swait.ge [sflag:s13], $0x40  }
0x14: {  	s23 =	sshll.u32 s23, $0x7;
	s24 =	smov.u32 s26;
	[sflag:s13] =	ssyncset.done $0x0  }
0x15: {  	s23 =	sadd.s32 s24, s23;
	[sflag:s13] =	ssyncadd.s32 $0xFFFFFFC0  }
0x16: {  	[tilespmem:s1], [sflag:$0x3] =	stream.linear.gather [hbm4b:s23+s1], $0x10000, $0x38;
	[tilespmem:$0x10100] =	vst v63  }
0x17: {  	_ =	swait.ge [sflag:s13], $0x10000  }
0x18: {  	[sflag:s13] =	ssyncset.done $0x0  }
0x19: {  	[sflag:s13] =	ssyncadd.s32 $0xFFFF0000  }
0x1a: {  	v3 =	vld [tilespmem:$0x10000];
	_ =	sdelay $0x4  }
0x1b: {  	v4 =	vshll.u32 v3, $0x3  }
0x1c: {  	v3 =	vand.u32 $0x7, v3;
	v4 =	vand.u32 $0xFFFFFFC0, v4  }
0x1d: {  	v3 =	vor.u32 v3, v4  }
0x1e: {  	v4 =	vperm.xlane v3, v0;
	_ =	sdelay $0x1  }
0x1f: {  	v4 =	vadd.s32 v1, v4;
	_ =	sdelay $0x4  }
0x20: {  	[hbm4b:s6+s1] =	stream.indirect_vreg.scatter [tilespmem:s1], [sflag:$0x1], $0x80, v4, vm0, $0xb8;
	[tilespmem:$0x10100] =	vst v63  }
0x21: {  	s29 =	simm.s32 $0x800;
	v3 =	vperm.xlane v3, v2  }
0x22: {  	[hbm4b:s8+s1] =	stream.indirect_vreg.scatter [tilespmem:s29], [sflag:$0x1], $0x80, v4, vm0, $0xb8;
	[tilespmem:$0x10100] =	vst v63  }
0x23: {  	s26 =	smov.u32 s30;
	s30 =	simm.s32 $0x1000;
	v3 =	vadd.s32 v1, v3  }
0x24: {  	[hbm4b:s9+s1] =	stream.indirect_vreg.scatter [tilespmem:s30], [sflag:$0x1], $0x80, v4, vm0, $0xb8;
	[tilespmem:$0x10100] =	vst v63  }
0x25: {  	s31 =	simm.s32 $0x1800  }
0x26: {  	[hbm4b:s10+s1] =	stream.indirect_vreg.scatter [tilespmem:s31], [sflag:$0x1], $0x80, v4, vm0, $0xb8;
	[tilespmem:$0x10100] =	vst v63  }
0x27: {  	s31 =	simm.s32 $0x2000  }
0x28: {  	[hbm4b:s6+s1] =	stream.indirect_vreg.scatter [tilespmem:s31], [sflag:$0x1], $0x80, v3, vm0, $0xb8;
	[tilespmem:$0x10100] =	vst v63  }
0x29: {  	s0 =	simm.s32 $0x2800  }
0x2a: {  	[hbm4b:s8+s1] =	stream.indirect_vreg.scatter [tilespmem:s0], [sflag:$0x1], $0x80, v3, vm0, $0xb8;
	[tilespmem:$0x10100] =	vst v63  }
0x2b: {  	s3 =	simm.s32 $0x3000  }
0x2c: {  	[hbm4b:s9+s1] =	stream.indirect_vreg.scatter [tilespmem:s3], [sflag:$0x1], $0x80, v3, vm0, $0xb8;
	[tilespmem:$0x10100] =	vst v63  }
0x2d: {  	s3 =	simm.s32 $0x3800  }
0x2e: {  	[hbm4b:s10+s1] =	stream.indirect_vreg.scatter [tilespmem:s3], [sflag:$0x1], $0x80, v3, vm0, $0xb8;
	[tilespmem:$0x10100] =	vst v63  }
0x2f: {  	v3 =	vld [tilespmem:$0x10010];
	_ =	sdelay $0x4  }
0x30: {  	v57 =	vshll.u32 v3, $0x3  }
0x31: {  	v3 =	vand.u32 $0x7, v3;
	v4 =	vand.u32 $0xFFFFFFC0, v57  }
0x32: {  	v3 =	vor.u32 v3, v4  }
0x33: {  	v4 =	vperm.xlane v3, v0;
	_ =	sdelay $0x1  }
0x34: {  	v4 =	vadd.s32 v1, v4;
	_ =	sdelay $0x3  }
0x35: {  	s11 =	simm.s32 $0x4000  }
0x36: {  	[hbm4b:s6+s1] =	stream.indirect_vreg.scatter [tilespmem:s11], [sflag:$0x1], $0x80, v4, vm0, $0xb8;
	[tilespmem:$0x10100] =	vst v63  }
0x37: {  	v3 =	vperm.xlane v3, v2;
	s11 =	simm.s32 $0x4800  }
0x38: {  	[hbm4b:s8+s1] =	stream.indirect_vreg.scatter [tilespmem:s11], [sflag:$0x1], $0x80, v4, vm0, $0xb8;
	[tilespmem:$0x10100] =	vst v63  }
0x39: {  	s12 =	simm.s32 $0x5000;
	v3 =	vadd.s32 v1, v3  }
0x3a: {  	[hbm4b:s9+s1] =	stream.indirect_vreg.scatter [tilespmem:s12], [sflag:$0x1], $0x80, v4, vm0, $0xb8;
	[tilespmem:$0x10100] =	vst v63  }
0x3b: {  	s12 =	simm.s32 $0x5800  }
0x3c: {  	[hbm4b:s10+s1] =	stream.indirect_vreg.scatter [tilespmem:s12], [sflag:$0x1], $0x80, v4, vm0, $0xb8;
	[tilespmem:$0x10100] =	vst v63  }
0x3d: {  	s14 =	simm.s32 $0x6000  }
0x3e: {  	[hbm4b:s6+s1] =	stream.indirect_vreg.scatter [tilespmem:s14], [sflag:$0x1], $0x80, v3, vm0, $0xb8;
	[tilespmem:$0x10100] =	vst v63  }
0x3f: {  	s14 =	simm.s32 $0x6800  }
0x40: {  	[hbm4b:s8+s1] =	stream.indirect_vreg.scatter [tilespmem:s14], [sflag:$0x1], $0x80, v3, vm0, $0xb8;
	[tilespmem:$0x10100] =	vst v63  }
0x41: {  	s2 =	simm.s32 $0x7000  }
0x42: {  	[hbm4b:s9+s1] =	stream.indirect_vreg.scatter [tilespmem:s2], [sflag:$0x1], $0x80, v3, vm0, $0xb8;
	[tilespmem:$0x10100] =	vst v63  }
0x43: {  	s2 =	simm.s32 $0x7800  }
0x44: {  	[hbm4b:s10+s1] =	stream.indirect_vreg.scatter [tilespmem:s2], [sflag:$0x1], $0x80, v3, vm0, $0xb8;
	[tilespmem:$0x10100] =	vst v63  }
0x45: {  	v3 =	vld [tilespmem:$0x10020];
	_ =	sdelay $0x4  }
0x46: {  	v58 =	vshll.u32 v3, $0x3  }
0x47: {  	v3 =	vand.u32 $0x7, v3;
	v4 =	vand.u32 $0xFFFFFFC0, v58  }
0x48: {  	v3 =	vor.u32 v3, v4  }
0x49: {  	v4 =	vperm.xlane v3, v0;
	_ =	sdelay $0x1  }
0x4a: {  	v4 =	vadd.s32 v1, v4;
	_ =	sdelay $0x3  }
0x4b: {  	s4 =	simm.s32 $0x8000  }
0x4c: {  	[hbm4b:s6+s1] =	stream.indirect_vreg.scatter [tilespmem:s4], [sflag:$0x1], $0x80, v4, vm0, $0xb8;
	[tilespmem:$0x10100] =	vst v63  }
0x4d: {  	v3 =	vperm.xlane v3, v2;
	s4 =	simm.s32 $0x8800  }
0x4e: {  	[hbm4b:s8+s1] =	stream.indirect_vreg.scatter [tilespmem:s4], [sflag:$0x1], $0x80, v4, vm0, $0xb8;
	[tilespmem:$0x10100] =	vst v63  }
0x4f: {  	s5 =	simm.s32 $0x9000;
	v3 =	vadd.s32 v1, v3  }
0x50: {  	[hbm4b:s9+s1] =	stream.indirect_vreg.scatter [tilespmem:s5], [sflag:$0x1], $0x80, v4, vm0, $0xb8;
	[tilespmem:$0x10100] =	vst v63  }
0x51: {  	s5 =	simm.s32 $0x9800  }
0x52: {  	[hbm4b:s10+s1] =	stream.indirect_vreg.scatter [tilespmem:s5], [sflag:$0x1], $0x80, v4, vm0, $0xb8;
	[tilespmem:$0x10100] =	vst v63  }
0x53: {  	s7 =	simm.s32 $0xA000  }
0x54: {  	[hbm4b:s6+s1] =	stream.indirect_vreg.scatter [tilespmem:s7], [sflag:$0x1], $0x80, v3, vm0, $0xb8;
	[tilespmem:$0x10100] =	vst v63  }
0x55: {  	s7 =	simm.s32 $0xA800  }
0x56: {  	[hbm4b:s8+s1] =	stream.indirect_vreg.scatter [tilespmem:s7], [sflag:$0x1], $0x80, v3, vm0, $0xb8;
	[tilespmem:$0x10100] =	vst v63  }
0x57: {  	s15 =	simm.s32 $0xB000  }
0x58: {  	[hbm4b:s9+s1] =	stream.indirect_vreg.scatter [tilespmem:s15], [sflag:$0x1], $0x80, v3, vm0, $0xb8;
	[tilespmem:$0x10100] =	vst v63  }
0x59: {  	s15 =	simm.s32 $0xB800  }
0x5a: {  	[hbm4b:s10+s1] =	stream.indirect_vreg.scatter [tilespmem:s15], [sflag:$0x1], $0x80, v3, vm0, $0xb8;
	[tilespmem:$0x10100] =	vst v63  }
0x5b: {  	v3 =	vld [tilespmem:$0x10030];
	_ =	sdelay $0x4  }
0x5c: {  	v59 =	vshll.u32 v3, $0x3  }
0x5d: {  	v3 =	vand.u32 $0x7, v3;
	v4 =	vand.u32 $0xFFFFFFC0, v59  }
0x5e: {  	v3 =	vor.u32 v3, v4  }
0x5f: {  	v4 =	vperm.xlane v3, v0;
	_ =	sdelay $0x1  }
0x60: {  	v4 =	vadd.s32 v1, v4;
	_ =	sdelay $0x3  }
0x61: {  	s16 =	simm.s32 $0xC000  }
0x62: {  	[hbm4b:s6+s1] =	stream.indirect_vreg.scatter [tilespmem:s16], [sflag:$0x1], $0x80, v4, vm0, $0xb8;
	[tilespmem:$0x10100] =	vst v63  }
0x63: {  	v3 =	vperm.xlane v3, v2;
	s16 =	simm.s32 $0xC800  }
0x64: {  	[hbm4b:s8+s1] =	stream.indirect_vreg.scatter [tilespmem:s16], [sflag:$0x1], $0x80, v4, vm0, $0xb8;
	[tilespmem:$0x10100] =	vst v63  }
0x65: {  	s17 =	simm.s32 $0xD000;
	v3 =	vadd.s32 v1, v3  }
0x66: {  	[hbm4b:s9+s1] =	stream.indirect_vreg.scatter [tilespmem:s17], [sflag:$0x1], $0x80, v4, vm0, $0xb8;
	[tilespmem:$0x10100] =	vst v63  }
0x67: {  	s17 =	simm.s32 $0xD800  }
0x68: {  	[hbm4b:s10+s1] =	stream.indirect_vreg.scatter [tilespmem:s17], [sflag:$0x1], $0x80, v4, vm0, $0xb8;
	[tilespmem:$0x10100] =	vst v63  }
0x69: {  	s18 =	simm.s32 $0xE000  }
0x6a: {  	[hbm4b:s6+s1] =	stream.indirect_vreg.scatter [tilespmem:s18], [sflag:$0x1], $0x80, v3, vm0, $0xb8;
	[tilespmem:$0x10100] =	vst v63  }
0x6b: {  	s18 =	simm.s32 $0xE800  }
0x6c: {  	[hbm4b:s8+s1] =	stream.indirect_vreg.scatter [tilespmem:s18], [sflag:$0x1], $0x80, v3, vm0, $0xb8;
	[tilespmem:$0x10100] =	vst v63  }
0x6d: {  	s19 =	simm.s32 $0xF000  }
0x6e: {  	[hbm4b:s9+s1] =	stream.indirect_vreg.scatter [tilespmem:s19], [sflag:$0x1], $0x80, v3, vm0, $0xb8;
	[tilespmem:$0x10100] =	vst v63  }
0x6f: {  	_ = 	snop  }
0x70: {  	[hbm4b:s10+s1] =	stream.indirect_vreg.scatter [tilespmem:s20], [sflag:$0x1], $0x80, v3, vm0, $0xb8;
	[tilespmem:$0x10100] =	vst v63  }
0x71: {  	v3 =	vld [tilespmem:$0x10080];
	_ =	sdelay $0x4  }
0x72: {  	v60 =	vshll.u32 v3, $0x3  }
0x73: {  	v3 =	vand.u32 $0x7, v3;
	v4 =	vand.u32 $0xFFFFFFC0, v60  }
0x74: {  	v3 =	vor.u32 v3, v4  }
0x75: {  	v4 =	vperm.xlane v3, v0;
	_ =	sdelay $0x1  }
0x76: {  	v4 =	vadd.s32 v1, v4;
	_ =	sdelay $0x4  }
0x77: {  	[hbm4b:s6+s1] =	stream.indirect_vreg.scatter [tilespmem:s1], [sflag:$0x2], $0x80, v4, vm0, $0xb8;
	[tilespmem:$0x10100] =	vst v63  }
0x78: {  	v3 =	vperm.xlane v3, v2  }
0x79: {  	[hbm4b:s8+s1] =	stream.indirect_vreg.scatter [tilespmem:s29], [sflag:$0x2], $0x80, v4, vm0, $0xb8;
	[tilespmem:$0x10100] =	vst v63  }
0x7a: {  	v3 =	vadd.s32 v1, v3  }
0x7b: {  	[hbm4b:s9+s1] =	stream.indirect_vreg.scatter [tilespmem:s30], [sflag:$0x2], $0x80, v4, vm0, $0xb8;
	[tilespmem:$0x10100] =	vst v63  }
0x7c: {  	s29 =	simm.s32 $0x1800  }
0x7d: {  	[hbm4b:s10+s1] =	stream.indirect_vreg.scatter [tilespmem:s29], [sflag:$0x2], $0x80, v4, vm0, $0xb8;
	[tilespmem:$0x10100] =	vst v63  }
0x7e: {  	_ = 	snop  }
0x7f: {  	[hbm4b:s6+s1] =	stream.indirect_vreg.scatter [tilespmem:s31], [sflag:$0x2], $0x80, v3, vm0, $0xb8;
	[tilespmem:$0x10100] =	vst v63  }
0x80: {  	s0 =	simm.s32 $0x2800  }
0x81: {  	[hbm4b:s8+s1] =	stream.indirect_vreg.scatter [tilespmem:s0], [sflag:$0x2], $0x80, v3, vm0, $0xb8;
	[tilespmem:$0x10100] =	vst v63  }
0x82: {  	s23 =	simm.s32 $0x3000  }
0x83: {  	[hbm4b:s9+s1] =	stream.indirect_vreg.scatter [tilespmem:s23], [sflag:$0x2], $0x80, v3, vm0, $0xb8;
	[tilespmem:$0x10100] =	vst v63  }
0x84: {  	_ = 	snop  }
0x85: {  	[hbm4b:s10+s1] =	stream.indirect_vreg.scatter [tilespmem:s3], [sflag:$0x2], $0x80, v3, vm0, $0xb8;
	[tilespmem:$0x10100] =	vst v63  }
0x86: {  	v3 =	vld [tilespmem:$0x10090];
	_ =	sdelay $0x4  }
0x87: {  	v61 =	vshll.u32 v3, $0x3  }
0x88: {  	v3 =	vand.u32 $0x7, v3;
	v4 =	vand.u32 $0xFFFFFFC0, v61  }
0x89: {  	v3 =	vor.u32 v3, v4  }
0x8a: {  	v4 =	vperm.xlane v3, v0;
	_ =	sdelay $0x1  }
0x8b: {  	v4 =	vadd.s32 v1, v4;
	_ =	sdelay $0x3  }
0x8c: {  	s29 =	simm.s32 $0x4000  }
0x8d: {  	[hbm4b:s6+s1] =	stream.indirect_vreg.scatter [tilespmem:s29], [sflag:$0x2], $0x80, v4, vm0, $0xb8;
	[tilespmem:$0x10100] =	vst v63  }
0x8e: {  	v3 =	vperm.xlane v3, v2  }
0x8f: {  	[hbm4b:s8+s1] =	stream.indirect_vreg.scatter [tilespmem:s11], [sflag:$0x2], $0x80, v4, vm0, $0xb8;
	[tilespmem:$0x10100] =	vst v63  }
0x90: {  	s30 =	simm.s32 $0x5000;
	v3 =	vadd.s32 v1, v3  }
0x91: {  	[hbm4b:s9+s1] =	stream.indirect_vreg.scatter [tilespmem:s30], [sflag:$0x2], $0x80, v4, vm0, $0xb8;
	[tilespmem:$0x10100] =	vst v63  }
0x92: {  	_ = 	snop  }
0x93: {  	[hbm4b:s10+s1] =	stream.indirect_vreg.scatter [tilespmem:s12], [sflag:$0x2], $0x80, v4, vm0, $0xb8;
	[tilespmem:$0x10100] =	vst v63  }
0x94: {  	s31 =	simm.s32 $0x6000  }
0x95: {  	[hbm4b:s6+s1] =	stream.indirect_vreg.scatter [tilespmem:s31], [sflag:$0x2], $0x80, v3, vm0, $0xb8;
	[tilespmem:$0x10100] =	vst v63  }
0x96: {  	_ = 	snop  }
0x97: {  	[hbm4b:s8+s1] =	stream.indirect_vreg.scatter [tilespmem:s14], [sflag:$0x2], $0x80, v3, vm0, $0xb8;
	[tilespmem:$0x10100] =	vst v63  }
0x98: {  	s3 =	simm.s32 $0x7000  }
0x99: {  	[hbm4b:s9+s1] =	stream.indirect_vreg.scatter [tilespmem:s3], [sflag:$0x2], $0x80, v3, vm0, $0xb8;
	[tilespmem:$0x10100] =	vst v63  }
0x9a: {  	_ = 	snop  }
0x9b: {  	[hbm4b:s10+s1] =	stream.indirect_vreg.scatter [tilespmem:s2], [sflag:$0x2], $0x80, v3, vm0, $0xb8;
	[tilespmem:$0x10100] =	vst v63  }
0x9c: {  	v3 =	vld [tilespmem:$0x100A0];
	_ =	sdelay $0x4  }
0x9d: {  	v62 =	vshll.u32 v3, $0x3  }
0x9e: {  	v3 =	vand.u32 $0x7, v3;
	v4 =	vand.u32 $0xFFFFFFC0, v62  }
0x9f: {  	v3 =	vor.u32 v3, v4  }
0xa0: {  	v4 =	vperm.xlane v3, v0;
	_ =	sdelay $0x1  }
0xa1: {  	v4 =	vadd.s32 v1, v4;
	_ =	sdelay $0x3  }
0xa2: {  	s11 =	simm.s32 $0x8000  }
0xa3: {  	[hbm4b:s6+s1] =	stream.indirect_vreg.scatter [tilespmem:s11], [sflag:$0x2], $0x80, v4, vm0, $0xb8;
	[tilespmem:$0x10100] =	vst v63  }
0xa4: {  	v3 =	vperm.xlane v3, v2  }
0xa5: {  	[hbm4b:s8+s1] =	stream.indirect_vreg.scatter [tilespmem:s4], [sflag:$0x2], $0x80, v4, vm0, $0xb8;
	[tilespmem:$0x10100] =	vst v63  }
0xa6: {  	s12 =	simm.s32 $0x9000;
	v3 =	vadd.s32 v1, v3  }
0xa7: {  	[hbm4b:s9+s1] =	stream.indirect_vreg.scatter [tilespmem:s12], [sflag:$0x2], $0x80, v4, vm0, $0xb8;
	[tilespmem:$0x10100] =	vst v63  }
0xa8: {  	_ = 	snop  }
0xa9: {  	[hbm4b:s10+s1] =	stream.indirect_vreg.scatter [tilespmem:s5], [sflag:$0x2], $0x80, v4, vm0, $0xb8;
	[tilespmem:$0x10100] =	vst v63  }
0xaa: {  	s14 =	simm.s32 $0xA000  }
0xab: {  	[hbm4b:s6+s1] =	stream.indirect_vreg.scatter [tilespmem:s14], [sflag:$0x2], $0x80, v3, vm0, $0xb8;
	[tilespmem:$0x10100] =	vst v63  }
0xac: {  	_ = 	snop  }
0xad: {  	[hbm4b:s8+s1] =	stream.indirect_vreg.scatter [tilespmem:s7], [sflag:$0x2], $0x80, v3, vm0, $0xb8;
	[tilespmem:$0x10100] =	vst v63  }
0xae: {  	s23 =	simm.s32 $0xB000  }
0xaf: {  	[hbm4b:s9+s1] =	stream.indirect_vreg.scatter [tilespmem:s23], [sflag:$0x2], $0x80, v3, vm0, $0xb8;
	[tilespmem:$0x10100] =	vst v63  }
0xb0: {  	_ = 	snop  }
0xb1: {  	[hbm4b:s10+s1] =	stream.indirect_vreg.scatter [tilespmem:s15], [sflag:$0x2], $0x80, v3, vm0, $0xb8;
	[tilespmem:$0x10100] =	vst v63  }
0xb2: {  	v3 =	vld [tilespmem:$0x100B0];
	_ =	sdelay $0x4  }
0xb3: {  	v63 =	vshll.u32 v3, $0x3  }
0xb4: {  	v3 =	vand.u32 $0x7, v3;
	v4 =	vand.u32 $0xFFFFFFC0, v63  }
0xb5: {  	v3 =	vor.u32 v3, v4  }
0xb6: {  	v4 =	vperm.xlane v3, v0;
	_ =	sdelay $0x1  }
0xb7: {  	v4 =	vadd.s32 v1, v4;
	_ =	sdelay $0x3  }
0xb8: {  	s29 =	simm.s32 $0xC000  }
0xb9: {  	[hbm4b:s6+s1] =	stream.indirect_vreg.scatter [tilespmem:s29], [sflag:$0x2], $0x80, v4, vm0, $0xb8;
	[tilespmem:$0x10100] =	vst v63  }
0xba: {  	v3 =	vperm.xlane v3, v2  }
0xbb: {  	[hbm4b:s8+s1] =	stream.indirect_vreg.scatter [tilespmem:s16], [sflag:$0x2], $0x80, v4, vm0, $0xb8;
	[tilespmem:$0x10100] =	vst v63  }
0xbc: {  	s30 =	simm.s32 $0xD000;
	v3 =	vadd.s32 v1, v3  }
0xbd: {  	[hbm4b:s9+s1] =	stream.indirect_vreg.scatter [tilespmem:s30], [sflag:$0x2], $0x80, v4, vm0, $0xb8;
	[tilespmem:$0x10100] =	vst v63  }
0xbe: {  	_ = 	snop  }
0xbf: {  	[hbm4b:s10+s1] =	stream.indirect_vreg.scatter [tilespmem:s17], [sflag:$0x2], $0x80, v4, vm0, $0xb8;
	[tilespmem:$0x10100] =	vst v63  }
0xc0: {  	s31 =	simm.s32 $0xE000  }
0xc1: {  	[hbm4b:s6+s1] =	stream.indirect_vreg.scatter [tilespmem:s31], [sflag:$0x2], $0x80, v3, vm0, $0xb8;
	[tilespmem:$0x10100] =	vst v63  }
0xc2: {  	_ = 	snop  }
0xc3: {  	[hbm4b:s8+s1] =	stream.indirect_vreg.scatter [tilespmem:s18], [sflag:$0x2], $0x80, v3, vm0, $0xb8;
	[tilespmem:$0x10100] =	vst v63  }
0xc4: {  	_ = 	snop  }
0xc5: {  	[hbm4b:s9+s1] =	stream.indirect_vreg.scatter [tilespmem:s19], [sflag:$0x2], $0x80, v3, vm0, $0xb8;
	[tilespmem:$0x10100] =	vst v63  }
0xc6: {  	_ = 	snop  }
0xc7: {  	[hbm4b:s10+s1] =	stream.indirect_vreg.scatter [tilespmem:s20], [sflag:$0x2], $0x80, v3, vm0, $0xb8;
	[tilespmem:$0x10100] =	vst v63  }
0xc8: {  	p1 =	por p0, p0;
	_ =	swait.ge [sflag:s21], $0x10000  }
.Ltmp0:
0xc9: {  	[sflag:s21] =	ssyncset.done $0x0;
	(pc) =	sbr.rel @p1 .LBB2_2-.Ltmp0, $4  }
0xca: {  	[sflag:s21] =	ssyncadd.s32 $0xFFFF0000  }
0xcb: {  	_ =	swait.ge [sflag:s22], $0x10000  }
0xcc: {  	[sflag:s22] =	ssyncset.done $0x0  }
0xcd: {  	p0 =	por $0x0, $0x0;
	s23 =	simm.s32 $0x40;
	[sflag:s22] =	ssyncadd.s32 $0xFFFF0000  }
0xce: {  	s0 =	rddreg [dreg:$0x3]  }
0xcf: {  	s23 =	rddreg [dreg:$0x2];
	s0 =	sadd.s32 $0x1, s0  }
0xd0: {  	p0 =	sne.s32 s0, s23  }
.Ltmp1:
0xd1: {  	_ = 	snop;
	(pc) =	sbr.rel @p0 .LBB2_1-.Ltmp1, $1  }
0xd2: {  	_ =	sdelay $0x3  }
0xd3: {  	_ =	sfence.sel $0x180000  }
0xd4: {  	[bflag:$0x0] =	sbarrier.arrive $0xFFFF  }
0xd5: {  	_ =	strace $0x90000047  }
0xd6: {  	s0 =	stileid.u32;
	[bflag:$0x2] =	sbarrier.arrive $0xFFFF  }
0xd7: {  	p0 =	sne.s32 s0, $0x0;
	s0 =	rddreg [dreg:$0x1]  }
0xd8: {  	s0 =	sadd.s32 @!p0 $0x100000, s0  }
0xd9: {  	[sflag:s0] =	ssyncadd.tile.s32 @!p0 $0x1;
	_ =	shalt  }
.Lfunc_end2:
_tile_overlayer_lowered:
.L_overlay_start_2:
0xda: {  	(tag) =	ssettag $0x2  }
0xdb: {  	s0 =	rddreg [dreg:$0x0];
	s2 =	stileid.u32  }
0xdc: {  	s1 =	rddreg [dreg:$0x1];
	p0 =	sne.s32 s2, $0x0  }
0xdd: {  	s3 =	rddreg [dreg:$0x2];
	[bflag:$0x3] =	sbarrier.arrive $0xFFFF;
	s2 =	simm.s32 @!p0 $0x1C03  }
0xde: {  	[timem:s3], [sflag:s2] =	dma.local @!p0 [hbm:s0], s1  }
0xdf: {  	s0 =	simm.s32 @!p0 $0x3  }
0xe0: {  	_ =	swait.ge @!p0 [sflag:s0], s1  }
0xe1: {  	s1 =	ssub.s32 @!p0 $0x0, s1;
	[sflag:s0] =	ssyncset.done @!p0 $0x0  }
0xe2: {  	[sflag:s0] =	ssyncadd.s32 @!p0 s1  }
0xe3: {  	[bflag:$0x3] =	sbarrier.arrive $0xFFFF  }
0xe4: {  	_ =	shalt  }

// kernel: kernel.15.cloned.1.call-start
scs
__scs_entry_jumppad:
0x0: {  	(pc) =	sbr.rel $0x88, $3  }
0x1: {  	(tag) =	ssettag $0x0;
	lr =	simm.s32 $0x1  }
0x2: {  	[smem:$0x3F9C] =	sst lr;
	_ =	strace $0xD0000000  }
0x3: {  	_ = 	snop  }
0x4: {  	_ = 	snop  }
0x5: {  	_ = 	snop  }
0x6: {  	_ = 	snop  }
0x7: {  	_ = 	snop  }
__scs_overlays_trampoline_lowered:
0x8: {  	[smem:$0x3FAB] =	sst s0  }
0x9: {  	[smem:$0x3FAC] =	sst s1  }
0xa: {  	[smem:$0x3FAD] =	sst s2  }
0xb: {  	[smem:$0x3FAE] =	sst s3  }
0xc: {  	[smem:$0x3FAF] =	sst s4  }
0xd: {  	[smem:$0x3FB0] =	sst s5  }
0xe: {  	[smem:$0x3FB1] =	sst s6  }
0xf: {  	[smem:$0x3FB2] =	sst s7  }
0x10: {  	[smem:$0x3FB3] =	sst s8  }
0x11: {  	[smem:$0x3FB4] =	sst s9;
	s0 =	simm.s32 @!p0 $0x0  }
0x12: {  	s1 =	sld [smem:$0x3F9A];
	s0 =	simm.s32 @p0 $0x1  }
0x13: {  	[smem:$0x3FB5] =	sst s0;
	s0 =	simm.s32 @!p1 $0x0  }
0x14: {  	s2 =	sld [smem:$0x3F99];
	s0 =	simm.s32 @p1 $0x1  }
0x15: {  	[smem:$0x3FB6] =	sst s0;
	s0 =	simm.s32 @!p2 $0x0  }
0x16: {  	s3 =	sld [smem:$0x3FDB];
	s0 =	simm.s32 @p2 $0x1  }
0x17: {  	s4 =	simm.s32 $0x1BF5;
	[smem:$0x3FB8] =	sst s0  }
0x18: {  	s0 =	sld [smem:$0x3F9B];
	_ =	swait.ge [sflag:s4], $0x0  }
0x19: {  	s7 =	sld [smem:$0x3F9C]  }
0x1a: {  	s8 =	sadd.s32 $0xFFFFE003, lr  }
0x1b: {  	s9 =	sadd.s32 $0xFFFFFEF7, lr;
	s5 =	simm.s32 $0xFFFFFFFF;
	p2 =	slt.u32 s8, $0xFFFFF086  }
0x1c: {  	p1 =	slt.u32 s9, $0xF7A;
	s5 =	simm.s32 @!p2 $0x0  }
0x1d: {  	s5 =	simm.s32 @p1 $0x1;
	p0 =	seq.s32 s7, s2  }
0x1e: {  	s7 =	smul.u32 @!p0 $0xF7A, s2;
	p2 =	seq.s32 @!p0 s5, $0x0  }
0x1f: {  	s9 =	smul.u32 $0xF7A, s1;
	s8 =	simm.s32 @!p0 $0x1BF5;
	p2 =	por !p2, p0  }
0x20: {  	[sflag:s8] =	ssyncset.s32 @!p0 $0xFFFFF086;
	s6 =	sadd.s32 @!p0 s3, s7;
	s7 =	simm.s32 @!p0 $0x108  }
0x21: {  	s3 =	sadd.s32 s3, s9;
	s6 =	sadd.s32 @!p0 $0x88, s6;
	s7 =	simm.s32 @p2 $0x1082  }
0x22: {  	[simem:s7], [sflag:s8] =	dma.local @!p0 [hbm:s6], $0xF7A  }
0x23: {  	s9 =	sor.u32 $0xD0000000, s2;
	s6 =	simm.s32 $0x108;
	_ =	swait.ge @!p0 [sflag:s8], $0x0  }
0x24: {  	s3 =	sadd.s32 $0x88, s3;
	s6 =	simm.s32 @!p1 $0x1082;
	[sflag:s4] =	ssyncset.s32 $0xFFFFF086  }
0x25: {  	[simem:s6], [sflag:s4] =	dma.local [hbm:s3], $0xF7A  }
0x26: {  	[smem:$0x3F9C] =	sst s1;
	(tag) =	ssettag s2;
	_ =	strace s9  }
0x27: {  	s1 =	sld [smem:$0x3FAC]  }
0x28: {  	s2 =	sld [smem:$0x3FAD]  }
0x29: {  	s4 =	sld [smem:$0x3FAF]  }
0x2a: {  	p0 =	seq.s32 s5, $0x0;
	s5 =	sld [smem:$0x3FB0]  }
0x2b: {  	s6 =	sld [smem:$0x3FB1]  }
0x2c: {  	s7 =	sld [smem:$0x3FB2]  }
0x2d: {  	s3 =	simm.s32 $0x108;
	s8 =	sld [smem:$0x3FB3]  }
0x2e: {  	s3 =	simm.s32 @!p0 $0x1082;
	s9 =	sld [smem:$0x3FB4]  }
0x2f: {  	lr =	sadd.s32 s0, s3;
	s0 =	sld [smem:$0x3FAB]  }
0x30: {  	s3 =	sld [smem:$0x3FAE]  }
0x31: {  	[smem:$0x3FB7] =	sst s10  }
0x32: {  	s10 =	sld [smem:$0x3FB5];
	_ =	sdelay $0x3  }
0x33: {  	p0 =	seq.s32 s10, $0x1;
	s10 =	sld [smem:$0x3FB7];
	_ =	sdelay $0x3  }
0x34: {  	[smem:$0x3FB7] =	sst s10  }
0x35: {  	s10 =	sld [smem:$0x3FB6];
	_ =	sdelay $0x3  }
0x36: {  	p1 =	seq.s32 s10, $0x1;
	s10 =	sld [smem:$0x3FB7];
	_ =	sdelay $0x3  }
0x37: {  	[smem:$0x3FB7] =	sst s10  }
0x38: {  	s10 =	sld [smem:$0x3FB8]  }
0x39: {  	_ = 	snop;
	(pc) =	sbr.ind lr, $3  }
0x3a: {  	_ = 	snop  }
0x3b: {  	_ = 	snop  }
0x3c: {  	p2 =	seq.s32 s10, $0x1;
	s10 =	sld [smem:$0x3FB7]  }
0x3d: {  	_ =	shalt  }
0x3e: {  	_ =	shalt  }
0x3f: {  	_ =	shalt  }
0x40: {  	_ =	shalt  }
0x41: {  	_ =	shalt  }
0x42: {  	_ =	shalt  }
0x43: {  	_ =	shalt  }
0x44: {  	_ =	shalt  }
0x45: {  	_ =	shalt  }
0x46: {  	_ =	shalt  }
0x47: {  	_ =	shalt  }
0x48: {  	_ =	shalt  }
0x49: {  	_ =	shalt  }
0x4a: {  	_ =	shalt  }
0x4b: {  	_ =	shalt  }
0x4c: {  	_ =	shalt  }
0x4d: {  	_ =	shalt  }
0x4e: {  	_ =	shalt  }
0x4f: {  	_ =	shalt  }
0x50: {  	_ =	shalt  }
0x51: {  	_ =	shalt  }
0x52: {  	_ =	shalt  }
0x53: {  	_ =	shalt  }
0x54: {  	_ =	shalt  }
0x55: {  	_ =	shalt  }
0x56: {  	_ =	shalt  }
0x57: {  	_ =	shalt  }
0x58: {  	_ =	shalt  }
0x59: {  	_ =	shalt  }
0x5a: {  	_ =	shalt  }
0x5b: {  	_ =	shalt  }
0x5c: {  	_ =	shalt  }
0x5d: {  	_ =	shalt  }
0x5e: {  	_ =	shalt  }
0x5f: {  	_ =	shalt  }
0x60: {  	_ =	shalt  }
0x61: {  	_ =	shalt  }
0x62: {  	_ =	shalt  }
0x63: {  	_ =	shalt  }
0x64: {  	_ =	shalt  }
0x65: {  	_ =	shalt  }
0x66: {  	_ =	shalt  }
0x67: {  	_ =	shalt  }
0x68: {  	_ =	shalt  }
0x69: {  	_ =	shalt  }
0x6a: {  	_ =	shalt  }
0x6b: {  	_ =	shalt  }
0x6c: {  	_ =	shalt  }
0x6d: {  	_ =	shalt  }
0x6e: {  	_ =	shalt  }
0x6f: {  	_ =	shalt  }
0x70: {  	_ =	shalt  }
0x71: {  	_ =	shalt  }
0x72: {  	_ =	shalt  }
0x73: {  	_ =	shalt  }
0x74: {  	_ =	shalt  }
0x75: {  	_ =	shalt  }
0x76: {  	_ =	shalt  }
0x77: {  	_ =	shalt  }
0x78: {  	_ =	shalt  }
0x79: {  	_ =	shalt  }
0x7a: {  	_ =	shalt  }
0x7b: {  	_ =	shalt  }
0x7c: {  	_ =	shalt  }
0x7d: {  	_ =	shalt  }
0x7e: {  	_ =	shalt  }
0x7f: {  	_ =	shalt  }
0x80: {  	_ =	shalt  }
0x81: {  	_ =	shalt  }
0x82: {  	_ =	shalt  }
0x83: {  	_ =	shalt  }
0x84: {  	_ =	shalt  }
0x85: {  	_ =	shalt  }
0x86: {  	_ =	shalt  }
0x87: {  	_ =	shalt  }
.Lfunc_end0:
.L_simem_size_0:
called_computation.1_lowered:
.L_overlay_start_0:
0x88: {  	s2 =	sld [smem:$0x3FD9]  }
0x89: {  	s3 =	sld [smem:$0x3FFE];
	_ =	sdelay $0x1  }
0x8a: {  	s1 =	srdreg.scid  }
0x8b: {  	s0 =	sand.u32 $0x1, s1  }
0x8c: {  	s17 =	sshll.u32 s0, $0xA;
	s2 =	sadd.s32 s3, s2  }
0x8d: {  	s2 =	sadd.s32 s2, s17  }
0x8e: {  	[smem:$0x3FC3] =	sst s2  }
0x8f: {  	_ = 	snop  }
0x90: {  	(tm) =	ssettm $0x1  }
0x91: {  	s18 =	sld [smem:$0x3FFB];
	_ =	sdelay $0x3  }
0x92: {  	_ =	strace s18  }
0x93: {  	s2 =	sld [smem:$0x3FFC];
	_ =	sdelay $0x3  }
0x94: {  	_ =	strace s2  }
0x95: {  	s2 =	sld [smem:$0x3FFD];
	_ =	sdelay $0x3  }
0x96: {  	_ =	strace s2  }
0x97: {  	_ =	strace $0x8FFFFFFF  }
0x98: {  	s19 =	sld [smem:$0x3FDB];
	_ =	sdelay $0x1  }
0x99: {  	s20 =	simm.s32 $_scs_section_size  }
0x9a: {  	s4 =	simm.s32 $_size__tile_overlayer_lowered;
	s5 =	simm.s32 $_tile_overlayer_lowered  }
0x9b: {  	s6 =	simm.s32 $0x1BFF;
	s21 =	sshll.u32 s5, $0x1;
	s3 =	sadd.s32 s20, s19  }
0x9c: {  	s22 =	simm.s32 $0x0;
	s4 =	sshll.u32 s4, $0x1;
	s5 =	sadd.s32 s21, s3  }
0x9d: {  	[timem:s22], [sflag:s6] =	dma.local [hbm:s5], s4  }
0x9e: {  	_ =	swait.ge [sflag:s6], s4  }
0x9f: {  	s4 =	ssub.s32 $0x0, s4;
	[sflag:s6] =	ssyncset.done $0x0  }
0xa0: {  	[sflag:s6] =	ssyncadd.s32 s4;
	_ =	sdelay $0x1  }
0xa1: {  	s23 =	simm.s32 $0x1B8B  }
0xa2: {  	_ =	swait.ge [sflag:s23], $0x1  }
0xa3: {  	[sflag:s23] =	ssyncset.done $0x0  }
0xa4: {  	[sflag:s23] =	ssyncadd.s32 $0xFFFFFFFF  }
0xa5: {  	s4 =	sld [smem:$0x0]  }
0xa6: {  	s5 =	sand.u32 $0xFFFFFFFE, s1  }
0xa7: {  	p0 =	sne.s32 s1, s5  }
0xa8: {  	s5 =	sshll.u32 @p0 s5, $0xE  }
0xa9: {  	s5 =	sadd.s32 @p0 $0x11B8D, s5;
	s6 =	sshll.u32 @p0 s4, $0x11  }
0xaa: {  	s5 =	sor.u32 @p0 s6, s5  }
0xab: {  	[sflag:s5] =	ssyncadd.remote.s32 @p0 $0x1;
	_ =	sdelay $0x1  }
0xac: {  	s5 =	simm.s32 @p0 $0x1B8D  }
0xad: {  	_ =	swait.eq @p0 [sflag:s5], $0x1  }
0xae: {  	[sflag:s5] =	ssyncadd.s32 @p0 $0xFFFFFFFF  }
0xaf: {  	s6 =	sshll.u32 @!p0 s1, $0xE  }
0xb0: {  	s6 =	sor.u32 @!p0 $0x4000, s6;
	s5 =	simm.s32 @!p0 $0x1B8D  }
0xb1: {  	s4 =	sshll.u32 @!p0 s4, $0x11;
	s6 =	sadd.s32 @!p0 $0x11B8D, s6;
	_ =	swait.eq @!p0 [sflag:s5], $0x1  }
0xb2: {  	s4 =	sor.u32 @!p0 s4, s6;
	[sflag:s5] =	ssyncadd.s32 @!p0 $0xFFFFFFFF  }
0xb3: {  	s25 =	simm.s32 $0x1B8E;
	s24 =	sld [smem:$0x3FFE];
	[sflag:s4] =	ssyncadd.remote.s32 @!p0 $0x1  }
0xb4: {  	s26 =	simm.s32 $execute0_lowered;
	[smem:$0x3FD2] =	sst s25  }
0xb5: {  	s5 =	sshll.u32 s26, $0x1;
	_ =	strace $0x80000049;
	[dreg:$0x1] =	wrdreg $0xFFFFFFFF  }
0xb6: {  	s28 =	simm.s32 $_size_execute0_lowered;
	s3 =	sadd.s32 s3, s5;
	[dreg:$0x0] =	wrdreg $0x0  }
0xb7: {  	s5 =	sshll.u32 s28, $0x1;
	[dreg:$0x2] =	wrdreg s3  }
0xb8: {  	[dreg:$0x3] =	wrdreg s5  }
0xb9: {  	[dreg:$0x4] =	wrdreg $0xC0  }
0xba: {  	_ =	task [dreg:s22], $0x5FFFF  }
0xbb: {  	[dreg:$0x1] =	wrdreg $0xFFFFFFFF  }
0xbc: {  	[dreg:$0x0] =	wrdreg $0x60  }
0xbd: {  	[dreg:$0x2] =	wrdreg s24  }
0xbe: {  	[dreg:$0x3] =	wrdreg $0x9  }
0xbf: {  	_ =	task.clear_ibuf [dreg:s22], $0x4FFFF;
	_ =	strace $0x90000049  }
0xc0: {  	s29 =	simm.s32 $0x9;
	_ =	strace $0x8000004B  }
0xc1: {  	_ =	swait.ge [sflag:s29], $0x1  }
0xc2: {  	[sflag:s29] =	ssyncadd.s32 $0xFFFFFFFF  }
0xc3: {  	_ =	strace $0x9000004B  }
0xc4: {  	_ =	sfence  }
0xc5: {  	s30 =	sld [smem:$0x0];
	_ =	sdelay $0x2  }
0xc6: {  	s31 =	sshll.u32 s1, $0xD;
	s1 =	sshrl.u32 s1, $0x2  }
0xc7: {  	s4 =	sand.u32 $0x4000, s31;
	s1 =	sadd.s32 s1, s30  }
0xc8: {  	s0 =	sor.u32 s4, s0;
	s1 =	sshll.u32 s1, $0x11  }
0xc9: {  	s0 =	sor.u32 s1, s0  }
0xca: {  	s0 =	sadd.s32 $0x8F2B, s0  }
0xcb: {  	[sflag:s0] =	ssyncadd.remote.s32 $0x1  }
0xcc: {  	_ =	sfence.sel $0xFFFF  }
0xcd: {  	[dreg:$0x0] =	wrdreg $0xFFFFFFFF;
	(pc) =	sbr.abs _section_cstart, $3  }
0xce: {  	[dreg:$0x1] =	wrdreg $0xFFFFFFFF  }
0xcf: {  	_ =	task.clear_ibuf [dreg:s22], $0x2FFFF;
	_ =	strace $0x9FFFFFFF  }
0xd0: {  	(tm) =	ssettm $0x7FFFFFFF  }
0xd1: {  	_ =	shalt  }
tec
execute0_lowered:
.L_overlay_start_1:
0x0: {  	(tag) =	ssettag $0x1  }
0x1: {  	s0 =	rddreg [dreg:$0x0]  }
0x2: {  	s1 =	simm.s32 $0x0;
	s2 =	srdreg.scid;
	s3 =	stileid.u32  }
0x3: {  	s13 =	simm.s32 $0x3;
	s20 =	simm.s32 $0xF800;
	s21 =	simm.s32 $0x1  }
0x4: {  	s22 =	simm.s32 $0x2;
	[smem:$0x7FF] =	sst s1;
	s24 =	sadd.s32 $0x2200, s0  }
0x5: {  	s2 =	sand.u32 $0x1, s2;
	s25 =	sadd.s32 $0x142800, s0;
	s3 =	sshll.u32 s3, $0x8  }
0x6: {  	s28 =	sadd.s32 $0x142400, s0;
	s4 =	sshll.u32 s2, $0x7;
	s2 =	ssub.s32 $0x2, s2  }
0x7: {  	s6 =	sadd.s32 $0x2C2C00, s0;
	s8 =	sadd.s32 $0x2C2D00, s0;
	s30 =	sshrl.u32 s2, $0x1  }
0x8: {  	v2 =	vlaneseq.u32;
	s9 =	sadd.s32 $0x2C2E00, s0;
	s10 =	sadd.s32 $0x2C2F00, s0;
	s2 =	ssub.s32 s2, s30  }
0x9: {  	vm0 =	vmmov $0xffff;
	v1 =	vshrl.u32 v2, $0x3;
	s0 =	simm.s32 $0x0;
	s3 =	sor.u32 s4, s3;
	s31 =	smax.u32 s2, $0x1  }
0xa: {  	v0 =	vand.u32 $0x7, v2;
	v2 =	vor.u32 $0x8, v2;
	_ =	strace $0x8000004A;
	v1 =	vmul.u32 $0x8, v1;
	s26 =	sor.u32 $0x1000, s3;
	[dreg:$0x2] =	wrdreg s31  }
.LBB2_1:
0xb: {  	[dreg:$0x3] =	wrdreg s0;
	p0 =	por $0x1, $0x1;
	s23 =	simm.s32 $0x0  }
.LBB2_2:
0xc: {  	s23 =	sor.u32 s26, s23;
	s30 =	smov.u32 s26  }
0xd: {  	s26 =	smov.u32 s24;
	s29 =	smov.u32 s28;
	s24 =	sshrl.u32 s23, $0x3  }
0xe: {  	s28 =	smov.u32 s25;
	s19 =	simm.s32 $0x10000;
	s25 =	sadd.s32 s25, s24  }
0xf: {  	[tilespmem:s19], [sflag:$0x3] =	stream.linear.gather [hbm4b:s25+s1], $0x40, $0x38;
	[tilespmem:$0x10100] =	vst v63  }
0x10: {  	_ =	swait.ge [sflag:s13], $0x40  }
0x11: {  	s25 =	smov.u32 s28;
	s28 =	smov.u32 s29;
	[sflag:s13] =	ssyncset.done $0x0  }
0x12: {  	s29 =	simm.s32 $0x10080;
	s24 =	sadd.s32 s28, s24;
	[sflag:s13] =	ssyncadd.s32 $0xFFFFFFC0  }
0x13: {  	[tilespmem:s29], [sflag:$0x3] =	stream.linear.gather [hbm4b:s24+s1], $0x40, $0x38;
	[tilespmem:$0x10100] =	vst v63  }
0x14: {  	_ =	swait.ge [sflag:s13], $0x40  }
0x15: {  	s23 =	sshll.u32 s23, $0x7;
	s24 =	smov.u32 s26;
	[sflag:s13] =	ssyncset.done $0x0  }
0x16: {  	s23 =	sadd.s32 s24, s23;
	[sflag:s13] =	ssyncadd.s32 $0xFFFFFFC0  }
0x17: {  	[tilespmem:s1], [sflag:$0x3] =	stream.linear.gather [hbm4b:s23+s1], $0x10000, $0x38;
	[tilespmem:$0x10100] =	vst v63  }
0x18: {  	_ =	swait.ge [sflag:s13], $0x10000  }
0x19: {  	[sflag:s13] =	ssyncset.done $0x0  }
0x1a: {  	[sflag:s13] =	ssyncadd.s32 $0xFFFF0000  }
0x1b: {  	v3 =	vld [tilespmem:$0x10000];
	_ =	sdelay $0x4  }
0x1c: {  	v4 =	vshll.u32 v3, $0x3  }
0x1d: {  	v3 =	vand.u32 $0x7, v3;
	v4 =	vand.u32 $0xFFFFFFC0, v4  }
0x1e: {  	v3 =	vor.u32 v3, v4  }
0x1f: {  	v4 =	vperm.xlane v3, v0;
	_ =	sdelay $0x1  }
0x20: {  	v4 =	vadd.s32 v1, v4;
	_ =	sdelay $0x4  }
0x21: {  	[hbm4b:s6+s1] =	stream.indirect_vreg.scatter [tilespmem:s1], [sflag:$0x1], $0x80, v4, vm0, $0xb8;
	[tilespmem:$0x10100] =	vst v63  }
0x22: {  	s29 =	simm.s32 $0x800;
	v3 =	vperm.xlane v3, v2  }
0x23: {  	[hbm4b:s8+s1] =	stream.indirect_vreg.scatter [tilespmem:s29], [sflag:$0x1], $0x80, v4, vm0, $0xb8;
	[tilespmem:$0x10100] =	vst v63  }
0x24: {  	s26 =	smov.u32 s30;
	s30 =	simm.s32 $0x1000;
	v3 =	vadd.s32 v1, v3  }
0x25: {  	[hbm4b:s9+s1] =	stream.indirect_vreg.scatter [tilespmem:s30], [sflag:$0x1], $0x80, v4, vm0, $0xb8;
	[tilespmem:$0x10100] =	vst v63  }
0x26: {  	s31 =	simm.s32 $0x1800  }
0x27: {  	[hbm4b:s10+s1] =	stream.indirect_vreg.scatter [tilespmem:s31], [sflag:$0x1], $0x80, v4, vm0, $0xb8;
	[tilespmem:$0x10100] =	vst v63  }
0x28: {  	s31 =	simm.s32 $0x2000  }
0x29: {  	[hbm4b:s6+s1] =	stream.indirect_vreg.scatter [tilespmem:s31], [sflag:$0x1], $0x80, v3, vm0, $0xb8;
	[tilespmem:$0x10100] =	vst v63  }
0x2a: {  	s0 =	simm.s32 $0x2800  }
0x2b: {  	[hbm4b:s8+s1] =	stream.indirect_vreg.scatter [tilespmem:s0], [sflag:$0x1], $0x80, v3, vm0, $0xb8;
	[tilespmem:$0x10100] =	vst v63  }
0x2c: {  	s2 =	simm.s32 $0x3000  }
0x2d: {  	[hbm4b:s9+s1] =	stream.indirect_vreg.scatter [tilespmem:s2], [sflag:$0x1], $0x80, v3, vm0, $0xb8;
	[tilespmem:$0x10100] =	vst v63  }
0x2e: {  	s2 =	simm.s32 $0x3800  }
0x2f: {  	[hbm4b:s10+s1] =	stream.indirect_vreg.scatter [tilespmem:s2], [sflag:$0x1], $0x80, v3, vm0, $0xb8;
	[tilespmem:$0x10100] =	vst v63  }
0x30: {  	v3 =	vld [tilespmem:$0x10010];
	_ =	sdelay $0x4  }
0x31: {  	v57 =	vshll.u32 v3, $0x3  }
0x32: {  	v3 =	vand.u32 $0x7, v3;
	v4 =	vand.u32 $0xFFFFFFC0, v57  }
0x33: {  	v3 =	vor.u32 v3, v4  }
0x34: {  	v4 =	vperm.xlane v3, v0;
	_ =	sdelay $0x1  }
0x35: {  	v4 =	vadd.s32 v1, v4;
	_ =	sdelay $0x3  }
0x36: {  	s11 =	simm.s32 $0x4000  }
0x37: {  	[hbm4b:s6+s1] =	stream.indirect_vreg.scatter [tilespmem:s11], [sflag:$0x1], $0x80, v4, vm0, $0xb8;
	[tilespmem:$0x10100] =	vst v63  }
0x38: {  	v3 =	vperm.xlane v3, v2;
	s11 =	simm.s32 $0x4800  }
0x39: {  	[hbm4b:s8+s1] =	stream.indirect_vreg.scatter [tilespmem:s11], [sflag:$0x1], $0x80, v4, vm0, $0xb8;
	[tilespmem:$0x10100] =	vst v63  }
0x3a: {  	s12 =	simm.s32 $0x5000;
	v3 =	vadd.s32 v1, v3  }
0x3b: {  	[hbm4b:s9+s1] =	stream.indirect_vreg.scatter [tilespmem:s12], [sflag:$0x1], $0x80, v4, vm0, $0xb8;
	[tilespmem:$0x10100] =	vst v63  }
0x3c: {  	s12 =	simm.s32 $0x5800  }
0x3d: {  	[hbm4b:s10+s1] =	stream.indirect_vreg.scatter [tilespmem:s12], [sflag:$0x1], $0x80, v4, vm0, $0xb8;
	[tilespmem:$0x10100] =	vst v63  }
0x3e: {  	s14 =	simm.s32 $0x6000  }
0x3f: {  	[hbm4b:s6+s1] =	stream.indirect_vreg.scatter [tilespmem:s14], [sflag:$0x1], $0x80, v3, vm0, $0xb8;
	[tilespmem:$0x10100] =	vst v63  }
0x40: {  	s14 =	simm.s32 $0x6800  }
0x41: {  	[hbm4b:s8+s1] =	stream.indirect_vreg.scatter [tilespmem:s14], [sflag:$0x1], $0x80, v3, vm0, $0xb8;
	[tilespmem:$0x10100] =	vst v63  }
0x42: {  	s3 =	simm.s32 $0x7000  }
0x43: {  	[hbm4b:s9+s1] =	stream.indirect_vreg.scatter [tilespmem:s3], [sflag:$0x1], $0x80, v3, vm0, $0xb8;
	[tilespmem:$0x10100] =	vst v63  }
0x44: {  	s3 =	simm.s32 $0x7800  }
0x45: {  	[hbm4b:s10+s1] =	stream.indirect_vreg.scatter [tilespmem:s3], [sflag:$0x1], $0x80, v3, vm0, $0xb8;
	[tilespmem:$0x10100] =	vst v63  }
0x46: {  	v3 =	vld [tilespmem:$0x10020];
	_ =	sdelay $0x4  }
0x47: {  	v58 =	vshll.u32 v3, $0x3  }
0x48: {  	v3 =	vand.u32 $0x7, v3;
	v4 =	vand.u32 $0xFFFFFFC0, v58  }
0x49: {  	v3 =	vor.u32 v3, v4  }
0x4a: {  	v4 =	vperm.xlane v3, v0;
	_ =	sdelay $0x1  }
0x4b: {  	v4 =	vadd.s32 v1, v4;
	_ =	sdelay $0x3  }
0x4c: {  	s4 =	simm.s32 $0x8000  }
0x4d: {  	[hbm4b:s6+s1] =	stream.indirect_vreg.scatter [tilespmem:s4], [sflag:$0x1], $0x80, v4, vm0, $0xb8;
	[tilespmem:$0x10100] =	vst v63  }
0x4e: {  	v3 =	vperm.xlane v3, v2;
	s4 =	simm.s32 $0x8800  }
0x4f: {  	[hbm4b:s8+s1] =	stream.indirect_vreg.scatter [tilespmem:s4], [sflag:$0x1], $0x80, v4, vm0, $0xb8;
	[tilespmem:$0x10100] =	vst v63  }
0x50: {  	s5 =	simm.s32 $0x9000;
	v3 =	vadd.s32 v1, v3  }
0x51: {  	[hbm4b:s9+s1] =	stream.indirect_vreg.scatter [tilespmem:s5], [sflag:$0x1], $0x80, v4, vm0, $0xb8;
	[tilespmem:$0x10100] =	vst v63  }
0x52: {  	s5 =	simm.s32 $0x9800  }
0x53: {  	[hbm4b:s10+s1] =	stream.indirect_vreg.scatter [tilespmem:s5], [sflag:$0x1], $0x80, v4, vm0, $0xb8;
	[tilespmem:$0x10100] =	vst v63  }
0x54: {  	s7 =	simm.s32 $0xA000  }
0x55: {  	[hbm4b:s6+s1] =	stream.indirect_vreg.scatter [tilespmem:s7], [sflag:$0x1], $0x80, v3, vm0, $0xb8;
	[tilespmem:$0x10100] =	vst v63  }
0x56: {  	s7 =	simm.s32 $0xA800  }
0x57: {  	[hbm4b:s8+s1] =	stream.indirect_vreg.scatter [tilespmem:s7], [sflag:$0x1], $0x80, v3, vm0, $0xb8;
	[tilespmem:$0x10100] =	vst v63  }
0x58: {  	s15 =	simm.s32 $0xB000  }
0x59: {  	[hbm4b:s9+s1] =	stream.indirect_vreg.scatter [tilespmem:s15], [sflag:$0x1], $0x80, v3, vm0, $0xb8;
	[tilespmem:$0x10100] =	vst v63  }
0x5a: {  	s15 =	simm.s32 $0xB800  }
0x5b: {  	[hbm4b:s10+s1] =	stream.indirect_vreg.scatter [tilespmem:s15], [sflag:$0x1], $0x80, v3, vm0, $0xb8;
	[tilespmem:$0x10100] =	vst v63  }
0x5c: {  	v3 =	vld [tilespmem:$0x10030];
	_ =	sdelay $0x4  }
0x5d: {  	v59 =	vshll.u32 v3, $0x3  }
0x5e: {  	v3 =	vand.u32 $0x7, v3;
	v4 =	vand.u32 $0xFFFFFFC0, v59  }
0x5f: {  	v3 =	vor.u32 v3, v4  }
0x60: {  	v4 =	vperm.xlane v3, v0;
	_ =	sdelay $0x1  }
0x61: {  	v4 =	vadd.s32 v1, v4;
	_ =	sdelay $0x3  }
0x62: {  	s16 =	simm.s32 $0xC000  }
0x63: {  	[hbm4b:s6+s1] =	stream.indirect_vreg.scatter [tilespmem:s16], [sflag:$0x1], $0x80, v4, vm0, $0xb8;
	[tilespmem:$0x10100] =	vst v63  }
0x64: {  	v3 =	vperm.xlane v3, v2;
	s16 =	simm.s32 $0xC800  }
0x65: {  	[hbm4b:s8+s1] =	stream.indirect_vreg.scatter [tilespmem:s16], [sflag:$0x1], $0x80, v4, vm0, $0xb8;
	[tilespmem:$0x10100] =	vst v63  }
0x66: {  	s17 =	simm.s32 $0xD000;
	v3 =	vadd.s32 v1, v3  }
0x67: {  	[hbm4b:s9+s1] =	stream.indirect_vreg.scatter [tilespmem:s17], [sflag:$0x1], $0x80, v4, vm0, $0xb8;
	[tilespmem:$0x10100] =	vst v63  }
0x68: {  	s17 =	simm.s32 $0xD800  }
0x69: {  	[hbm4b:s10+s1] =	stream.indirect_vreg.scatter [tilespmem:s17], [sflag:$0x1], $0x80, v4, vm0, $0xb8;
	[tilespmem:$0x10100] =	vst v63  }
0x6a: {  	s18 =	simm.s32 $0xE000  }
0x6b: {  	[hbm4b:s6+s1] =	stream.indirect_vreg.scatter [tilespmem:s18], [sflag:$0x1], $0x80, v3, vm0, $0xb8;
	[tilespmem:$0x10100] =	vst v63  }
0x6c: {  	s18 =	simm.s32 $0xE800  }
0x6d: {  	[hbm4b:s8+s1] =	stream.indirect_vreg.scatter [tilespmem:s18], [sflag:$0x1], $0x80, v3, vm0, $0xb8;
	[tilespmem:$0x10100] =	vst v63  }
0x6e: {  	s19 =	simm.s32 $0xF000  }
0x6f: {  	[hbm4b:s9+s1] =	stream.indirect_vreg.scatter [tilespmem:s19], [sflag:$0x1], $0x80, v3, vm0, $0xb8;
	[tilespmem:$0x10100] =	vst v63  }
0x70: {  	_ = 	snop  }
0x71: {  	[hbm4b:s10+s1] =	stream.indirect_vreg.scatter [tilespmem:s20], [sflag:$0x1], $0x80, v3, vm0, $0xb8;
	[tilespmem:$0x10100] =	vst v63  }
0x72: {  	v3 =	vld [tilespmem:$0x10080];
	_ =	sdelay $0x4  }
0x73: {  	v60 =	vshll.u32 v3, $0x3  }
0x74: {  	v3 =	vand.u32 $0x7, v3;
	v4 =	vand.u32 $0xFFFFFFC0, v60  }
0x75: {  	v3 =	vor.u32 v3, v4  }
0x76: {  	v4 =	vperm.xlane v3, v0;
	_ =	sdelay $0x1  }
0x77: {  	v4 =	vadd.s32 v1, v4;
	_ =	sdelay $0x4  }
0x78: {  	[hbm4b:s6+s1] =	stream.indirect_vreg.scatter [tilespmem:s1], [sflag:$0x2], $0x80, v4, vm0, $0xb8;
	[tilespmem:$0x10100] =	vst v63  }
0x79: {  	v3 =	vperm.xlane v3, v2  }
0x7a: {  	[hbm4b:s8+s1] =	stream.indirect_vreg.scatter [tilespmem:s29], [sflag:$0x2], $0x80, v4, vm0, $0xb8;
	[tilespmem:$0x10100] =	vst v63  }
0x7b: {  	v3 =	vadd.s32 v1, v3  }
0x7c: {  	[hbm4b:s9+s1] =	stream.indirect_vreg.scatter [tilespmem:s30], [sflag:$0x2], $0x80, v4, vm0, $0xb8;
	[tilespmem:$0x10100] =	vst v63  }
0x7d: {  	s29 =	simm.s32 $0x1800  }
0x7e: {  	[hbm4b:s10+s1] =	stream.indirect_vreg.scatter [tilespmem:s29], [sflag:$0x2], $0x80, v4, vm0, $0xb8;
	[tilespmem:$0x10100] =	vst v63  }
0x7f: {  	_ = 	snop  }
0x80: {  	[hbm4b:s6+s1] =	stream.indirect_vreg.scatter [tilespmem:s31], [sflag:$0x2], $0x80, v3, vm0, $0xb8;
	[tilespmem:$0x10100] =	vst v63  }
0x81: {  	s0 =	simm.s32 $0x2800  }
0x82: {  	[hbm4b:s8+s1] =	stream.indirect_vreg.scatter [tilespmem:s0], [sflag:$0x2], $0x80, v3, vm0, $0xb8;
	[tilespmem:$0x10100] =	vst v63  }
0x83: {  	s23 =	simm.s32 $0x3000  }
0x84: {  	[hbm4b:s9+s1] =	stream.indirect_vreg.scatter [tilespmem:s23], [sflag:$0x2], $0x80, v3, vm0, $0xb8;
	[tilespmem:$0x10100] =	vst v63  }
0x85: {  	_ = 	snop  }
0x86: {  	[hbm4b:s10+s1] =	stream.indirect_vreg.scatter [tilespmem:s2], [sflag:$0x2], $0x80, v3, vm0, $0xb8;
	[tilespmem:$0x10100] =	vst v63  }
0x87: {  	v3 =	vld [tilespmem:$0x10090];
	_ =	sdelay $0x4  }
0x88: {  	v61 =	vshll.u32 v3, $0x3  }
0x89: {  	v3 =	vand.u32 $0x7, v3;
	v4 =	vand.u32 $0xFFFFFFC0, v61  }
0x8a: {  	v3 =	vor.u32 v3, v4  }
0x8b: {  	v4 =	vperm.xlane v3, v0;
	_ =	sdelay $0x1  }
0x8c: {  	v4 =	vadd.s32 v1, v4;
	_ =	sdelay $0x3  }
0x8d: {  	s29 =	simm.s32 $0x4000  }
0x8e: {  	[hbm4b:s6+s1] =	stream.indirect_vreg.scatter [tilespmem:s29], [sflag:$0x2], $0x80, v4, vm0, $0xb8;
	[tilespmem:$0x10100] =	vst v63  }
0x8f: {  	v3 =	vperm.xlane v3, v2  }
0x90: {  	[hbm4b:s8+s1] =	stream.indirect_vreg.scatter [tilespmem:s11], [sflag:$0x2], $0x80, v4, vm0, $0xb8;
	[tilespmem:$0x10100] =	vst v63  }
0x91: {  	s30 =	simm.s32 $0x5000;
	v3 =	vadd.s32 v1, v3  }
0x92: {  	[hbm4b:s9+s1] =	stream.indirect_vreg.scatter [tilespmem:s30], [sflag:$0x2], $0x80, v4, vm0, $0xb8;
	[tilespmem:$0x10100] =	vst v63  }
0x93: {  	_ = 	snop  }
0x94: {  	[hbm4b:s10+s1] =	stream.indirect_vreg.scatter [tilespmem:s12], [sflag:$0x2], $0x80, v4, vm0, $0xb8;
	[tilespmem:$0x10100] =	vst v63  }
0x95: {  	s31 =	simm.s32 $0x6000  }
0x96: {  	[hbm4b:s6+s1] =	stream.indirect_vreg.scatter [tilespmem:s31], [sflag:$0x2], $0x80, v3, vm0, $0xb8;
	[tilespmem:$0x10100] =	vst v63  }
0x97: {  	_ = 	snop  }
0x98: {  	[hbm4b:s8+s1] =	stream.indirect_vreg.scatter [tilespmem:s14], [sflag:$0x2], $0x80, v3, vm0, $0xb8;
	[tilespmem:$0x10100] =	vst v63  }
0x99: {  	s2 =	simm.s32 $0x7000  }
0x9a: {  	[hbm4b:s9+s1] =	stream.indirect_vreg.scatter [tilespmem:s2], [sflag:$0x2], $0x80, v3, vm0, $0xb8;
	[tilespmem:$0x10100] =	vst v63  }
0x9b: {  	_ = 	snop  }
0x9c: {  	[hbm4b:s10+s1] =	stream.indirect_vreg.scatter [tilespmem:s3], [sflag:$0x2], $0x80, v3, vm0, $0xb8;
	[tilespmem:$0x10100] =	vst v63  }
0x9d: {  	v3 =	vld [tilespmem:$0x100A0];
	_ =	sdelay $0x4  }
0x9e: {  	v62 =	vshll.u32 v3, $0x3  }
0x9f: {  	v3 =	vand.u32 $0x7, v3;
	v4 =	vand.u32 $0xFFFFFFC0, v62  }
0xa0: {  	v3 =	vor.u32 v3, v4  }
0xa1: {  	v4 =	vperm.xlane v3, v0;
	_ =	sdelay $0x1  }
0xa2: {  	v4 =	vadd.s32 v1, v4;
	_ =	sdelay $0x3  }
0xa3: {  	s11 =	simm.s32 $0x8000  }
0xa4: {  	[hbm4b:s6+s1] =	stream.indirect_vreg.scatter [tilespmem:s11], [sflag:$0x2], $0x80, v4, vm0, $0xb8;
	[tilespmem:$0x10100] =	vst v63  }
0xa5: {  	v3 =	vperm.xlane v3, v2  }
0xa6: {  	[hbm4b:s8+s1] =	stream.indirect_vreg.scatter [tilespmem:s4], [sflag:$0x2], $0x80, v4, vm0, $0xb8;
	[tilespmem:$0x10100] =	vst v63  }
0xa7: {  	s12 =	simm.s32 $0x9000;
	v3 =	vadd.s32 v1, v3  }
0xa8: {  	[hbm4b:s9+s1] =	stream.indirect_vreg.scatter [tilespmem:s12], [sflag:$0x2], $0x80, v4, vm0, $0xb8;
	[tilespmem:$0x10100] =	vst v63  }
0xa9: {  	_ = 	snop  }
0xaa: {  	[hbm4b:s10+s1] =	stream.indirect_vreg.scatter [tilespmem:s5], [sflag:$0x2], $0x80, v4, vm0, $0xb8;
	[tilespmem:$0x10100] =	vst v63  }
0xab: {  	s14 =	simm.s32 $0xA000  }
0xac: {  	[hbm4b:s6+s1] =	stream.indirect_vreg.scatter [tilespmem:s14], [sflag:$0x2], $0x80, v3, vm0, $0xb8;
	[tilespmem:$0x10100] =	vst v63  }
0xad: {  	_ = 	snop  }
0xae: {  	[hbm4b:s8+s1] =	stream.indirect_vreg.scatter [tilespmem:s7], [sflag:$0x2], $0x80, v3, vm0, $0xb8;
	[tilespmem:$0x10100] =	vst v63  }
0xaf: {  	s23 =	simm.s32 $0xB000  }
0xb0: {  	[hbm4b:s9+s1] =	stream.indirect_vreg.scatter [tilespmem:s23], [sflag:$0x2], $0x80, v3, vm0, $0xb8;
	[tilespmem:$0x10100] =	vst v63  }
0xb1: {  	_ = 	snop  }
0xb2: {  	[hbm4b:s10+s1] =	stream.indirect_vreg.scatter [tilespmem:s15], [sflag:$0x2], $0x80, v3, vm0, $0xb8;
	[tilespmem:$0x10100] =	vst v63  }
0xb3: {  	v3 =	vld [tilespmem:$0x100B0];
	_ =	sdelay $0x4  }
0xb4: {  	v63 =	vshll.u32 v3, $0x3  }
0xb5: {  	v3 =	vand.u32 $0x7, v3;
	v4 =	vand.u32 $0xFFFFFFC0, v63  }
0xb6: {  	v3 =	vor.u32 v3, v4  }
0xb7: {  	v4 =	vperm.xlane v3, v0;
	_ =	sdelay $0x1  }
0xb8: {  	v4 =	vadd.s32 v1, v4;
	_ =	sdelay $0x3  }
0xb9: {  	s29 =	simm.s32 $0xC000  }
0xba: {  	[hbm4b:s6+s1] =	stream.indirect_vreg.scatter [tilespmem:s29], [sflag:$0x2], $0x80, v4, vm0, $0xb8;
	[tilespmem:$0x10100] =	vst v63  }
0xbb: {  	v3 =	vperm.xlane v3, v2  }
0xbc: {  	[hbm4b:s8+s1] =	stream.indirect_vreg.scatter [tilespmem:s16], [sflag:$0x2], $0x80, v4, vm0, $0xb8;
	[tilespmem:$0x10100] =	vst v63  }
0xbd: {  	s30 =	simm.s32 $0xD000;
	v3 =	vadd.s32 v1, v3  }
0xbe: {  	[hbm4b:s9+s1] =	stream.indirect_vreg.scatter [tilespmem:s30], [sflag:$0x2], $0x80, v4, vm0, $0xb8;
	[tilespmem:$0x10100] =	vst v63  }
0xbf: {  	_ = 	snop  }
0xc0: {  	[hbm4b:s10+s1] =	stream.indirect_vreg.scatter [tilespmem:s17], [sflag:$0x2], $0x80, v4, vm0, $0xb8;
	[tilespmem:$0x10100] =	vst v63  }
0xc1: {  	s31 =	simm.s32 $0xE000  }
0xc2: {  	[hbm4b:s6+s1] =	stream.indirect_vreg.scatter [tilespmem:s31], [sflag:$0x2], $0x80, v3, vm0, $0xb8;
	[tilespmem:$0x10100] =	vst v63  }
0xc3: {  	_ = 	snop  }
0xc4: {  	[hbm4b:s8+s1] =	stream.indirect_vreg.scatter [tilespmem:s18], [sflag:$0x2], $0x80, v3, vm0, $0xb8;
	[tilespmem:$0x10100] =	vst v63  }
0xc5: {  	_ = 	snop  }
0xc6: {  	[hbm4b:s9+s1] =	stream.indirect_vreg.scatter [tilespmem:s19], [sflag:$0x2], $0x80, v3, vm0, $0xb8;
	[tilespmem:$0x10100] =	vst v63  }
0xc7: {  	_ = 	snop  }
0xc8: {  	[hbm4b:s10+s1] =	stream.indirect_vreg.scatter [tilespmem:s20], [sflag:$0x2], $0x80, v3, vm0, $0xb8;
	[tilespmem:$0x10100] =	vst v63  }
0xc9: {  	p1 =	por p0, p0;
	_ =	swait.ge [sflag:s21], $0x10000  }
.Ltmp0:
0xca: {  	[sflag:s21] =	ssyncset.done $0x0;
	(pc) =	sbr.rel @p1 .LBB2_2-.Ltmp0, $4  }
0xcb: {  	[sflag:s21] =	ssyncadd.s32 $0xFFFF0000  }
0xcc: {  	_ =	swait.ge [sflag:s22], $0x10000  }
0xcd: {  	[sflag:s22] =	ssyncset.done $0x0  }
0xce: {  	p0 =	por $0x0, $0x0;
	s23 =	simm.s32 $0x40;
	[sflag:s22] =	ssyncadd.s32 $0xFFFF0000  }
0xcf: {  	s0 =	rddreg [dreg:$0x3]  }
0xd0: {  	s23 =	rddreg [dreg:$0x2];
	s0 =	sadd.s32 $0x1, s0  }
0xd1: {  	p0 =	sne.s32 s0, s23  }
.Ltmp1:
0xd2: {  	_ = 	snop;
	(pc) =	sbr.rel @p0 .LBB2_1-.Ltmp1, $1  }
0xd3: {  	_ =	sdelay $0x3  }
0xd4: {  	_ =	sfence.sel $0x180000  }
0xd5: {  	[bflag:$0x0] =	sbarrier.arrive $0xFFFF  }
0xd6: {  	_ =	strace $0x9000004A  }
0xd7: {  	s0 =	stileid.u32;
	[bflag:$0x2] =	sbarrier.arrive $0xFFFF  }
0xd8: {  	p0 =	sne.s32 s0, $0x0;
	s0 =	rddreg [dreg:$0x1]  }
0xd9: {  	s0 =	sadd.s32 @!p0 $0x100000, s0  }
0xda: {  	[sflag:s0] =	ssyncadd.tile.s32 @!p0 $0x1;
	_ =	shalt  }
.Lfunc_end2:
_tile_overlayer_lowered:
.L_overlay_start_2:
0xdb: {  	(tag) =	ssettag $0x2  }
0xdc: {  	s0 =	rddreg [dreg:$0x0];
	s2 =	stileid.u32  }
0xdd: {  	s1 =	rddreg [dreg:$0x1];
	p0 =	sne.s32 s2, $0x0  }
0xde: {  	s3 =	rddreg [dreg:$0x2];
	[bflag:$0x3] =	sbarrier.arrive $0xFFFF;
	s2 =	simm.s32 @!p0 $0x1C03  }
0xdf: {  	[timem:s3], [sflag:s2] =	dma.local @!p0 [hbm:s0], s1  }
0xe0: {  	s0 =	simm.s32 @!p0 $0x3  }
0xe1: {  	_ =	swait.ge @!p0 [sflag:s0], s1  }
0xe2: {  	s1 =	ssub.s32 @!p0 $0x0, s1;
	[sflag:s0] =	ssyncset.done @!p0 $0x0  }
0xe3: {  	[sflag:s0] =	ssyncadd.s32 @!p0 s1  }
0xe4: {  	[bflag:$0x3] =	sbarrier.arrive $0xFFFF  }
0xe5: {  	_ =	shalt  }

// kernel: kernel.18.cloned.1.call-start
scs
__scs_entry_jumppad:
0x0: {  	(pc) =	sbr.rel $0x88, $3  }
0x1: {  	(tag) =	ssettag $0x0;
	lr =	simm.s32 $0x1  }
0x2: {  	[smem:$0x3F9C] =	sst lr;
	_ =	strace $0xD0000000  }
0x3: {  	_ = 	snop  }
0x4: {  	_ = 	snop  }
0x5: {  	_ = 	snop  }
0x6: {  	_ = 	snop  }
0x7: {  	_ = 	snop  }
__scs_overlays_trampoline_lowered:
0x8: {  	[smem:$0x3FAB] =	sst s0  }
0x9: {  	[smem:$0x3FAC] =	sst s1  }
0xa: {  	[smem:$0x3FAD] =	sst s2  }
0xb: {  	[smem:$0x3FAE] =	sst s3  }
0xc: {  	[smem:$0x3FAF] =	sst s4  }
0xd: {  	[smem:$0x3FB0] =	sst s5  }
0xe: {  	[smem:$0x3FB1] =	sst s6  }
0xf: {  	[smem:$0x3FB2] =	sst s7  }
0x10: {  	[smem:$0x3FB3] =	sst s8  }
0x11: {  	[smem:$0x3FB4] =	sst s9;
	s0 =	simm.s32 @!p0 $0x0  }
0x12: {  	s1 =	sld [smem:$0x3F9A];
	s0 =	simm.s32 @p0 $0x1  }
0x13: {  	[smem:$0x3FB5] =	sst s0;
	s0 =	simm.s32 @!p1 $0x0  }
0x14: {  	s2 =	sld [smem:$0x3F99];
	s0 =	simm.s32 @p1 $0x1  }
0x15: {  	[smem:$0x3FB6] =	sst s0;
	s0 =	simm.s32 @!p2 $0x0  }
0x16: {  	s3 =	sld [smem:$0x3FDB];
	s0 =	simm.s32 @p2 $0x1  }
0x17: {  	s4 =	simm.s32 $0x1BF5;
	[smem:$0x3FB8] =	sst s0  }
0x18: {  	s0 =	sld [smem:$0x3F9B];
	_ =	swait.ge [sflag:s4], $0x0  }
0x19: {  	s7 =	sld [smem:$0x3F9C]  }
0x1a: {  	s8 =	sadd.s32 $0xFFFFE003, lr  }
0x1b: {  	s9 =	sadd.s32 $0xFFFFFEF7, lr;
	s5 =	simm.s32 $0xFFFFFFFF;
	p2 =	slt.u32 s8, $0xFFFFF086  }
0x1c: {  	p1 =	slt.u32 s9, $0xF7A;
	s5 =	simm.s32 @!p2 $0x0  }
0x1d: {  	s5 =	simm.s32 @p1 $0x1;
	p0 =	seq.s32 s7, s2  }
0x1e: {  	s7 =	smul.u32 @!p0 $0xF7A, s2;
	p2 =	seq.s32 @!p0 s5, $0x0  }
0x1f: {  	s9 =	smul.u32 $0xF7A, s1;
	s8 =	simm.s32 @!p0 $0x1BF5;
	p2 =	por !p2, p0  }
0x20: {  	[sflag:s8] =	ssyncset.s32 @!p0 $0xFFFFF086;
	s6 =	sadd.s32 @!p0 s3, s7;
	s7 =	simm.s32 @!p0 $0x108  }
0x21: {  	s3 =	sadd.s32 s3, s9;
	s6 =	sadd.s32 @!p0 $0x88, s6;
	s7 =	simm.s32 @p2 $0x1082  }
0x22: {  	[simem:s7], [sflag:s8] =	dma.local @!p0 [hbm:s6], $0xF7A  }
0x23: {  	s9 =	sor.u32 $0xD0000000, s2;
	s6 =	simm.s32 $0x108;
	_ =	swait.ge @!p0 [sflag:s8], $0x0  }
0x24: {  	s3 =	sadd.s32 $0x88, s3;
	s6 =	simm.s32 @!p1 $0x1082;
	[sflag:s4] =	ssyncset.s32 $0xFFFFF086  }
0x25: {  	[simem:s6], [sflag:s4] =	dma.local [hbm:s3], $0xF7A  }
0x26: {  	[smem:$0x3F9C] =	sst s1;
	(tag) =	ssettag s2;
	_ =	strace s9  }
0x27: {  	s1 =	sld [smem:$0x3FAC]  }
0x28: {  	s2 =	sld [smem:$0x3FAD]  }
0x29: {  	s4 =	sld [smem:$0x3FAF]  }
0x2a: {  	p0 =	seq.s32 s5, $0x0;
	s5 =	sld [smem:$0x3FB0]  }
0x2b: {  	s6 =	sld [smem:$0x3FB1]  }
0x2c: {  	s7 =	sld [smem:$0x3FB2]  }
0x2d: {  	s3 =	simm.s32 $0x108;
	s8 =	sld [smem:$0x3FB3]  }
0x2e: {  	s3 =	simm.s32 @!p0 $0x1082;
	s9 =	sld [smem:$0x3FB4]  }
0x2f: {  	lr =	sadd.s32 s0, s3;
	s0 =	sld [smem:$0x3FAB]  }
0x30: {  	s3 =	sld [smem:$0x3FAE]  }
0x31: {  	[smem:$0x3FB7] =	sst s10  }
0x32: {  	s10 =	sld [smem:$0x3FB5];
	_ =	sdelay $0x3  }
0x33: {  	p0 =	seq.s32 s10, $0x1;
	s10 =	sld [smem:$0x3FB7];
	_ =	sdelay $0x3  }
0x34: {  	[smem:$0x3FB7] =	sst s10  }
0x35: {  	s10 =	sld [smem:$0x3FB6];
	_ =	sdelay $0x3  }
0x36: {  	p1 =	seq.s32 s10, $0x1;
	s10 =	sld [smem:$0x3FB7];
	_ =	sdelay $0x3  }
0x37: {  	[smem:$0x3FB7] =	sst s10  }
0x38: {  	s10 =	sld [smem:$0x3FB8]  }
0x39: {  	_ = 	snop;
	(pc) =	sbr.ind lr, $3  }
0x3a: {  	_ = 	snop  }
0x3b: {  	_ = 	snop  }
0x3c: {  	p2 =	seq.s32 s10, $0x1;
	s10 =	sld [smem:$0x3FB7]  }
0x3d: {  	_ =	shalt  }
0x3e: {  	_ =	shalt  }
0x3f: {  	_ =	shalt  }
0x40: {  	_ =	shalt  }
0x41: {  	_ =	shalt  }
0x42: {  	_ =	shalt  }
0x43: {  	_ =	shalt  }
0x44: {  	_ =	shalt  }
0x45: {  	_ =	shalt  }
0x46: {  	_ =	shalt  }
0x47: {  	_ =	shalt  }
0x48: {  	_ =	shalt  }
0x49: {  	_ =	shalt  }
0x4a: {  	_ =	shalt  }
0x4b: {  	_ =	shalt  }
0x4c: {  	_ =	shalt  }
0x4d: {  	_ =	shalt  }
0x4e: {  	_ =	shalt  }
0x4f: {  	_ =	shalt  }
0x50: {  	_ =	shalt  }
0x51: {  	_ =	shalt  }
0x52: {  	_ =	shalt  }
0x53: {  	_ =	shalt  }
0x54: {  	_ =	shalt  }
0x55: {  	_ =	shalt  }
0x56: {  	_ =	shalt  }
0x57: {  	_ =	shalt  }
0x58: {  	_ =	shalt  }
0x59: {  	_ =	shalt  }
0x5a: {  	_ =	shalt  }
0x5b: {  	_ =	shalt  }
0x5c: {  	_ =	shalt  }
0x5d: {  	_ =	shalt  }
0x5e: {  	_ =	shalt  }
0x5f: {  	_ =	shalt  }
0x60: {  	_ =	shalt  }
0x61: {  	_ =	shalt  }
0x62: {  	_ =	shalt  }
0x63: {  	_ =	shalt  }
0x64: {  	_ =	shalt  }
0x65: {  	_ =	shalt  }
0x66: {  	_ =	shalt  }
0x67: {  	_ =	shalt  }
0x68: {  	_ =	shalt  }
0x69: {  	_ =	shalt  }
0x6a: {  	_ =	shalt  }
0x6b: {  	_ =	shalt  }
0x6c: {  	_ =	shalt  }
0x6d: {  	_ =	shalt  }
0x6e: {  	_ =	shalt  }
0x6f: {  	_ =	shalt  }
0x70: {  	_ =	shalt  }
0x71: {  	_ =	shalt  }
0x72: {  	_ =	shalt  }
0x73: {  	_ =	shalt  }
0x74: {  	_ =	shalt  }
0x75: {  	_ =	shalt  }
0x76: {  	_ =	shalt  }
0x77: {  	_ =	shalt  }
0x78: {  	_ =	shalt  }
0x79: {  	_ =	shalt  }
0x7a: {  	_ =	shalt  }
0x7b: {  	_ =	shalt  }
0x7c: {  	_ =	shalt  }
0x7d: {  	_ =	shalt  }
0x7e: {  	_ =	shalt  }
0x7f: {  	_ =	shalt  }
0x80: {  	_ =	shalt  }
0x81: {  	_ =	shalt  }
0x82: {  	_ =	shalt  }
0x83: {  	_ =	shalt  }
0x84: {  	_ =	shalt  }
0x85: {  	_ =	shalt  }
0x86: {  	_ =	shalt  }
0x87: {  	_ =	shalt  }
.Lfunc_end0:
.L_simem_size_0:
called_computation.2_lowered:
.L_overlay_start_0:
0x88: {  	s2 =	sld [smem:$0x3FD9]  }
0x89: {  	s3 =	sld [smem:$0x3FFE];
	_ =	sdelay $0x1  }
0x8a: {  	s1 =	srdreg.scid  }
0x8b: {  	s0 =	sand.u32 $0x1, s1  }
0x8c: {  	s17 =	sshll.u32 s0, $0xA;
	s2 =	sadd.s32 s3, s2  }
0x8d: {  	s2 =	sadd.s32 s2, s17  }
0x8e: {  	[smem:$0x3FC3] =	sst s2  }
0x8f: {  	_ = 	snop  }
0x90: {  	(tm) =	ssettm $0x1  }
0x91: {  	s18 =	sld [smem:$0x3FFB];
	_ =	sdelay $0x3  }
0x92: {  	_ =	strace s18  }
0x93: {  	s2 =	sld [smem:$0x3FFC];
	_ =	sdelay $0x3  }
0x94: {  	_ =	strace s2  }
0x95: {  	s2 =	sld [smem:$0x3FFD];
	_ =	sdelay $0x3  }
0x96: {  	_ =	strace s2  }
0x97: {  	_ =	strace $0x8FFFFFFF  }
0x98: {  	s19 =	sld [smem:$0x3FDB];
	_ =	sdelay $0x1  }
0x99: {  	s20 =	simm.s32 $_scs_section_size  }
0x9a: {  	s4 =	simm.s32 $_size__tile_overlayer_lowered;
	s5 =	simm.s32 $_tile_overlayer_lowered  }
0x9b: {  	s6 =	simm.s32 $0x1BFF;
	s21 =	sshll.u32 s5, $0x1;
	s3 =	sadd.s32 s20, s19  }
0x9c: {  	s22 =	simm.s32 $0x0;
	s4 =	sshll.u32 s4, $0x1;
	s5 =	sadd.s32 s21, s3  }
0x9d: {  	[timem:s22], [sflag:s6] =	dma.local [hbm:s5], s4  }
0x9e: {  	_ =	swait.ge [sflag:s6], s4  }
0x9f: {  	s4 =	ssub.s32 $0x0, s4;
	[sflag:s6] =	ssyncset.done $0x0  }
0xa0: {  	[sflag:s6] =	ssyncadd.s32 s4;
	_ =	sdelay $0x1  }
0xa1: {  	s23 =	simm.s32 $0x1B8B  }
0xa2: {  	_ =	swait.ge [sflag:s23], $0x1  }
0xa3: {  	[sflag:s23] =	ssyncset.done $0x0  }
0xa4: {  	[sflag:s23] =	ssyncadd.s32 $0xFFFFFFFF  }
0xa5: {  	s4 =	sld [smem:$0x0]  }
0xa6: {  	s5 =	sand.u32 $0xFFFFFFFE, s1  }
0xa7: {  	p0 =	sne.s32 s1, s5  }
0xa8: {  	s5 =	sshll.u32 @p0 s5, $0xE  }
0xa9: {  	s5 =	sadd.s32 @p0 $0x11B8D, s5;
	s6 =	sshll.u32 @p0 s4, $0x11  }
0xaa: {  	s5 =	sor.u32 @p0 s6, s5  }
0xab: {  	[sflag:s5] =	ssyncadd.remote.s32 @p0 $0x1;
	_ =	sdelay $0x1  }
0xac: {  	s5 =	simm.s32 @p0 $0x1B8D  }
0xad: {  	_ =	swait.eq @p0 [sflag:s5], $0x1  }
0xae: {  	[sflag:s5] =	ssyncadd.s32 @p0 $0xFFFFFFFF  }
0xaf: {  	s6 =	sshll.u32 @!p0 s1, $0xE  }
0xb0: {  	s6 =	sor.u32 @!p0 $0x4000, s6;
	s5 =	simm.s32 @!p0 $0x1B8D  }
0xb1: {  	s4 =	sshll.u32 @!p0 s4, $0x11;
	s6 =	sadd.s32 @!p0 $0x11B8D, s6;
	_ =	swait.eq @!p0 [sflag:s5], $0x1  }
0xb2: {  	s4 =	sor.u32 @!p0 s4, s6;
	[sflag:s5] =	ssyncadd.s32 @!p0 $0xFFFFFFFF  }
0xb3: {  	s25 =	simm.s32 $0x1B8E;
	s24 =	sld [smem:$0x3FFE];
	[sflag:s4] =	ssyncadd.remote.s32 @!p0 $0x1  }
0xb4: {  	s26 =	simm.s32 $execute0_lowered;
	[smem:$0x3FD2] =	sst s25  }
0xb5: {  	s5 =	sshll.u32 s26, $0x1;
	_ =	strace $0x8000004C;
	[dreg:$0x1] =	wrdreg $0xFFFFFFFF  }
0xb6: {  	s28 =	simm.s32 $_size_execute0_lowered;
	s3 =	sadd.s32 s3, s5;
	[dreg:$0x0] =	wrdreg $0x0  }
0xb7: {  	s5 =	sshll.u32 s28, $0x1;
	[dreg:$0x2] =	wrdreg s3  }
0xb8: {  	[dreg:$0x3] =	wrdreg s5  }
0xb9: {  	[dreg:$0x4] =	wrdreg $0xC0  }
0xba: {  	_ =	task [dreg:s22], $0x5FFFF  }
0xbb: {  	[dreg:$0x1] =	wrdreg $0xFFFFFFFF  }
0xbc: {  	[dreg:$0x0] =	wrdreg $0x60  }
0xbd: {  	[dreg:$0x2] =	wrdreg s24  }
0xbe: {  	[dreg:$0x3] =	wrdreg $0xA  }
0xbf: {  	_ =	task.clear_ibuf [dreg:s22], $0x4FFFF;
	_ =	strace $0x9000004C  }
0xc0: {  	s29 =	simm.s32 $0xA;
	_ =	strace $0x8000004E  }
0xc1: {  	_ =	swait.ge [sflag:s29], $0x1  }
0xc2: {  	[sflag:s29] =	ssyncadd.s32 $0xFFFFFFFF  }
0xc3: {  	_ =	strace $0x9000004E  }
0xc4: {  	_ =	sfence  }
0xc5: {  	s30 =	sld [smem:$0x0];
	_ =	sdelay $0x2  }
0xc6: {  	s31 =	sshll.u32 s1, $0xD;
	s1 =	sshrl.u32 s1, $0x2  }
0xc7: {  	s4 =	sand.u32 $0x4000, s31;
	s1 =	sadd.s32 s1, s30  }
0xc8: {  	s0 =	sor.u32 s4, s0;
	s1 =	sshll.u32 s1, $0x11  }
0xc9: {  	s0 =	sor.u32 s1, s0  }
0xca: {  	s0 =	sadd.s32 $0x8F2B, s0  }
0xcb: {  	[sflag:s0] =	ssyncadd.remote.s32 $0x1  }
0xcc: {  	_ =	sfence.sel $0xFFFF  }
0xcd: {  	[dreg:$0x0] =	wrdreg $0xFFFFFFFF;
	(pc) =	sbr.abs _section_cstart, $3  }
0xce: {  	[dreg:$0x1] =	wrdreg $0xFFFFFFFF  }
0xcf: {  	_ =	task.clear_ibuf [dreg:s22], $0x2FFFF;
	_ =	strace $0x9FFFFFFF  }
0xd0: {  	(tm) =	ssettm $0x7FFFFFFF  }
0xd1: {  	_ =	shalt  }
tec
execute0_lowered:
.L_overlay_start_1:
0x0: {  	(tag) =	ssettag $0x1  }
0x1: {  	s1 =	srdreg.scid;
	s0 =	stileid.u32  }
0x2: {  	s6 =	rddreg [dreg:$0x0];
	s12 =	simm.s32 $0x10000;
	s8 =	sand.u32 $0x1, s1  }
0x3: {  	s13 =	simm.s32 $0x10080;
	s11 =	sshll.u32 s0, $0x8;
	s2 =	sshll.u32 s8, $0x7  }
0x4: {  	s14 =	simm.s32 $0x800;
	s3 =	sor.u32 s2, s11;
	s2 =	simm.s32 $0x0  }
0x5: {  	s15 =	simm.s32 $0x1000;
	s16 =	simm.s32 $0x1800;
	[smem:$0x7FF] =	sst s2  }
0x6: {  	s17 =	simm.s32 $0x2000;
	_ =	strace $0x8000004D;
	[dreg:$0x4] =	wrdreg s12  }
0x7: {  	s18 =	simm.s32 $0x2800;
	s20 =	simm.s32 $0x3000;
	[dreg:$0x5] =	wrdreg s13  }
0x8: {  	s21 =	simm.s32 $0x3800;
	s22 =	simm.s32 $0x4000;
	[dreg:$0x6] =	wrdreg s14  }
0x9: {  	s10 =	simm.s32 $0x4800;
	s23 =	simm.s32 $0x5000;
	[dreg:$0x7] =	wrdreg s15  }
0xa: {  	s24 =	simm.s32 $0x5800;
	s25 =	simm.s32 $0x6000;
	[dreg:$0x8] =	wrdreg s16  }
0xb: {  	s26 =	simm.s32 $0x6800;
	s30 =	simm.s32 $0x7000;
	[dreg:$0x9] =	wrdreg s17  }
0xc: {  	s31 =	simm.s32 $0x7800;
	s28 =	simm.s32 $0x2;
	[dreg:$0xa] =	wrdreg s18  }
0xd: {  	s29 =	simm.s32 $0x0;
	s5 =	sshll.u32 s0, $0xF;
	[dreg:$0xb] =	wrdreg s20  }
0xe: {  	s9 =	sadd.s32 s5, s6;
	s19 =	ssub.s32 $0x2, s8;
	[dreg:$0xc] =	wrdreg s21  }
0xf: {  	s5 =	sadd.s32 $0x442E00, s6;
	s8 =	sshll.u32 s8, $0xE;
	[dreg:$0xd] =	wrdreg s22  }
0x10: {  	s7 =	sshrl.u32 s19, $0x1;
	s8 =	sadd.s32 s8, s9;
	[dreg:$0xe] =	wrdreg s10  }
0x11: {  	s9 =	simm.s32 $0x3;
	s11 =	simm.s32 $0x8800;
	[dreg:$0xf] =	wrdreg s23  }
0x12: {  	s3 =	sshrl.u32 s3, $0x3;
	s7 =	ssub.s32 s19, s7;
	[dreg:$0x10] =	wrdreg s24  }
0x13: {  	s8 =	sadd.s32 $0x1C2C00, s8;
	s19 =	simm.s32 $0xC800;
	[dreg:$0x11] =	wrdreg s25  }
0x14: {  	s3 =	sadd.s32 s3, s6;
	s7 =	smax.u32 s7, $0x1;
	[dreg:$0x12] =	wrdreg s26  }
0x15: {  	[dreg:$0x13] =	wrdreg s30;
	s10 =	simm.s32 $0x8000;
	s12 =	simm.s32 $0x9000  }
0x16: {  	s13 =	simm.s32 $0x9800;
	s14 =	simm.s32 $0xA000;
	s15 =	simm.s32 $0xA800  }
0x17: {  	s16 =	simm.s32 $0xB000;
	s17 =	simm.s32 $0xB800;
	s18 =	simm.s32 $0xC000  }
0x18: {  	s20 =	simm.s32 $0xD000;
	s21 =	simm.s32 $0xD800;
	s22 =	simm.s32 $0xE000  }
0x19: {  	s23 =	simm.s32 $0xE800;
	s24 =	simm.s32 $0xF000;
	s25 =	simm.s32 $0xF800  }
0x1a: {  	v2 =	vlaneseq.u32;
	[dreg:$0x14] =	wrdreg s31;
	s4 =	sadd.s32 $0x142400, s3;
	s3 =	sadd.s32 $0x142800, s3  }
0x1b: {  	vm0 =	vmmov $0xffff;
	v1 =	vshrl.u32 v2, $0x3;
	s26 =	simm.s32 $0x1;
	[dreg:$0x3] =	wrdreg s3;
	s3 =	sadd.s32 $0x442C00, s6  }
0x1c: {  	v0 =	vand.u32 $0x7, v2;
	v2 =	vor.u32 $0x8, v2;
	v1 =	vmul.u32 $0x8, v1;
	[dreg:$0x2] =	wrdreg s4;
	s4 =	sadd.s32 $0x442D00, s6;
	s6 =	sadd.s32 $0x442F00, s6  }
.LBB2_1:
0x1d: {  	s30 =	smov.u32 s8;
	s31 =	simm.s32 $0x0  }
.LBB2_2:
0x1e: {  	s1 =	rddreg [dreg:$0x3]  }
0x1f: {  	s0 =	rddreg [dreg:$0x4];
	s1 =	sadd.s32 s31, s1  }
0x20: {  	[tilespmem:s0], [sflag:$0x3] =	stream.linear.gather [hbm4b:s1+s2], $0x20, $0x38;
	[tilespmem:$0x10100] =	vst v63  }
0x21: {  	_ =	swait.ge [sflag:s9], $0x20  }
0x22: {  	s0 =	rddreg [dreg:$0x2];
	[sflag:s9] =	ssyncset.done $0x0  }
0x23: {  	s1 =	rddreg [dreg:$0x5];
	[sflag:s9] =	ssyncadd.s32 $0xFFFFFFE0;
	s0 =	sadd.s32 s31, s0  }
0x24: {  	[tilespmem:s1], [sflag:$0x3] =	stream.linear.gather [hbm4b:s0+s2], $0x20, $0x38;
	[tilespmem:$0x10100] =	vst v63  }
0x25: {  	_ =	swait.ge [sflag:s9], $0x20  }
0x26: {  	[sflag:s9] =	ssyncset.done $0x0  }
0x27: {  	[sflag:s9] =	ssyncadd.s32 $0xFFFFFFE0  }
0x28: {  	v3 =	vld [tilespmem:$0x10000];
	_ =	sdelay $0x4  }
0x29: {  	v4 =	vshll.u32 v3, $0x3  }
0x2a: {  	v3 =	vand.u32 $0x7, v3;
	v4 =	vand.u32 $0xFFFFFFC0, v4  }
0x2b: {  	v3 =	vor.u32 v3, v4  }
0x2c: {  	v4 =	vperm.xlane v3, v0;
	_ =	sdelay $0x1  }
0x2d: {  	v4 =	vadd.s32 v1, v4;
	_ =	sdelay $0x4  }
0x2e: {  	[tilespmem:s2], [sflag:$0x1] =	stream.indirect_vreg.gather [hbm4b:s3+s2], $0x80, v4, vm0, $0xb8;
	[tilespmem:$0x10100] =	vst v63  }
0x2f: {  	s0 =	rddreg [dreg:$0x6];
	v3 =	vperm.xlane v3, v2  }
0x30: {  	[tilespmem:s0], [sflag:$0x1] =	stream.indirect_vreg.gather [hbm4b:s4+s2], $0x80, v4, vm0, $0xb8;
	[tilespmem:$0x10100] =	vst v63  }
0x31: {  	s1 =	rddreg [dreg:$0x7];
	v3 =	vadd.s32 v1, v3  }
0x32: {  	[tilespmem:s1], [sflag:$0x1] =	stream.indirect_vreg.gather [hbm4b:s5+s2], $0x80, v4, vm0, $0xb8;
	[tilespmem:$0x10100] =	vst v63  }
0x33: {  	s0 =	rddreg [dreg:$0x8]  }
0x34: {  	[tilespmem:s0], [sflag:$0x1] =	stream.indirect_vreg.gather [hbm4b:s6+s2], $0x80, v4, vm0, $0xb8;
	[tilespmem:$0x10100] =	vst v63  }
0x35: {  	s1 =	rddreg [dreg:$0x9]  }
0x36: {  	[tilespmem:s1], [sflag:$0x1] =	stream.indirect_vreg.gather [hbm4b:s3+s2], $0x80, v3, vm0, $0xb8;
	[tilespmem:$0x10100] =	vst v63  }
0x37: {  	s0 =	rddreg [dreg:$0xa]  }
0x38: {  	[tilespmem:s0], [sflag:$0x1] =	stream.indirect_vreg.gather [hbm4b:s4+s2], $0x80, v3, vm0, $0xb8;
	[tilespmem:$0x10100] =	vst v63  }
0x39: {  	s1 =	rddreg [dreg:$0xb]  }
0x3a: {  	[tilespmem:s1], [sflag:$0x1] =	stream.indirect_vreg.gather [hbm4b:s5+s2], $0x80, v3, vm0, $0xb8;
	[tilespmem:$0x10100] =	vst v63  }
0x3b: {  	s0 =	rddreg [dreg:$0xc]  }
0x3c: {  	[tilespmem:s0], [sflag:$0x1] =	stream.indirect_vreg.gather [hbm4b:s6+s2], $0x80, v3, vm0, $0xb8;
	[tilespmem:$0x10100] =	vst v63  }
0x3d: {  	v3 =	vld [tilespmem:$0x10010];
	_ =	sdelay $0x4  }
0x3e: {  	v61 =	vshll.u32 v3, $0x3  }
0x3f: {  	v3 =	vand.u32 $0x7, v3;
	v4 =	vand.u32 $0xFFFFFFC0, v61  }
0x40: {  	v3 =	vor.u32 v3, v4  }
0x41: {  	v4 =	vperm.xlane v3, v0;
	_ =	sdelay $0x1  }
0x42: {  	v4 =	vadd.s32 v1, v4;
	_ =	sdelay $0x3  }
0x43: {  	s0 =	rddreg [dreg:$0xd]  }
0x44: {  	[tilespmem:s0], [sflag:$0x1] =	stream.indirect_vreg.gather [hbm4b:s3+s2], $0x80, v4, vm0, $0xb8;
	[tilespmem:$0x10100] =	vst v63  }
0x45: {  	s1 =	rddreg [dreg:$0xe];
	v3 =	vperm.xlane v3, v2  }
0x46: {  	[tilespmem:s1], [sflag:$0x1] =	stream.indirect_vreg.gather [hbm4b:s4+s2], $0x80, v4, vm0, $0xb8;
	[tilespmem:$0x10100] =	vst v63  }
0x47: {  	v3 =	vadd.s32 v1, v3;
	s0 =	rddreg [dreg:$0xf]  }
0x48: {  	[tilespmem:s0], [sflag:$0x1] =	stream.indirect_vreg.gather [hbm4b:s5+s2], $0x80, v4, vm0, $0xb8;
	[tilespmem:$0x10100] =	vst v63  }
0x49: {  	s1 =	rddreg [dreg:$0x10]  }
0x4a: {  	[tilespmem:s1], [sflag:$0x1] =	stream.indirect_vreg.gather [hbm4b:s6+s2], $0x80, v4, vm0, $0xb8;
	[tilespmem:$0x10100] =	vst v63  }
0x4b: {  	s0 =	rddreg [dreg:$0x11]  }
0x4c: {  	[tilespmem:s0], [sflag:$0x1] =	stream.indirect_vreg.gather [hbm4b:s3+s2], $0x80, v3, vm0, $0xb8;
	[tilespmem:$0x10100] =	vst v63  }
0x4d: {  	s1 =	rddreg [dreg:$0x12]  }
0x4e: {  	[tilespmem:s1], [sflag:$0x1] =	stream.indirect_vreg.gather [hbm4b:s4+s2], $0x80, v3, vm0, $0xb8;
	[tilespmem:$0x10100] =	vst v63  }
0x4f: {  	s0 =	rddreg [dreg:$0x13]  }
0x50: {  	[tilespmem:s0], [sflag:$0x1] =	stream.indirect_vreg.gather [hbm4b:s5+s2], $0x80, v3, vm0, $0xb8;
	[tilespmem:$0x10100] =	vst v63  }
0x51: {  	s1 =	rddreg [dreg:$0x14]  }
0x52: {  	[tilespmem:s1], [sflag:$0x1] =	stream.indirect_vreg.gather [hbm4b:s6+s2], $0x80, v3, vm0, $0xb8;
	[tilespmem:$0x10100] =	vst v63  }
0x53: {  	v3 =	vld [tilespmem:$0x10080];
	_ =	sdelay $0x4  }
0x54: {  	v62 =	vshll.u32 v3, $0x3  }
0x55: {  	v3 =	vand.u32 $0x7, v3;
	v4 =	vand.u32 $0xFFFFFFC0, v62  }
0x56: {  	v3 =	vor.u32 v3, v4  }
0x57: {  	v4 =	vperm.xlane v3, v0;
	_ =	sdelay $0x1  }
0x58: {  	v4 =	vadd.s32 v1, v4;
	_ =	sdelay $0x4  }
0x59: {  	[tilespmem:s10], [sflag:$0x2] =	stream.indirect_vreg.gather [hbm4b:s3+s2], $0x80, v4, vm0, $0xb8;
	[tilespmem:$0x10100] =	vst v63  }
0x5a: {  	v3 =	vperm.xlane v3, v2  }
0x5b: {  	[tilespmem:s11], [sflag:$0x2] =	stream.indirect_vreg.gather [hbm4b:s4+s2], $0x80, v4, vm0, $0xb8;
	[tilespmem:$0x10100] =	vst v63  }
0x5c: {  	v3 =	vadd.s32 v1, v3  }
0x5d: {  	[tilespmem:s12], [sflag:$0x2] =	stream.indirect_vreg.gather [hbm4b:s5+s2], $0x80, v4, vm0, $0xb8;
	[tilespmem:$0x10100] =	vst v63  }
0x5e: {  	_ = 	snop  }
0x5f: {  	[tilespmem:s13], [sflag:$0x2] =	stream.indirect_vreg.gather [hbm4b:s6+s2], $0x80, v4, vm0, $0xb8;
	[tilespmem:$0x10100] =	vst v63  }
0x60: {  	_ = 	snop  }
0x61: {  	[tilespmem:s14], [sflag:$0x2] =	stream.indirect_vreg.gather [hbm4b:s3+s2], $0x80, v3, vm0, $0xb8;
	[tilespmem:$0x10100] =	vst v63  }
0x62: {  	_ = 	snop  }
0x63: {  	[tilespmem:s15], [sflag:$0x2] =	stream.indirect_vreg.gather [hbm4b:s4+s2], $0x80, v3, vm0, $0xb8;
	[tilespmem:$0x10100] =	vst v63  }
0x64: {  	_ = 	snop  }
0x65: {  	[tilespmem:s16], [sflag:$0x2] =	stream.indirect_vreg.gather [hbm4b:s5+s2], $0x80, v3, vm0, $0xb8;
	[tilespmem:$0x10100] =	vst v63  }
0x66: {  	_ = 	snop  }
0x67: {  	[tilespmem:s17], [sflag:$0x2] =	stream.indirect_vreg.gather [hbm4b:s6+s2], $0x80, v3, vm0, $0xb8;
	[tilespmem:$0x10100] =	vst v63  }
0x68: {  	v3 =	vld [tilespmem:$0x10090];
	_ =	sdelay $0x4  }
0x69: {  	v63 =	vshll.u32 v3, $0x3  }
0x6a: {  	v3 =	vand.u32 $0x7, v3;
	v4 =	vand.u32 $0xFFFFFFC0, v63  }
0x6b: {  	v3 =	vor.u32 v3, v4  }
0x6c: {  	v4 =	vperm.xlane v3, v0;
	_ =	sdelay $0x1  }
0x6d: {  	v4 =	vadd.s32 v1, v4;
	_ =	sdelay $0x4  }
0x6e: {  	[tilespmem:s18], [sflag:$0x2] =	stream.indirect_vreg.gather [hbm4b:s3+s2], $0x80, v4, vm0, $0xb8;
	[tilespmem:$0x10100] =	vst v63  }
0x6f: {  	v3 =	vperm.xlane v3, v2  }
0x70: {  	[tilespmem:s19], [sflag:$0x2] =	stream.indirect_vreg.gather [hbm4b:s4+s2], $0x80, v4, vm0, $0xb8;
	[tilespmem:$0x10100] =	vst v63  }
0x71: {  	v3 =	vadd.s32 v1, v3  }
0x72: {  	[tilespmem:s20], [sflag:$0x2] =	stream.indirect_vreg.gather [hbm4b:s5+s2], $0x80, v4, vm0, $0xb8;
	[tilespmem:$0x10100] =	vst v63  }
0x73: {  	_ = 	snop  }
0x74: {  	[tilespmem:s21], [sflag:$0x2] =	stream.indirect_vreg.gather [hbm4b:s6+s2], $0x80, v4, vm0, $0xb8;
	[tilespmem:$0x10100] =	vst v63  }
0x75: {  	_ = 	snop  }
0x76: {  	[tilespmem:s22], [sflag:$0x2] =	stream.indirect_vreg.gather [hbm4b:s3+s2], $0x80, v3, vm0, $0xb8;
	[tilespmem:$0x10100] =	vst v63  }
0x77: {  	_ = 	snop  }
0x78: {  	[tilespmem:s23], [sflag:$0x2] =	stream.indirect_vreg.gather [hbm4b:s4+s2], $0x80, v3, vm0, $0xb8;
	[tilespmem:$0x10100] =	vst v63  }
0x79: {  	_ = 	snop  }
0x7a: {  	[tilespmem:s24], [sflag:$0x2] =	stream.indirect_vreg.gather [hbm4b:s5+s2], $0x80, v3, vm0, $0xb8;
	[tilespmem:$0x10100] =	vst v63  }
0x7b: {  	_ = 	snop  }
0x7c: {  	[tilespmem:s25], [sflag:$0x2] =	stream.indirect_vreg.gather [hbm4b:s6+s2], $0x80, v3, vm0, $0xb8;
	[tilespmem:$0x10100] =	vst v63  }
0x7d: {  	_ =	swait.ge [sflag:s26], $0x8000  }
0x7e: {  	[sflag:s26] =	ssyncset.done $0x0  }
0x7f: {  	[sflag:s26] =	ssyncadd.s32 $0xFFFF8000  }
0x80: {  	_ =	swait.ge [sflag:s28], $0x8000  }
0x81: {  	[sflag:s28] =	ssyncset.done $0x0  }
0x82: {  	s1 =	sadd.s32 $0xFFF80000, s30;
	[sflag:s28] =	ssyncadd.s32 $0xFFFF8000  }
0x83: {  	[hbm4b:s1+s2] =	stream.linear.scatter [tilespmem:s2], [sflag:$0x3], $0x8000, $0x38;
	[tilespmem:$0x10100] =	vst v63  }
0x84: {  	_ =	swait.ge [sflag:s9], $0x8000  }
0x85: {  	p0 =	sne.s32 s31, $0xC;
	[sflag:s9] =	ssyncset.done $0x0  }
.Ltmp0:
0x86: {  	[sflag:s9] =	ssyncadd.s32 $0xFFFF8000;
	(pc) =	sbr.rel @p0 .LBB2_2-.Ltmp0, $4  }
0x87: {  	[hbm4b:s30+s2] =	stream.linear.scatter [tilespmem:s10], [sflag:$0x3], $0x8000, $0x38;
	[tilespmem:$0x10100] =	vst v63  }
0x88: {  	_ =	swait.ge [sflag:s9], $0x8000  }
0x89: {  	[sflag:s9] =	ssyncset.done $0x0  }
0x8a: {  	s31 =	sadd.s32 $0x4, s31;
	s30 =	sadd.s32 $0x1000, s30;
	[sflag:s9] =	ssyncadd.s32 $0xFFFF8000  }
0x8b: {  	s29 =	sadd.s32 $0x1, s29  }
0x8c: {  	p0 =	sne.s32 s29, s7  }
.Ltmp1:
0x8d: {  	_ = 	snop;
	(pc) =	sbr.rel @p0 .LBB2_1-.Ltmp1, $1  }
0x8e: {  	_ =	sdelay $0x3  }
0x8f: {  	_ =	sfence.sel $0x180000  }
0x90: {  	[bflag:$0x0] =	sbarrier.arrive $0xFFFF  }
0x91: {  	_ =	strace $0x9000004D  }
0x92: {  	s0 =	stileid.u32;
	[bflag:$0x2] =	sbarrier.arrive $0xFFFF  }
0x93: {  	p0 =	sne.s32 s0, $0x0;
	s0 =	rddreg [dreg:$0x1]  }
0x94: {  	s0 =	sadd.s32 @!p0 $0x100000, s0  }
0x95: {  	[sflag:s0] =	ssyncadd.tile.s32 @!p0 $0x1;
	_ =	shalt  }
.Lfunc_end2:
_tile_overlayer_lowered:
.L_overlay_start_2:
0x96: {  	(tag) =	ssettag $0x2  }
0x97: {  	s0 =	rddreg [dreg:$0x0];
	s2 =	stileid.u32  }
0x98: {  	s1 =	rddreg [dreg:$0x1];
	p0 =	sne.s32 s2, $0x0  }
0x99: {  	s3 =	rddreg [dreg:$0x2];
	[bflag:$0x3] =	sbarrier.arrive $0xFFFF;
	s2 =	simm.s32 @!p0 $0x1C03  }
0x9a: {  	[timem:s3], [sflag:s2] =	dma.local @!p0 [hbm:s0], s1  }
0x9b: {  	s0 =	simm.s32 @!p0 $0x3  }
0x9c: {  	_ =	swait.ge @!p0 [sflag:s0], s1  }
0x9d: {  	s1 =	ssub.s32 @!p0 $0x0, s1;
	[sflag:s0] =	ssyncset.done @!p0 $0x0  }
0x9e: {  	[sflag:s0] =	ssyncadd.s32 @!p0 s1  }
0x9f: {  	[bflag:$0x3] =	sbarrier.arrive $0xFFFF  }
0xa0: {  	_ =	shalt  }

// kernel: kernel.21.cloned.1.call-start
scs
__scs_entry_jumppad:
0x0: {  	(pc) =	sbr.rel $0x88, $3  }
0x1: {  	(tag) =	ssettag $0x0;
	lr =	simm.s32 $0x1  }
0x2: {  	[smem:$0x3F9C] =	sst lr;
	_ =	strace $0xD0000000  }
0x3: {  	_ = 	snop  }
0x4: {  	_ = 	snop  }
0x5: {  	_ = 	snop  }
0x6: {  	_ = 	snop  }
0x7: {  	_ = 	snop  }
__scs_overlays_trampoline_lowered:
0x8: {  	[smem:$0x3FAB] =	sst s0  }
0x9: {  	[smem:$0x3FAC] =	sst s1  }
0xa: {  	[smem:$0x3FAD] =	sst s2  }
0xb: {  	[smem:$0x3FAE] =	sst s3  }
0xc: {  	[smem:$0x3FAF] =	sst s4  }
0xd: {  	[smem:$0x3FB0] =	sst s5  }
0xe: {  	[smem:$0x3FB1] =	sst s6  }
0xf: {  	[smem:$0x3FB2] =	sst s7  }
0x10: {  	[smem:$0x3FB3] =	sst s8  }
0x11: {  	[smem:$0x3FB4] =	sst s9;
	s0 =	simm.s32 @!p0 $0x0  }
0x12: {  	s1 =	sld [smem:$0x3F9A];
	s0 =	simm.s32 @p0 $0x1  }
0x13: {  	[smem:$0x3FB5] =	sst s0;
	s0 =	simm.s32 @!p1 $0x0  }
0x14: {  	s2 =	sld [smem:$0x3F99];
	s0 =	simm.s32 @p1 $0x1  }
0x15: {  	[smem:$0x3FB6] =	sst s0;
	s0 =	simm.s32 @!p2 $0x0  }
0x16: {  	s3 =	sld [smem:$0x3FDB];
	s0 =	simm.s32 @p2 $0x1  }
0x17: {  	s4 =	simm.s32 $0x1BF5;
	[smem:$0x3FB8] =	sst s0  }
0x18: {  	s0 =	sld [smem:$0x3F9B];
	_ =	swait.ge [sflag:s4], $0x0  }
0x19: {  	s7 =	sld [smem:$0x3F9C]  }
0x1a: {  	s8 =	sadd.s32 $0xFFFFE003, lr  }
0x1b: {  	s9 =	sadd.s32 $0xFFFFFEF7, lr;
	s5 =	simm.s32 $0xFFFFFFFF;
	p2 =	slt.u32 s8, $0xFFFFF086  }
0x1c: {  	p1 =	slt.u32 s9, $0xF7A;
	s5 =	simm.s32 @!p2 $0x0  }
0x1d: {  	s5 =	simm.s32 @p1 $0x1;
	p0 =	seq.s32 s7, s2  }
0x1e: {  	s7 =	smul.u32 @!p0 $0xF7A, s2;
	p2 =	seq.s32 @!p0 s5, $0x0  }
0x1f: {  	s9 =	smul.u32 $0xF7A, s1;
	s8 =	simm.s32 @!p0 $0x1BF5;
	p2 =	por !p2, p0  }
0x20: {  	[sflag:s8] =	ssyncset.s32 @!p0 $0xFFFFF086;
	s6 =	sadd.s32 @!p0 s3, s7;
	s7 =	simm.s32 @!p0 $0x108  }
0x21: {  	s3 =	sadd.s32 s3, s9;
	s6 =	sadd.s32 @!p0 $0x88, s6;
	s7 =	simm.s32 @p2 $0x1082  }
0x22: {  	[simem:s7], [sflag:s8] =	dma.local @!p0 [hbm:s6], $0xF7A  }
0x23: {  	s9 =	sor.u32 $0xD0000000, s2;
	s6 =	simm.s32 $0x108;
	_ =	swait.ge @!p0 [sflag:s8], $0x0  }
0x24: {  	s3 =	sadd.s32 $0x88, s3;
	s6 =	simm.s32 @!p1 $0x1082;
	[sflag:s4] =	ssyncset.s32 $0xFFFFF086  }
0x25: {  	[simem:s6], [sflag:s4] =	dma.local [hbm:s3], $0xF7A  }
0x26: {  	[smem:$0x3F9C] =	sst s1;
	(tag) =	ssettag s2;
	_ =	strace s9  }
0x27: {  	s1 =	sld [smem:$0x3FAC]  }
0x28: {  	s2 =	sld [smem:$0x3FAD]  }
0x29: {  	s4 =	sld [smem:$0x3FAF]  }
0x2a: {  	p0 =	seq.s32 s5, $0x0;
	s5 =	sld [smem:$0x3FB0]  }
0x2b: {  	s6 =	sld [smem:$0x3FB1]  }
0x2c: {  	s7 =	sld [smem:$0x3FB2]  }
0x2d: {  	s3 =	simm.s32 $0x108;
	s8 =	sld [smem:$0x3FB3]  }
0x2e: {  	s3 =	simm.s32 @!p0 $0x1082;
	s9 =	sld [smem:$0x3FB4]  }
0x2f: {  	lr =	sadd.s32 s0, s3;
	s0 =	sld [smem:$0x3FAB]  }
0x30: {  	s3 =	sld [smem:$0x3FAE]  }
0x31: {  	[smem:$0x3FB7] =	sst s10  }
0x32: {  	s10 =	sld [smem:$0x3FB5];
	_ =	sdelay $0x3  }
0x33: {  	p0 =	seq.s32 s10, $0x1;
	s10 =	sld [smem:$0x3FB7];
	_ =	sdelay $0x3  }
0x34: {  	[smem:$0x3FB7] =	sst s10  }
0x35: {  	s10 =	sld [smem:$0x3FB6];
	_ =	sdelay $0x3  }
0x36: {  	p1 =	seq.s32 s10, $0x1;
	s10 =	sld [smem:$0x3FB7];
	_ =	sdelay $0x3  }
0x37: {  	[smem:$0x3FB7] =	sst s10  }
0x38: {  	s10 =	sld [smem:$0x3FB8]  }
0x39: {  	_ = 	snop;
	(pc) =	sbr.ind lr, $3  }
0x3a: {  	_ = 	snop  }
0x3b: {  	_ = 	snop  }
0x3c: {  	p2 =	seq.s32 s10, $0x1;
	s10 =	sld [smem:$0x3FB7]  }
0x3d: {  	_ =	shalt  }
0x3e: {  	_ =	shalt  }
0x3f: {  	_ =	shalt  }
0x40: {  	_ =	shalt  }
0x41: {  	_ =	shalt  }
0x42: {  	_ =	shalt  }
0x43: {  	_ =	shalt  }
0x44: {  	_ =	shalt  }
0x45: {  	_ =	shalt  }
0x46: {  	_ =	shalt  }
0x47: {  	_ =	shalt  }
0x48: {  	_ =	shalt  }
0x49: {  	_ =	shalt  }
0x4a: {  	_ =	shalt  }
0x4b: {  	_ =	shalt  }
0x4c: {  	_ =	shalt  }
0x4d: {  	_ =	shalt  }
0x4e: {  	_ =	shalt  }
0x4f: {  	_ =	shalt  }
0x50: {  	_ =	shalt  }
0x51: {  	_ =	shalt  }
0x52: {  	_ =	shalt  }
0x53: {  	_ =	shalt  }
0x54: {  	_ =	shalt  }
0x55: {  	_ =	shalt  }
0x56: {  	_ =	shalt  }
0x57: {  	_ =	shalt  }
0x58: {  	_ =	shalt  }
0x59: {  	_ =	shalt  }
0x5a: {  	_ =	shalt  }
0x5b: {  	_ =	shalt  }
0x5c: {  	_ =	shalt  }
0x5d: {  	_ =	shalt  }
0x5e: {  	_ =	shalt  }
0x5f: {  	_ =	shalt  }
0x60: {  	_ =	shalt  }
0x61: {  	_ =	shalt  }
0x62: {  	_ =	shalt  }
0x63: {  	_ =	shalt  }
0x64: {  	_ =	shalt  }
0x65: {  	_ =	shalt  }
0x66: {  	_ =	shalt  }
0x67: {  	_ =	shalt  }
0x68: {  	_ =	shalt  }
0x69: {  	_ =	shalt  }
0x6a: {  	_ =	shalt  }
0x6b: {  	_ =	shalt  }
0x6c: {  	_ =	shalt  }
0x6d: {  	_ =	shalt  }
0x6e: {  	_ =	shalt  }
0x6f: {  	_ =	shalt  }
0x70: {  	_ =	shalt  }
0x71: {  	_ =	shalt  }
0x72: {  	_ =	shalt  }
0x73: {  	_ =	shalt  }
0x74: {  	_ =	shalt  }
0x75: {  	_ =	shalt  }
0x76: {  	_ =	shalt  }
0x77: {  	_ =	shalt  }
0x78: {  	_ =	shalt  }
0x79: {  	_ =	shalt  }
0x7a: {  	_ =	shalt  }
0x7b: {  	_ =	shalt  }
0x7c: {  	_ =	shalt  }
0x7d: {  	_ =	shalt  }
0x7e: {  	_ =	shalt  }
0x7f: {  	_ =	shalt  }
0x80: {  	_ =	shalt  }
0x81: {  	_ =	shalt  }
0x82: {  	_ =	shalt  }
0x83: {  	_ =	shalt  }
0x84: {  	_ =	shalt  }
0x85: {  	_ =	shalt  }
0x86: {  	_ =	shalt  }
0x87: {  	_ =	shalt  }
.Lfunc_end0:
.L_simem_size_0:
called_computation.3_lowered:
.L_overlay_start_0:
0x88: {  	s2 =	sld [smem:$0x3FD9]  }
0x89: {  	s3 =	sld [smem:$0x3FFE];
	_ =	sdelay $0x1  }
0x8a: {  	s1 =	srdreg.scid  }
0x8b: {  	s0 =	sand.u32 $0x1, s1  }
0x8c: {  	s17 =	sshll.u32 s0, $0xA;
	s2 =	sadd.s32 s3, s2  }
0x8d: {  	s2 =	sadd.s32 s2, s17  }
0x8e: {  	[smem:$0x3FC3] =	sst s2  }
0x8f: {  	_ = 	snop  }
0x90: {  	(tm) =	ssettm $0x1  }
0x91: {  	s18 =	sld [smem:$0x3FFB];
	_ =	sdelay $0x3  }
0x92: {  	_ =	strace s18  }
0x93: {  	s2 =	sld [smem:$0x3FFC];
	_ =	sdelay $0x3  }
0x94: {  	_ =	strace s2  }
0x95: {  	s2 =	sld [smem:$0x3FFD];
	_ =	sdelay $0x3  }
0x96: {  	_ =	strace s2  }
0x97: {  	_ =	strace $0x8FFFFFFF  }
0x98: {  	s19 =	sld [smem:$0x3FDB];
	_ =	sdelay $0x1  }
0x99: {  	s20 =	simm.s32 $_scs_section_size  }
0x9a: {  	s4 =	simm.s32 $_size__tile_overlayer_lowered;
	s5 =	simm.s32 $_tile_overlayer_lowered  }
0x9b: {  	s6 =	simm.s32 $0x1BFF;
	s21 =	sshll.u32 s5, $0x1;
	s3 =	sadd.s32 s20, s19  }
0x9c: {  	s22 =	simm.s32 $0x0;
	s4 =	sshll.u32 s4, $0x1;
	s5 =	sadd.s32 s21, s3  }
0x9d: {  	[timem:s22], [sflag:s6] =	dma.local [hbm:s5], s4  }
0x9e: {  	_ =	swait.ge [sflag:s6], s4  }
0x9f: {  	s4 =	ssub.s32 $0x0, s4;
	[sflag:s6] =	ssyncset.done $0x0  }
0xa0: {  	[sflag:s6] =	ssyncadd.s32 s4;
	_ =	sdelay $0x1  }
0xa1: {  	s23 =	simm.s32 $0x1B8B  }
0xa2: {  	_ =	swait.ge [sflag:s23], $0x1  }
0xa3: {  	[sflag:s23] =	ssyncset.done $0x0  }
0xa4: {  	[sflag:s23] =	ssyncadd.s32 $0xFFFFFFFF  }
0xa5: {  	s4 =	sld [smem:$0x0]  }
0xa6: {  	s5 =	sand.u32 $0xFFFFFFFE, s1  }
0xa7: {  	p0 =	sne.s32 s1, s5  }
0xa8: {  	s5 =	sshll.u32 @p0 s5, $0xE  }
0xa9: {  	s5 =	sadd.s32 @p0 $0x11B8D, s5;
	s6 =	sshll.u32 @p0 s4, $0x11  }
0xaa: {  	s5 =	sor.u32 @p0 s6, s5  }
0xab: {  	[sflag:s5] =	ssyncadd.remote.s32 @p0 $0x1;
	_ =	sdelay $0x1  }
0xac: {  	s5 =	simm.s32 @p0 $0x1B8D  }
0xad: {  	_ =	swait.eq @p0 [sflag:s5], $0x1  }
0xae: {  	[sflag:s5] =	ssyncadd.s32 @p0 $0xFFFFFFFF  }
0xaf: {  	s6 =	sshll.u32 @!p0 s1, $0xE  }
0xb0: {  	s6 =	sor.u32 @!p0 $0x4000, s6;
	s5 =	simm.s32 @!p0 $0x1B8D  }
0xb1: {  	s4 =	sshll.u32 @!p0 s4, $0x11;
	s6 =	sadd.s32 @!p0 $0x11B8D, s6;
	_ =	swait.eq @!p0 [sflag:s5], $0x1  }
0xb2: {  	s4 =	sor.u32 @!p0 s4, s6;
	[sflag:s5] =	ssyncadd.s32 @!p0 $0xFFFFFFFF  }
0xb3: {  	s25 =	simm.s32 $0x1B8E;
	s24 =	sld [smem:$0x3FFE];
	[sflag:s4] =	ssyncadd.remote.s32 @!p0 $0x1  }
0xb4: {  	s26 =	simm.s32 $execute0_lowered;
	[smem:$0x3FD2] =	sst s25  }
0xb5: {  	s5 =	sshll.u32 s26, $0x1;
	_ =	strace $0x8000004F;
	[dreg:$0x1] =	wrdreg $0xFFFFFFFF  }
0xb6: {  	s28 =	simm.s32 $_size_execute0_lowered;
	s3 =	sadd.s32 s3, s5;
	[dreg:$0x0] =	wrdreg $0x0  }
0xb7: {  	s5 =	sshll.u32 s28, $0x1;
	[dreg:$0x2] =	wrdreg s3  }
0xb8: {  	[dreg:$0x3] =	wrdreg s5  }
0xb9: {  	[dreg:$0x4] =	wrdreg $0xC0  }
0xba: {  	_ =	task [dreg:s22], $0x5FFFF  }
0xbb: {  	[dreg:$0x1] =	wrdreg $0xFFFFFFFF  }
0xbc: {  	[dreg:$0x0] =	wrdreg $0x60  }
0xbd: {  	[dreg:$0x2] =	wrdreg s24  }
0xbe: {  	[dreg:$0x3] =	wrdreg $0x9  }
0xbf: {  	_ =	task.clear_ibuf [dreg:s22], $0x4FFFF;
	_ =	strace $0x9000004F  }
0xc0: {  	s29 =	simm.s32 $0x9;
	_ =	strace $0x80000051  }
0xc1: {  	_ =	swait.ge [sflag:s29], $0x1  }
0xc2: {  	[sflag:s29] =	ssyncadd.s32 $0xFFFFFFFF  }
0xc3: {  	_ =	strace $0x90000051  }
0xc4: {  	_ =	sfence  }
0xc5: {  	s30 =	sld [smem:$0x0];
	_ =	sdelay $0x2  }
0xc6: {  	s31 =	sshll.u32 s1, $0xD;
	s1 =	sshrl.u32 s1, $0x2  }
0xc7: {  	s4 =	sand.u32 $0x4000, s31;
	s1 =	sadd.s32 s1, s30  }
0xc8: {  	s0 =	sor.u32 s4, s0;
	s1 =	sshll.u32 s1, $0x11  }
0xc9: {  	s0 =	sor.u32 s1, s0  }
0xca: {  	s0 =	sadd.s32 $0x8F2B, s0  }
0xcb: {  	[sflag:s0] =	ssyncadd.remote.s32 $0x1  }
0xcc: {  	_ =	sfence.sel $0xFFFF  }
0xcd: {  	[dreg:$0x0] =	wrdreg $0xFFFFFFFF;
	(pc) =	sbr.abs _section_cstart, $3  }
0xce: {  	[dreg:$0x1] =	wrdreg $0xFFFFFFFF  }
0xcf: {  	_ =	task.clear_ibuf [dreg:s22], $0x2FFFF;
	_ =	strace $0x9FFFFFFF  }
0xd0: {  	(tm) =	ssettm $0x7FFFFFFF  }
0xd1: {  	_ =	shalt  }
tec
execute0_lowered:
.L_overlay_start_1:
0x0: {  	(tag) =	ssettag $0x1  }
0x1: {  	s1 =	srdreg.scid  }
0x2: {  	s0 =	stileid.u32;
	s8 =	sand.u32 $0x1, s1  }
0x3: {  	s6 =	rddreg [dreg:$0x0];
	s11 =	sshll.u32 s0, $0x8;
	s2 =	sshll.u32 s8, $0x7  }
0x4: {  	s12 =	simm.s32 $0x10000;
	s1 =	sor.u32 s2, s11;
	s2 =	simm.s32 $0x0  }
0x5: {  	s13 =	simm.s32 $0x10080;
	s14 =	simm.s32 $0x800;
	[smem:$0x7FF] =	sst s2  }
0x6: {  	s15 =	simm.s32 $0x1000;
	_ =	strace $0x80000050;
	[dreg:$0x4] =	wrdreg s12  }
0x7: {  	s16 =	simm.s32 $0x1800;
	s17 =	simm.s32 $0x2000;
	[dreg:$0x5] =	wrdreg s13  }
0x8: {  	s18 =	simm.s32 $0x2800;
	s20 =	simm.s32 $0x3000;
	[dreg:$0x6] =	wrdreg s14  }
0x9: {  	s21 =	simm.s32 $0x3800;
	s22 =	simm.s32 $0x4000;
	[dreg:$0x7] =	wrdreg s15  }
0xa: {  	s10 =	simm.s32 $0x4800;
	s23 =	simm.s32 $0x5000;
	[dreg:$0x8] =	wrdreg s16  }
0xb: {  	s24 =	simm.s32 $0x5800;
	s25 =	simm.s32 $0x6000;
	[dreg:$0x9] =	wrdreg s17  }
0xc: {  	s26 =	simm.s32 $0x6800;
	s30 =	simm.s32 $0x7000;
	[dreg:$0xa] =	wrdreg s18  }
0xd: {  	s31 =	simm.s32 $0x7800;
	s28 =	simm.s32 $0x2;
	[dreg:$0xb] =	wrdreg s20  }
0xe: {  	s29 =	simm.s32 $0x0;
	s5 =	sshll.u32 s0, $0xF;
	[dreg:$0xc] =	wrdreg s21  }
0xf: {  	s9 =	sadd.s32 s5, s6;
	s19 =	ssub.s32 $0x2, s8;
	[dreg:$0xd] =	wrdreg s22  }
0x10: {  	s5 =	sadd.s32 $0x5C2E00, s6;
	s8 =	sshll.u32 s8, $0xE;
	[dreg:$0xe] =	wrdreg s10  }
0x11: {  	s7 =	sshrl.u32 s19, $0x1;
	s8 =	sadd.s32 s8, s9;
	[dreg:$0xf] =	wrdreg s23  }
0x12: {  	s9 =	simm.s32 $0x3;
	s11 =	simm.s32 $0x8800;
	[dreg:$0x10] =	wrdreg s24  }
0x13: {  	s3 =	sor.u32 $0x1000, s1;
	s7 =	ssub.s32 s19, s7;
	[dreg:$0x11] =	wrdreg s25  }
0x14: {  	s8 =	sadd.s32 $0x2200, s8;
	s19 =	simm.s32 $0xC800;
	[dreg:$0x12] =	wrdreg s26  }
0x15: {  	s3 =	sshrl.u32 s3, $0x3;
	s7 =	smax.u32 s7, $0x1;
	[dreg:$0x13] =	wrdreg s30  }
0x16: {  	s10 =	simm.s32 $0x8000;
	s12 =	simm.s32 $0x9000;
	s13 =	simm.s32 $0x9800  }
0x17: {  	s14 =	simm.s32 $0xA000;
	s15 =	simm.s32 $0xA800;
	s16 =	simm.s32 $0xB000  }
0x18: {  	s17 =	simm.s32 $0xB800;
	s18 =	simm.s32 $0xC000;
	s20 =	simm.s32 $0xD000  }
0x19: {  	s21 =	simm.s32 $0xD800;
	s22 =	simm.s32 $0xE000;
	s23 =	simm.s32 $0xE800  }
0x1a: {  	s24 =	simm.s32 $0xF000;
	s25 =	simm.s32 $0xF800;
	s3 =	sadd.s32 s3, s6  }
0x1b: {  	v2 =	vlaneseq.u32;
	[dreg:$0x14] =	wrdreg s31;
	s4 =	sadd.s32 $0x142400, s3;
	s3 =	sadd.s32 $0x142800, s3  }
0x1c: {  	vm0 =	vmmov $0xffff;
	v1 =	vshrl.u32 v2, $0x3;
	s26 =	simm.s32 $0x1;
	[dreg:$0x3] =	wrdreg s3;
	s3 =	sadd.s32 $0x5C2C00, s6  }
0x1d: {  	v0 =	vand.u32 $0x7, v2;
	v2 =	vor.u32 $0x8, v2;
	v1 =	vmul.u32 $0x8, v1;
	[dreg:$0x2] =	wrdreg s4;
	s4 =	sadd.s32 $0x5C2D00, s6;
	s6 =	sadd.s32 $0x5C2F00, s6  }
.LBB2_1:
0x1e: {  	s30 =	smov.u32 s8;
	s31 =	simm.s32 $0x0  }
.LBB2_2:
0x1f: {  	s1 =	rddreg [dreg:$0x3]  }
0x20: {  	s0 =	rddreg [dreg:$0x4];
	s1 =	sadd.s32 s31, s1  }
0x21: {  	[tilespmem:s0], [sflag:$0x3] =	stream.linear.gather [hbm4b:s1+s2], $0x20, $0x38;
	[tilespmem:$0x10100] =	vst v63  }
0x22: {  	_ =	swait.ge [sflag:s9], $0x20  }
0x23: {  	s0 =	rddreg [dreg:$0x2];
	[sflag:s9] =	ssyncset.done $0x0  }
0x24: {  	s1 =	rddreg [dreg:$0x5];
	[sflag:s9] =	ssyncadd.s32 $0xFFFFFFE0;
	s0 =	sadd.s32 s31, s0  }
0x25: {  	[tilespmem:s1], [sflag:$0x3] =	stream.linear.gather [hbm4b:s0+s2], $0x20, $0x38;
	[tilespmem:$0x10100] =	vst v63  }
0x26: {  	_ =	swait.ge [sflag:s9], $0x20  }
0x27: {  	[sflag:s9] =	ssyncset.done $0x0  }
0x28: {  	[sflag:s9] =	ssyncadd.s32 $0xFFFFFFE0  }
0x29: {  	v3 =	vld [tilespmem:$0x10000];
	_ =	sdelay $0x4  }
0x2a: {  	v4 =	vshll.u32 v3, $0x3  }
0x2b: {  	v3 =	vand.u32 $0x7, v3;
	v4 =	vand.u32 $0xFFFFFFC0, v4  }
0x2c: {  	v3 =	vor.u32 v3, v4  }
0x2d: {  	v4 =	vperm.xlane v3, v0;
	_ =	sdelay $0x1  }
0x2e: {  	v4 =	vadd.s32 v1, v4;
	_ =	sdelay $0x4  }
0x2f: {  	[tilespmem:s2], [sflag:$0x1] =	stream.indirect_vreg.gather [hbm4b:s3+s2], $0x80, v4, vm0, $0xb8;
	[tilespmem:$0x10100] =	vst v63  }
0x30: {  	s0 =	rddreg [dreg:$0x6];
	v3 =	vperm.xlane v3, v2  }
0x31: {  	[tilespmem:s0], [sflag:$0x1] =	stream.indirect_vreg.gather [hbm4b:s4+s2], $0x80, v4, vm0, $0xb8;
	[tilespmem:$0x10100] =	vst v63  }
0x32: {  	s1 =	rddreg [dreg:$0x7];
	v3 =	vadd.s32 v1, v3  }
0x33: {  	[tilespmem:s1], [sflag:$0x1] =	stream.indirect_vreg.gather [hbm4b:s5+s2], $0x80, v4, vm0, $0xb8;
	[tilespmem:$0x10100] =	vst v63  }
0x34: {  	s0 =	rddreg [dreg:$0x8]  }
0x35: {  	[tilespmem:s0], [sflag:$0x1] =	stream.indirect_vreg.gather [hbm4b:s6+s2], $0x80, v4, vm0, $0xb8;
	[tilespmem:$0x10100] =	vst v63  }
0x36: {  	s1 =	rddreg [dreg:$0x9]  }
0x37: {  	[tilespmem:s1], [sflag:$0x1] =	stream.indirect_vreg.gather [hbm4b:s3+s2], $0x80, v3, vm0, $0xb8;
	[tilespmem:$0x10100] =	vst v63  }
0x38: {  	s0 =	rddreg [dreg:$0xa]  }
0x39: {  	[tilespmem:s0], [sflag:$0x1] =	stream.indirect_vreg.gather [hbm4b:s4+s2], $0x80, v3, vm0, $0xb8;
	[tilespmem:$0x10100] =	vst v63  }
0x3a: {  	s1 =	rddreg [dreg:$0xb]  }
0x3b: {  	[tilespmem:s1], [sflag:$0x1] =	stream.indirect_vreg.gather [hbm4b:s5+s2], $0x80, v3, vm0, $0xb8;
	[tilespmem:$0x10100] =	vst v63  }
0x3c: {  	s0 =	rddreg [dreg:$0xc]  }
0x3d: {  	[tilespmem:s0], [sflag:$0x1] =	stream.indirect_vreg.gather [hbm4b:s6+s2], $0x80, v3, vm0, $0xb8;
	[tilespmem:$0x10100] =	vst v63  }
0x3e: {  	v3 =	vld [tilespmem:$0x10010];
	_ =	sdelay $0x4  }
0x3f: {  	v61 =	vshll.u32 v3, $0x3  }
0x40: {  	v3 =	vand.u32 $0x7, v3;
	v4 =	vand.u32 $0xFFFFFFC0, v61  }
0x41: {  	v3 =	vor.u32 v3, v4  }
0x42: {  	v4 =	vperm.xlane v3, v0;
	_ =	sdelay $0x1  }
0x43: {  	v4 =	vadd.s32 v1, v4;
	_ =	sdelay $0x3  }
0x44: {  	s0 =	rddreg [dreg:$0xd]  }
0x45: {  	[tilespmem:s0], [sflag:$0x1] =	stream.indirect_vreg.gather [hbm4b:s3+s2], $0x80, v4, vm0, $0xb8;
	[tilespmem:$0x10100] =	vst v63  }
0x46: {  	s1 =	rddreg [dreg:$0xe];
	v3 =	vperm.xlane v3, v2  }
0x47: {  	[tilespmem:s1], [sflag:$0x1] =	stream.indirect_vreg.gather [hbm4b:s4+s2], $0x80, v4, vm0, $0xb8;
	[tilespmem:$0x10100] =	vst v63  }
0x48: {  	v3 =	vadd.s32 v1, v3;
	s0 =	rddreg [dreg:$0xf]  }
0x49: {  	[tilespmem:s0], [sflag:$0x1] =	stream.indirect_vreg.gather [hbm4b:s5+s2], $0x80, v4, vm0, $0xb8;
	[tilespmem:$0x10100] =	vst v63  }
0x4a: {  	s1 =	rddreg [dreg:$0x10]  }
0x4b: {  	[tilespmem:s1], [sflag:$0x1] =	stream.indirect_vreg.gather [hbm4b:s6+s2], $0x80, v4, vm0, $0xb8;
	[tilespmem:$0x10100] =	vst v63  }
0x4c: {  	s0 =	rddreg [dreg:$0x11]  }
0x4d: {  	[tilespmem:s0], [sflag:$0x1] =	stream.indirect_vreg.gather [hbm4b:s3+s2], $0x80, v3, vm0, $0xb8;
	[tilespmem:$0x10100] =	vst v63  }
0x4e: {  	s1 =	rddreg [dreg:$0x12]  }
0x4f: {  	[tilespmem:s1], [sflag:$0x1] =	stream.indirect_vreg.gather [hbm4b:s4+s2], $0x80, v3, vm0, $0xb8;
	[tilespmem:$0x10100] =	vst v63  }
0x50: {  	s0 =	rddreg [dreg:$0x13]  }
0x51: {  	[tilespmem:s0], [sflag:$0x1] =	stream.indirect_vreg.gather [hbm4b:s5+s2], $0x80, v3, vm0, $0xb8;
	[tilespmem:$0x10100] =	vst v63  }
0x52: {  	s1 =	rddreg [dreg:$0x14]  }
0x53: {  	[tilespmem:s1], [sflag:$0x1] =	stream.indirect_vreg.gather [hbm4b:s6+s2], $0x80, v3, vm0, $0xb8;
	[tilespmem:$0x10100] =	vst v63  }
0x54: {  	v3 =	vld [tilespmem:$0x10080];
	_ =	sdelay $0x4  }
0x55: {  	v62 =	vshll.u32 v3, $0x3  }
0x56: {  	v3 =	vand.u32 $0x7, v3;
	v4 =	vand.u32 $0xFFFFFFC0, v62  }
0x57: {  	v3 =	vor.u32 v3, v4  }
0x58: {  	v4 =	vperm.xlane v3, v0;
	_ =	sdelay $0x1  }
0x59: {  	v4 =	vadd.s32 v1, v4;
	_ =	sdelay $0x4  }
0x5a: {  	[tilespmem:s10], [sflag:$0x2] =	stream.indirect_vreg.gather [hbm4b:s3+s2], $0x80, v4, vm0, $0xb8;
	[tilespmem:$0x10100] =	vst v63  }
0x5b: {  	v3 =	vperm.xlane v3, v2  }
0x5c: {  	[tilespmem:s11], [sflag:$0x2] =	stream.indirect_vreg.gather [hbm4b:s4+s2], $0x80, v4, vm0, $0xb8;
	[tilespmem:$0x10100] =	vst v63  }
0x5d: {  	v3 =	vadd.s32 v1, v3  }
0x5e: {  	[tilespmem:s12], [sflag:$0x2] =	stream.indirect_vreg.gather [hbm4b:s5+s2], $0x80, v4, vm0, $0xb8;
	[tilespmem:$0x10100] =	vst v63  }
0x5f: {  	_ = 	snop  }
0x60: {  	[tilespmem:s13], [sflag:$0x2] =	stream.indirect_vreg.gather [hbm4b:s6+s2], $0x80, v4, vm0, $0xb8;
	[tilespmem:$0x10100] =	vst v63  }
0x61: {  	_ = 	snop  }
0x62: {  	[tilespmem:s14], [sflag:$0x2] =	stream.indirect_vreg.gather [hbm4b:s3+s2], $0x80, v3, vm0, $0xb8;
	[tilespmem:$0x10100] =	vst v63  }
0x63: {  	_ = 	snop  }
0x64: {  	[tilespmem:s15], [sflag:$0x2] =	stream.indirect_vreg.gather [hbm4b:s4+s2], $0x80, v3, vm0, $0xb8;
	[tilespmem:$0x10100] =	vst v63  }
0x65: {  	_ = 	snop  }
0x66: {  	[tilespmem:s16], [sflag:$0x2] =	stream.indirect_vreg.gather [hbm4b:s5+s2], $0x80, v3, vm0, $0xb8;
	[tilespmem:$0x10100] =	vst v63  }
0x67: {  	_ = 	snop  }
0x68: {  	[tilespmem:s17], [sflag:$0x2] =	stream.indirect_vreg.gather [hbm4b:s6+s2], $0x80, v3, vm0, $0xb8;
	[tilespmem:$0x10100] =	vst v63  }
0x69: {  	v3 =	vld [tilespmem:$0x10090];
	_ =	sdelay $0x4  }
0x6a: {  	v63 =	vshll.u32 v3, $0x3  }
0x6b: {  	v3 =	vand.u32 $0x7, v3;
	v4 =	vand.u32 $0xFFFFFFC0, v63  }
0x6c: {  	v3 =	vor.u32 v3, v4  }
0x6d: {  	v4 =	vperm.xlane v3, v0;
	_ =	sdelay $0x1  }
0x6e: {  	v4 =	vadd.s32 v1, v4;
	_ =	sdelay $0x4  }
0x6f: {  	[tilespmem:s18], [sflag:$0x2] =	stream.indirect_vreg.gather [hbm4b:s3+s2], $0x80, v4, vm0, $0xb8;
	[tilespmem:$0x10100] =	vst v63  }
0x70: {  	v3 =	vperm.xlane v3, v2  }
0x71: {  	[tilespmem:s19], [sflag:$0x2] =	stream.indirect_vreg.gather [hbm4b:s4+s2], $0x80, v4, vm0, $0xb8;
	[tilespmem:$0x10100] =	vst v63  }
0x72: {  	v3 =	vadd.s32 v1, v3  }
0x73: {  	[tilespmem:s20], [sflag:$0x2] =	stream.indirect_vreg.gather [hbm4b:s5+s2], $0x80, v4, vm0, $0xb8;
	[tilespmem:$0x10100] =	vst v63  }
0x74: {  	_ = 	snop  }
0x75: {  	[tilespmem:s21], [sflag:$0x2] =	stream.indirect_vreg.gather [hbm4b:s6+s2], $0x80, v4, vm0, $0xb8;
	[tilespmem:$0x10100] =	vst v63  }
0x76: {  	_ = 	snop  }
0x77: {  	[tilespmem:s22], [sflag:$0x2] =	stream.indirect_vreg.gather [hbm4b:s3+s2], $0x80, v3, vm0, $0xb8;
	[tilespmem:$0x10100] =	vst v63  }
0x78: {  	_ = 	snop  }
0x79: {  	[tilespmem:s23], [sflag:$0x2] =	stream.indirect_vreg.gather [hbm4b:s4+s2], $0x80, v3, vm0, $0xb8;
	[tilespmem:$0x10100] =	vst v63  }
0x7a: {  	_ = 	snop  }
0x7b: {  	[tilespmem:s24], [sflag:$0x2] =	stream.indirect_vreg.gather [hbm4b:s5+s2], $0x80, v3, vm0, $0xb8;
	[tilespmem:$0x10100] =	vst v63  }
0x7c: {  	_ = 	snop  }
0x7d: {  	[tilespmem:s25], [sflag:$0x2] =	stream.indirect_vreg.gather [hbm4b:s6+s2], $0x80, v3, vm0, $0xb8;
	[tilespmem:$0x10100] =	vst v63  }
0x7e: {  	_ =	swait.ge [sflag:s26], $0x8000  }
0x7f: {  	[sflag:s26] =	ssyncset.done $0x0  }
0x80: {  	[sflag:s26] =	ssyncadd.s32 $0xFFFF8000  }
0x81: {  	_ =	swait.ge [sflag:s28], $0x8000  }
0x82: {  	[sflag:s28] =	ssyncset.done $0x0  }
0x83: {  	[sflag:s28] =	ssyncadd.s32 $0xFFFF8000  }
0x84: {  	[hbm4b:s30+s2] =	stream.linear.scatter [tilespmem:s2], [sflag:$0x3], $0x8000, $0x38;
	[tilespmem:$0x10100] =	vst v63  }
0x85: {  	_ =	swait.ge [sflag:s9], $0x8000  }
0x86: {  	p0 =	sne.s32 s31, $0xC;
	[sflag:s9] =	ssyncset.done $0x0  }
.Ltmp0:
0x87: {  	s1 =	sadd.s32 $0x80000, s30;
	[sflag:s9] =	ssyncadd.s32 $0xFFFF8000;
	(pc) =	sbr.rel @p0 .LBB2_2-.Ltmp0, $4  }
0x88: {  	[hbm4b:s1+s2] =	stream.linear.scatter [tilespmem:s10], [sflag:$0x3], $0x8000, $0x38;
	[tilespmem:$0x10100] =	vst v63  }
0x89: {  	_ =	swait.ge [sflag:s9], $0x8000  }
0x8a: {  	[sflag:s9] =	ssyncset.done $0x0  }
0x8b: {  	s31 =	sadd.s32 $0x4, s31;
	s30 =	sadd.s32 $0x1000, s30;
	[sflag:s9] =	ssyncadd.s32 $0xFFFF8000  }
0x8c: {  	s29 =	sadd.s32 $0x1, s29  }
0x8d: {  	p0 =	sne.s32 s29, s7  }
.Ltmp1:
0x8e: {  	_ = 	snop;
	(pc) =	sbr.rel @p0 .LBB2_1-.Ltmp1, $1  }
0x8f: {  	_ =	sdelay $0x3  }
0x90: {  	_ =	sfence.sel $0x180000  }
0x91: {  	[bflag:$0x0] =	sbarrier.arrive $0xFFFF  }
0x92: {  	_ =	strace $0x90000050  }
0x93: {  	s0 =	stileid.u32;
	[bflag:$0x2] =	sbarrier.arrive $0xFFFF  }
0x94: {  	p0 =	sne.s32 s0, $0x0;
	s0 =	rddreg [dreg:$0x1]  }
0x95: {  	s0 =	sadd.s32 @!p0 $0x100000, s0  }
0x96: {  	[sflag:s0] =	ssyncadd.tile.s32 @!p0 $0x1;
	_ =	shalt  }
.Lfunc_end2:
_tile_overlayer_lowered:
.L_overlay_start_2:
0x97: {  	(tag) =	ssettag $0x2  }
0x98: {  	s0 =	rddreg [dreg:$0x0];
	s2 =	stileid.u32  }
0x99: {  	s1 =	rddreg [dreg:$0x1];
	p0 =	sne.s32 s2, $0x0  }
0x9a: {  	s3 =	rddreg [dreg:$0x2];
	[bflag:$0x3] =	sbarrier.arrive $0xFFFF;
	s2 =	simm.s32 @!p0 $0x1C03  }
0x9b: {  	[timem:s3], [sflag:s2] =	dma.local @!p0 [hbm:s0], s1  }
0x9c: {  	s0 =	simm.s32 @!p0 $0x3  }
0x9d: {  	_ =	swait.ge @!p0 [sflag:s0], s1  }
0x9e: {  	s1 =	ssub.s32 @!p0 $0x0, s1;
	[sflag:s0] =	ssyncset.done @!p0 $0x0  }
0x9f: {  	[sflag:s0] =	ssyncadd.s32 @!p0 s1  }
0xa0: {  	[bflag:$0x3] =	sbarrier.arrive $0xFFFF  }
0xa1: {  	_ =	shalt  }

</sc_bundles>
